<compile_context>
chip_gen: v7x
topology: tpu7x:2x2x1
jax: 0.10.2.dev20260603
libtpu: 0.0.44.dev20260713+nightly
codegen_flags: <defaults>
</compile_context>

<pallas_src>
import functools

import jax
import jax.numpy as jnp
from jax import lax
from jax.experimental import pallas as pl
from jax.experimental.pallas import tpu as pltpu
from jax.experimental.pallas import tpu_sc as plsc

IN_DIM = 256
BATCH = 1024
NS0 = 25
NS1 = 10
MID = BATCH * NS1
N2 = MID * NS0
CHUNK = 128
C2 = N2 // CHUNK
C2_PER_SC = C2 // 2
OUT_PER_SC = MID // 2
NSUB = 16
ITERS2 = -(-C2_PER_SC // NSUB)
C10 = (MID + BATCH) // CHUNK
C1 = MID // CHUNK
NW = 32
ITERS10 = -(-C10 // NW)
ROWS_PER_SUB = OUT_PER_SC // NSUB


SBR = 64
SB = MID // SBR
SB_PER_W = SB // NW
CH10 = 64
C10B = (MID + BATCH) // CH10
C1B = MID // CH10
SLOTS10 = -(-C10B // NW)


@functools.cache
def _make_sc_gather():
    mesh = plsc.VectorSubcoreMesh(core_axis_name="c", subcore_axis_name="s")

    @functools.partial(
        pl.kernel,
        mesh=mesh,
        out_type=[
            jax.ShapeDtypeStruct((MID, IN_DIM), jnp.float32),
            jax.ShapeDtypeStruct((MID, IN_DIM), jnp.float32),
            jax.ShapeDtypeStruct((BATCH, IN_DIM), jnp.float32),
        ],
        scratch_types=[
            pltpu.VMEM((NS0, SBR), jnp.int32),
            pltpu.VMEM((NS0, SBR), jnp.int32),
            pltpu.VMEM((SBR, IN_DIM), jnp.float32),
            pltpu.VMEM((SBR, IN_DIM), jnp.float32),
            pltpu.SemaphoreType.DMA,
            pltpu.SemaphoreType.DMA,
        ],
    )
    def _sc_gather(feat, idx2t, idx10, s2, g1, g0,
                   idx_a, idx_b, acc_a, acc_b, sem_a, sem_b):
        idx_sb = idx_a
        core = lax.axis_index("c")
        sub = lax.axis_index("s")
        wid = sub * 2 + core

        bufs = ((acc_a, sem_a), (acc_b, sem_b))

        def do_out10(c, buf):
            @pl.when(c < C1B)
            def _():
                pltpu.sync_copy(buf, g1.at[pl.ds(c * CH10, CH10)])

            @pl.when(c >= C1B)
            def _():
                pltpu.sync_copy(buf, g0.at[pl.ds((c - C1B) * CH10, CH10)])

        for t in range(SLOTS10):
            c = t * NW + wid
            buf, sem = bufs[t % 2]

            @pl.when(c < C10B)
            def _(c=c, buf=buf, sem=sem, t=t):
                pltpu.sync_copy(idx10.at[c], idx_sb.at[t % 2])
                pltpu.async_copy(feat.at[idx_sb.at[t % 2]], buf, sem)

            if t >= 1:
                pc = (t - 1) * NW + wid
                pbuf, psem = bufs[(t - 1) % 2]

                @pl.when(pc < C10B)
                def _(pc=pc, pbuf=pbuf, psem=psem):
                    pltpu.make_async_copy(feat.at[idx_sb.at[0]], pbuf, psem).wait()
                    do_out10(pc, pbuf)

        lc = (SLOTS10 - 1) * NW + wid
        lbuf, lsem = bufs[(SLOTS10 - 1) % 2]

        @pl.when(lc < C10B)
        def _():
            pltpu.make_async_copy(feat.at[idx_sb.at[0]], lbuf, lsem).wait()
            do_out10(lc, lbuf)

        idxs = (idx_a, idx_b)

        def fires(idxr, acc, sem):
            def fire(k, c2):
                pltpu.async_copy(feat.at[idxr.at[k]], acc, sem, add=True)
                return c2

            lax.fori_loop(1, NS0, fire, 0)

        def drains(idxr, acc, sem, sb):
            def drain(k, c2):
                pltpu.make_async_copy(feat.at[idxr.at[0]], acc, sem).wait()
                return c2

            lax.fori_loop(1, NS0, drain, 0)
            pltpu.sync_copy(acc, s2.at[pl.ds(sb * SBR, SBR)])

        for jj in range(SB_PER_W):
            sb = jj * NW + wid
            acc, sem = bufs[jj % 2]
            idxr = idxs[jj % 2]
            pltpu.sync_copy(idx2t.at[sb], idxr)
            k0 = pltpu.async_copy(feat.at[idxr.at[0]], acc, sem)
            if jj >= 1:
                pacc, psem = bufs[(jj - 1) % 2]
                drains(idxs[(jj - 1) % 2], pacc, psem, (jj - 1) * NW + wid)
            k0.wait()
            fires(idxr, acc, sem)

        lj = SB_PER_W - 1
        drains(idxs[lj % 2], bufs[lj % 2][0], bufs[lj % 2][1], lj * NW + wid)

    return _sc_gather


BM = 320
NB = MID // BM
BG = BM // NS1


def _tc_all(s2_ref, g1_ref, g0_ref, lab_ref, ws0_ref, wn0_ref, ws1_ref,
            wn1_ref, wp_ref, bp_ref, loss_ref, pred_ref, m1_s, mh1_s):
    i = pl.program_id(0)
    m2 = s2_ref[...] * (1.0 / NS0)
    g1b = g1_ref[...]
    h1 = jnp.maximum(
        jnp.dot(g1b, ws0_ref[...], preferred_element_type=jnp.float32)
        + jnp.dot(m2, wn0_ref[...], preferred_element_type=jnp.float32),
        0.0,
    )
    rows = lax.broadcasted_iota(jnp.int32, (BG, BM), 0)
    cols = lax.broadcasted_iota(jnp.int32, (BG, BM), 1)
    sel = jnp.where(cols // NS1 == rows, 1.0 / NS1, 0.0).astype(jnp.float32)
    m1_s[pl.ds(i * BG, BG), :] = jnp.dot(sel, g1b, preferred_element_type=jnp.float32)
    mh1_s[pl.ds(i * BG, BG), :] = jnp.dot(sel, h1, preferred_element_type=jnp.float32)

    @pl.when(i == NB - 1)
    def _():
        h0 = jnp.maximum(
            jnp.dot(g0_ref[...], ws0_ref[...], preferred_element_type=jnp.float32)
            + jnp.dot(m1_s[...], wn0_ref[...], preferred_element_type=jnp.float32),
            0.0,
        )
        out = (
            jnp.dot(h0, ws1_ref[...], preferred_element_type=jnp.float32)
            + jnp.dot(mh1_s[...], wn1_ref[...], preferred_element_type=jnp.float32)
        )
        nrm = jnp.sqrt(jnp.sum(out * out, axis=1, keepdims=True))
        out = out / jnp.maximum(nrm, 1e-12)
        logits = (
            jnp.dot(out, wp_ref[...], preferred_element_type=jnp.float32)
            + bp_ref[...]
        )
        mx = jnp.max(logits, axis=1, keepdims=True)
        ex = jnp.exp(logits - mx)
        se = jnp.sum(ex, axis=1, keepdims=True)
        pred_ref[...] = ex / se
        logp = logits - mx - jnp.log(se)
        ocols = lax.broadcasted_iota(jnp.int32, logits.shape, 1)
        picked = jnp.sum(
            jnp.where(ocols == lab_ref[...], logp, 0.0), axis=1, keepdims=True
        )
        loss_ref[...] = jnp.reshape(-jnp.mean(picked), (1, 1))


def kernel(nodes, feat, label, neighbor_0, neighbor_1, neighbor_2,
           W_self0, W_neigh0, W_self1, W_neigh1, W_pred, b_pred):
    del nodes
    idx2t = (
        neighbor_2.astype(jnp.int32)
        .reshape(SB, SBR, NS0)
        .transpose(0, 2, 1)
    )
    idx10 = jnp.concatenate(
        [neighbor_1, neighbor_0]
    ).astype(jnp.int32).reshape(C10B, CH10)

    s2, g1, g0 = _make_sc_gather()(feat, idx2t, idx10)

    loss2d, pred = pl.pallas_call(
        _tc_all,
        grid=(NB,),
        in_specs=[
            pl.BlockSpec((BM, IN_DIM), lambda i: (i, 0)),
            pl.BlockSpec((BM, IN_DIM), lambda i: (i, 0)),
            pl.BlockSpec((BATCH, IN_DIM), lambda i: (0, 0)),
            pl.BlockSpec((BATCH, 1), lambda i: (0, 0)),
            pl.BlockSpec((IN_DIM, IN_DIM), lambda i: (0, 0)),
            pl.BlockSpec((IN_DIM, IN_DIM), lambda i: (0, 0)),
            pl.BlockSpec((IN_DIM, IN_DIM), lambda i: (0, 0)),
            pl.BlockSpec((IN_DIM, IN_DIM), lambda i: (0, 0)),
            pl.BlockSpec((IN_DIM, 64), lambda i: (0, 0)),
            pl.BlockSpec((1, 64), lambda i: (0, 0)),
        ],
        out_specs=[
            pl.BlockSpec((1, 1), lambda i: (0, 0)),
            pl.BlockSpec((BATCH, 64), lambda i: (0, 0)),
        ],
        out_shape=[
            jax.ShapeDtypeStruct((1, 1), jnp.float32),
            jax.ShapeDtypeStruct((BATCH, 64), jnp.float32),
        ],
        scratch_shapes=[
            pltpu.VMEM((BATCH, IN_DIM), jnp.float32),
            pltpu.VMEM((BATCH, IN_DIM), jnp.float32),
        ],
    )(s2, g1, g0, label, W_self0, W_neigh0, W_self1, W_neigh1,
      W_pred, b_pred.reshape(1, 64))
    return loss2d.reshape(()), pred

# --- scband reference (transcript-rebuilt; emitter-appended) ---
"""Pipeline reference for scband-graph-sage-24386824306730 (READ-ONLY COPY).

The authoritative reference and input builder live on the scoring server;
editing this copy changes nothing except your own understanding.
"""

import jax, jax.numpy as jnp
import numpy as np

IN_DIM = 256
LAYER_DIMS = [256, 256]
NUM_CLASSES = 64
NUM_SAMPLES = [25, 10]
N_FEAT = 50000
BATCH = 1024
WEIGHT_DECAY = 0.0


def _glorot(key, shape):
    lim = np.sqrt(6.0 / (shape[0] + shape[1]))
    return jax.random.uniform(key, shape, jnp.float32, -lim, lim)


def setup_inputs(seed: int = 0):
    key = jax.random.key(seed)
    k = jax.random.split(key, 12)
    nodes = jax.random.randint(k[0], (N_FEAT,), 0, N_FEAT)
    feat = jax.random.normal(k[1], (N_FEAT, IN_DIM), dtype=jnp.float32)
    label = jax.random.randint(k[2], (BATCH, 1), 0, NUM_CLASSES)
    neighbor_0 = jax.random.randint(k[3], (BATCH,), 0, N_FEAT)
    neighbor_1 = jax.random.randint(k[4], (BATCH * NUM_SAMPLES[1],), 0, N_FEAT)
    neighbor_2 = jax.random.randint(k[5], (BATCH * NUM_SAMPLES[1] * NUM_SAMPLES[0],), 0, N_FEAT)
    W_self0 = _glorot(k[6], (IN_DIM, LAYER_DIMS[0]))
    W_neigh0 = _glorot(k[7], (IN_DIM, LAYER_DIMS[0]))
    W_self1 = _glorot(k[8], (LAYER_DIMS[0], LAYER_DIMS[1]))
    W_neigh1 = _glorot(k[9], (LAYER_DIMS[0], LAYER_DIMS[1]))
    W_pred = _glorot(k[10], (LAYER_DIMS[1], NUM_CLASSES))
    b_pred = jnp.zeros((NUM_CLASSES,), jnp.float32)
    return {"nodes": nodes, "feat": feat, "label": label,
            "neighbor_0": neighbor_0, "neighbor_1": neighbor_1, "neighbor_2": neighbor_2,
            "W_self0": W_self0, "W_neigh0": W_neigh0,
            "W_self1": W_self1, "W_neigh1": W_neigh1,
            "W_pred": W_pred, "b_pred": b_pred}


def _forward(feat, W_self0, W_neigh0, W_self1, W_neigh1, W_pred, b_pred,
             neighbor_0, neighbor_1, neighbor_2, label):
    dims = [IN_DIM] + LAYER_DIMS
    num_layers = len(NUM_SAMPLES)
    # hidden[i] = tf.nn.embedding_lookup(feat, neighbor_list[i])
    hidden = [jnp.take(feat, nb, axis=0) for nb in (neighbor_0, neighbor_1, neighbor_2)]
    params = [(W_self0, W_neigh0), (W_self1, W_neigh1)]
    for layer in range(num_layers):
        Ws, Wn = params[layer]
        act = jax.nn.relu if layer < num_layers - 1 else (lambda x: x)
        next_hidden = []
        for hop in range(num_layers - layer):
            n_self = hidden[hop].shape[0]
            ns = NUM_SAMPLES[len(NUM_SAMPLES) - hop - 1]
            neigh = hidden[hop + 1].reshape(n_self, ns, dims[layer])
            neigh_mean = jnp.mean(neigh, axis=1)
            h = act(hidden[hop] @ Ws + neigh_mean @ Wn)
            next_hidden.append(h)
        hidden = next_hidden
    output = hidden[0]
    output = output / jnp.maximum(jnp.linalg.norm(output, axis=1, keepdims=True), 1e-12)
    node_preds = output @ W_pred + b_pred
    lab = jax.nn.one_hot(label.reshape(-1), NUM_CLASSES, dtype=jnp.float32)
    logp = jax.nn.log_softmax(node_preds, axis=-1)
    ce = -jnp.sum(lab * logp, axis=-1)
    loss = jnp.mean(ce)
    l2 = sum(0.5 * jnp.sum(v * v) for v in (W_self0, W_neigh0, W_self1, W_neigh1, W_pred, b_pred))
    loss = loss + WEIGHT_DECAY * l2
    pred = jax.nn.softmax(node_preds, axis=-1)
    return loss, pred


def reference(nodes, feat, label, neighbor_0, neighbor_1, neighbor_2,
              W_self0, W_neigh0, W_self1, W_neigh1, W_pred, b_pred):
    loss, pred = _forward(feat, W_self0, W_neigh0, W_self1, W_neigh1, W_pred, b_pred,
                          neighbor_0, neighbor_1, neighbor_2, label)
    return loss, pred

if __name__ == "__main__":
    import jax
    _d = setup_inputs()
    print(jax.jit(kernel)(*tuple(_d.values())))

</pallas_src>

<mosaic_0001>
#map = affine_map<(d0, d1) -> (0, 0)>
#map1 = affine_map<(d0, d1) -> (0, 0, 0)>
module attributes {stable_mosaic.version = 14 : i64} {
  func.func @_sc_gather(%arg0: i32, %arg1: i32, %arg2: memref<50000x256xf32, #tpu.memory_space<hbm>>, %arg3: memref<160x25x64xi32, #tpu.memory_space<hbm>>, %arg4: memref<176x64xi32, #tpu.memory_space<hbm>>, %arg5: memref<10240x256xf32, #tpu.memory_space<hbm>>, %arg6: memref<10240x256xf32, #tpu.memory_space<hbm>>, %arg7: memref<1024x256xf32, #tpu.memory_space<hbm>>, %arg8: memref<25x64xi32, #tpu.memory_space<vmem>>, %arg9: memref<25x64xi32, #tpu.memory_space<vmem>>, %arg10: memref<64x256xf32, #tpu.memory_space<vmem>>, %arg11: memref<64x256xf32, #tpu.memory_space<vmem>>, %arg12: memref<!tpu.dma_semaphore, #tpu.memory_space<semaphore_mem>>, %arg13: memref<!tpu.dma_semaphore, #tpu.memory_space<semaphore_mem>>) attributes {dimension_semantics = [#tpu.dimension_semantics<core_parallel>, #tpu.dimension_semantics<subcore_parallel>], iteration_bounds = array<i64: 2, 16>, scalar_prefetch = 0 : i64, scratch_operands = 6 : i64, tpu.core_type = #tpu.core_type<sc_vector_subcore>, window_params = [{transform_indices = #map}, {transform_indices = #map1}, {transform_indices = #map}, {transform_indices = #map}, {transform_indices = #map}, {transform_indices = #map}]} {
    %mul3A = arith.constant 2 : i32
    %mul3A_0 = arith.muli %arg1, %mul3A : i32
    %add3A = arith.addi %mul3A_0, %arg0 : i32
    %add3A_1 = arith.constant 0 : i32
    %add3A_2 = arith.addi %add3A_1, %add3A : i32
    %lt3A = arith.constant 176 : i32
    %lt3A_3 = arith.cmpi slt, %add3A_2, %lt3A : i32
    %convert_element_type3A = arith.extui %lt3A_3 : i1 to i32
    %cond3A = arith.constant 0 : i32
    %cond3A_4 = arith.cmpi ne, %convert_element_type3A, %cond3A : i32
    scf.if %cond3A_4 {
      %run_scoped3A = arith.constant 0 : i32
      "tpu.region"() ({
        %run_scoped3A_246 = tpu.sem_alloc : memref<!tpu.dma_semaphore, #tpu.memory_space<semaphore_mem>>
        %dma_start3A_247 = arith.constant 0 : i32
        %dma_start3A_248 = tpu.memref_slice %arg8[%run_scoped3A, %dma_start3A_247] : memref<25x64xi32, #tpu.memory_space<vmem>> -> memref<1x64xi32, #tpu.memory_space<vmem>>
        %dma_start3A_249 = tpu.memref_squeeze %dma_start3A_248 : memref<1x64xi32, #tpu.memory_space<vmem>> -> memref<64xi32, #tpu.memory_space<vmem>>
        %dma_start3A_250 = arith.constant 0 : i32
        %dma_start3A_251 = tpu.memref_slice %arg4[%add3A_2, %dma_start3A_250] : memref<176x64xi32, #tpu.memory_space<hbm>> -> memref<1x64xi32, #tpu.memory_space<hbm>>
        %dma_start3A_252 = tpu.memref_squeeze %dma_start3A_251 : memref<1x64xi32, #tpu.memory_space<hbm>> -> memref<64xi32, #tpu.memory_space<hbm>>
        %dma_start3A_253 = arith.constant 0 : i32
        %dma_start3A_254 = tpu.memref_slice %arg8[%run_scoped3A, %dma_start3A_253] : memref<25x64xi32, #tpu.memory_space<vmem>> -> memref<1x64xi32, #tpu.memory_space<vmem>>
        %dma_start3A_255 = tpu.memref_squeeze %dma_start3A_254 : memref<1x64xi32, #tpu.memory_space<vmem>> -> memref<64xi32, #tpu.memory_space<vmem>>
        %dma_start3A_256 = arith.constant 0 : i32
        %dma_start3A_257 = tpu.memref_slice %arg4[%add3A_2, %dma_start3A_256] : memref<176x64xi32, #tpu.memory_space<hbm>> -> memref<1x64xi32, #tpu.memory_space<hbm>>
        %dma_start3A_258 = tpu.memref_squeeze %dma_start3A_257 : memref<1x64xi32, #tpu.memory_space<hbm>> -> memref<64xi32, #tpu.memory_space<hbm>>
        tpu.enqueue_dma source(%dma_start3A_258 : memref<64xi32, #tpu.memory_space<hbm>>) target(%dma_start3A_255 : memref<64xi32, #tpu.memory_space<vmem>>) target_semaphore(%run_scoped3A_246 : memref<!tpu.dma_semaphore, #tpu.memory_space<semaphore_mem>>)
        %dma_wait3A_259 = arith.constant 0 : i32
        %dma_wait3A_260 = tpu.memref_slice %arg8[%run_scoped3A, %dma_wait3A_259] : memref<25x64xi32, #tpu.memory_space<vmem>> -> memref<1x64xi32, #tpu.memory_space<vmem>>
        %dma_wait3A_261 = tpu.memref_squeeze %dma_wait3A_260 : memref<1x64xi32, #tpu.memory_space<vmem>> -> memref<64xi32, #tpu.memory_space<vmem>>
        %dma_wait3A_262 = arith.constant 0 : i32
        %dma_wait3A_263 = tpu.memref_slice %arg4[%add3A_2, %dma_wait3A_262] : memref<176x64xi32, #tpu.memory_space<hbm>> -> memref<1x64xi32, #tpu.memory_space<hbm>>
        %dma_wait3A_264 = tpu.memref_squeeze %dma_wait3A_263 : memref<1x64xi32, #tpu.memory_space<hbm>> -> memref<64xi32, #tpu.memory_space<hbm>>
        %dma_wait3A_265 = arith.constant 0 : i32
        %dma_wait3A_266 = tpu.memref_slice %arg8[%run_scoped3A, %dma_wait3A_265] : memref<25x64xi32, #tpu.memory_space<vmem>> -> memref<1x64xi32, #tpu.memory_space<vmem>>
        %dma_wait3A_267 = tpu.memref_squeeze %dma_wait3A_266 : memref<1x64xi32, #tpu.memory_space<vmem>> -> memref<64xi32, #tpu.memory_space<vmem>>
        %dma_wait3A_268 = arith.constant 0 : i32
        %dma_wait3A_269 = tpu.memref_slice %arg4[%add3A_2, %dma_wait3A_268] : memref<176x64xi32, #tpu.memory_space<hbm>> -> memref<1x64xi32, #tpu.memory_space<hbm>>
        %dma_wait3A_270 = tpu.memref_squeeze %dma_wait3A_269 : memref<1x64xi32, #tpu.memory_space<hbm>> -> memref<64xi32, #tpu.memory_space<hbm>>
        tpu.wait_dma2 semaphore(%run_scoped3A_246 : memref<!tpu.dma_semaphore, #tpu.memory_space<semaphore_mem>>) src(%dma_wait3A_270 : memref<64xi32, #tpu.memory_space<hbm>>) dst(%dma_wait3A_267 : memref<64xi32, #tpu.memory_space<vmem>>)
        tpu.yield
      }) : () -> ()
      %dma_start3A_239 = arith.constant 0 : i32
      %dma_start3A_240 = arith.constant 0 : i32
      %dma_start3A_241 = tpu.memref_slice %arg8[%dma_start3A_239, %dma_start3A_240] : memref<25x64xi32, #tpu.memory_space<vmem>> -> memref<1x64xi32, #tpu.memory_space<vmem>>
      %dma_start3A_242 = tpu.memref_squeeze %dma_start3A_241 : memref<1x64xi32, #tpu.memory_space<vmem>> -> memref<64xi32, #tpu.memory_space<vmem>>
      %dma_start3A_243 = arith.constant 0 : i32
      %dma_start3A_244 = arith.constant 0 : i32
      %dma_start3A_245 = tpu.memref_slice %arg2[%dma_start3A_243, %dma_start3A_244] : memref<50000x256xf32, #tpu.memory_space<hbm>> -> memref<50000x256xf32, #tpu.memory_space<hbm>>
      tpu.enqueue_indirect_dma source(%dma_start3A_245 : memref<50000x256xf32, #tpu.memory_space<hbm>>) target(%arg10 : memref<64x256xf32, #tpu.memory_space<vmem>>) offsets(%dma_start3A_242 : memref<64xi32, #tpu.memory_space<vmem>>) semaphore(%arg12 : memref<!tpu.dma_semaphore, #tpu.memory_space<semaphore_mem>>)
    } else {
    }
    %add3A_5 = arith.constant 32 : i32
    %add3A_6 = arith.addi %add3A_5, %add3A : i32
    %lt3A_7 = arith.constant 176 : i32
    %lt3A_8 = arith.cmpi slt, %add3A_6, %lt3A_7 : i32
    %convert_element_type3A_9 = arith.extui %lt3A_8 : i1 to i32
    %cond3A_10 = arith.constant 0 : i32
    %cond3A_11 = arith.cmpi ne, %convert_element_type3A_9, %cond3A_10 : i32
    scf.if %cond3A_11 {
      %run_scoped3A = arith.constant 1 : i32
      "tpu.region"() ({
        %run_scoped3A_246 = tpu.sem_alloc : memref<!tpu.dma_semaphore, #tpu.memory_space<semaphore_mem>>
        %dma_start3A_247 = arith.constant 0 : i32
        %dma_start3A_248 = tpu.memref_slice %arg8[%run_scoped3A, %dma_start3A_247] : memref<25x64xi32, #tpu.memory_space<vmem>> -> memref<1x64xi32, #tpu.memory_space<vmem>>
        %dma_start3A_249 = tpu.memref_squeeze %dma_start3A_248 : memref<1x64xi32, #tpu.memory_space<vmem>> -> memref<64xi32, #tpu.memory_space<vmem>>
        %dma_start3A_250 = arith.constant 0 : i32
        %dma_start3A_251 = tpu.memref_slice %arg4[%add3A_6, %dma_start3A_250] : memref<176x64xi32, #tpu.memory_space<hbm>> -> memref<1x64xi32, #tpu.memory_space<hbm>>
        %dma_start3A_252 = tpu.memref_squeeze %dma_start3A_251 : memref<1x64xi32, #tpu.memory_space<hbm>> -> memref<64xi32, #tpu.memory_space<hbm>>
        %dma_start3A_253 = arith.constant 0 : i32
        %dma_start3A_254 = tpu.memref_slice %arg8[%run_scoped3A, %dma_start3A_253] : memref<25x64xi32, #tpu.memory_space<vmem>> -> memref<1x64xi32, #tpu.memory_space<vmem>>
        %dma_start3A_255 = tpu.memref_squeeze %dma_start3A_254 : memref<1x64xi32, #tpu.memory_space<vmem>> -> memref<64xi32, #tpu.memory_space<vmem>>
        %dma_start3A_256 = arith.constant 0 : i32
        %dma_start3A_257 = tpu.memref_slice %arg4[%add3A_6, %dma_start3A_256] : memref<176x64xi32, #tpu.memory_space<hbm>> -> memref<1x64xi32, #tpu.memory_space<hbm>>
        %dma_start3A_258 = tpu.memref_squeeze %dma_start3A_257 : memref<1x64xi32, #tpu.memory_space<hbm>> -> memref<64xi32, #tpu.memory_space<hbm>>
        tpu.enqueue_dma source(%dma_start3A_258 : memref<64xi32, #tpu.memory_space<hbm>>) target(%dma_start3A_255 : memref<64xi32, #tpu.memory_space<vmem>>) target_semaphore(%run_scoped3A_246 : memref<!tpu.dma_semaphore, #tpu.memory_space<semaphore_mem>>)
        %dma_wait3A_259 = arith.constant 0 : i32
        %dma_wait3A_260 = tpu.memref_slice %arg8[%run_scoped3A, %dma_wait3A_259] : memref<25x64xi32, #tpu.memory_space<vmem>> -> memref<1x64xi32, #tpu.memory_space<vmem>>
        %dma_wait3A_261 = tpu.memref_squeeze %dma_wait3A_260 : memref<1x64xi32, #tpu.memory_space<vmem>> -> memref<64xi32, #tpu.memory_space<vmem>>
        %dma_wait3A_262 = arith.constant 0 : i32
        %dma_wait3A_263 = tpu.memref_slice %arg4[%add3A_6, %dma_wait3A_262] : memref<176x64xi32, #tpu.memory_space<hbm>> -> memref<1x64xi32, #tpu.memory_space<hbm>>
        %dma_wait3A_264 = tpu.memref_squeeze %dma_wait3A_263 : memref<1x64xi32, #tpu.memory_space<hbm>> -> memref<64xi32, #tpu.memory_space<hbm>>
        %dma_wait3A_265 = arith.constant 0 : i32
        %dma_wait3A_266 = tpu.memref_slice %arg8[%run_scoped3A, %dma_wait3A_265] : memref<25x64xi32, #tpu.memory_space<vmem>> -> memref<1x64xi32, #tpu.memory_space<vmem>>
        %dma_wait3A_267 = tpu.memref_squeeze %dma_wait3A_266 : memref<1x64xi32, #tpu.memory_space<vmem>> -> memref<64xi32, #tpu.memory_space<vmem>>
        %dma_wait3A_268 = arith.constant 0 : i32
        %dma_wait3A_269 = tpu.memref_slice %arg4[%add3A_6, %dma_wait3A_268] : memref<176x64xi32, #tpu.memory_space<hbm>> -> memref<1x64xi32, #tpu.memory_space<hbm>>
        %dma_wait3A_270 = tpu.memref_squeeze %dma_wait3A_269 : memref<1x64xi32, #tpu.memory_space<hbm>> -> memref<64xi32, #tpu.memory_space<hbm>>
        tpu.wait_dma2 semaphore(%run_scoped3A_246 : memref<!tpu.dma_semaphore, #tpu.memory_space<semaphore_mem>>) src(%dma_wait3A_270 : memref<64xi32, #tpu.memory_space<hbm>>) dst(%dma_wait3A_267 : memref<64xi32, #tpu.memory_space<vmem>>)
        tpu.yield
      }) : () -> ()
      %dma_start3A_239 = arith.constant 1 : i32
      %dma_start3A_240 = arith.constant 0 : i32
      %dma_start3A_241 = tpu.memref_slice %arg8[%dma_start3A_239, %dma_start3A_240] : memref<25x64xi32, #tpu.memory_space<vmem>> -> memref<1x64xi32, #tpu.memory_space<vmem>>
      %dma_start3A_242 = tpu.memref_squeeze %dma_start3A_241 : memref<1x64xi32, #tpu.memory_space<vmem>> -> memref<64xi32, #tpu.memory_space<vmem>>
      %dma_start3A_243 = arith.constant 0 : i32
      %dma_start3A_244 = arith.constant 0 : i32
      %dma_start3A_245 = tpu.memref_slice %arg2[%dma_start3A_243, %dma_start3A_244] : memref<50000x256xf32, #tpu.memory_space<hbm>> -> memref<50000x256xf32, #tpu.memory_space<hbm>>
      tpu.enqueue_indirect_dma source(%dma_start3A_245 : memref<50000x256xf32, #tpu.memory_space<hbm>>) target(%arg11 : memref<64x256xf32, #tpu.memory_space<vmem>>) offsets(%dma_start3A_242 : memref<64xi32, #tpu.memory_space<vmem>>) semaphore(%arg13 : memref<!tpu.dma_semaphore, #tpu.memory_space<semaphore_mem>>)
    } else {
    }
    %add3A_12 = arith.constant 0 : i32
    %add3A_13 = arith.addi %add3A_12, %add3A : i32
    %lt3A_14 = arith.constant 176 : i32
    %lt3A_15 = arith.cmpi slt, %add3A_13, %lt3A_14 : i32
    %convert_element_type3A_16 = arith.extui %lt3A_15 : i1 to i32
    %cond3A_17 = arith.constant 0 : i32
    %cond3A_18 = arith.cmpi ne, %convert_element_type3A_16, %cond3A_17 : i32
    scf.if %cond3A_18 {
      %dma_wait3A_239 = arith.constant 0 : i32
      %dma_wait3A_240 = arith.constant 0 : i32
      %dma_wait3A_241 = tpu.memref_slice %arg8[%dma_wait3A_239, %dma_wait3A_240] : memref<25x64xi32, #tpu.memory_space<vmem>> -> memref<1x64xi32, #tpu.memory_space<vmem>>
      %dma_wait3A_242 = tpu.memref_squeeze %dma_wait3A_241 : memref<1x64xi32, #tpu.memory_space<vmem>> -> memref<64xi32, #tpu.memory_space<vmem>>
      %dma_wait3A_243 = arith.constant 0 : i32
      %dma_wait3A_244 = arith.constant 0 : i32
      %dma_wait3A_245 = tpu.memref_slice %arg2[%dma_wait3A_243, %dma_wait3A_244] : memref<50000x256xf32, #tpu.memory_space<hbm>> -> memref<50000x256xf32, #tpu.memory_space<hbm>>
      tpu.wait_indirect_dma semaphore(%arg12 : memref<!tpu.dma_semaphore, #tpu.memory_space<semaphore_mem>>) src(%dma_wait3A_245 : memref<50000x256xf32, #tpu.memory_space<hbm>>) dst(%arg10 : memref<64x256xf32, #tpu.memory_space<vmem>>)
      %lt3A_246 = arith.constant 160 : i32
      %lt3A_247 = arith.cmpi slt, %add3A_13, %lt3A_246 : i32
      %convert_element_type3A_248 = arith.extui %lt3A_247 : i1 to i32
      %cond3A_249 = arith.constant 0 : i32
      %cond3A_250 = arith.cmpi ne, %convert_element_type3A_248, %cond3A_249 : i32
      scf.if %cond3A_250 {
        %mul3A_255 = arith.constant 64 : i32
        %mul3A_256 = arith.muli %add3A_13, %mul3A_255 : i32
        "tpu.region"() ({
          %run_scoped3A = tpu.sem_alloc : memref<!tpu.dma_semaphore, #tpu.memory_space<semaphore_mem>>
          %dma_start3A_257 = arith.constant 0 : i32
          %dma_start3A_258 = tpu.memref_slice %arg6[%mul3A_256, %dma_start3A_257] : memref<10240x256xf32, #tpu.memory_space<hbm>> -> memref<64x256xf32, #tpu.memory_space<hbm>>
          %dma_start3A_259 = arith.constant 0 : i32
          %dma_start3A_260 = tpu.memref_slice %arg6[%mul3A_256, %dma_start3A_259] : memref<10240x256xf32, #tpu.memory_space<hbm>> -> memref<64x256xf32, #tpu.memory_space<hbm>>
          tpu.enqueue_dma source(%arg10 : memref<64x256xf32, #tpu.memory_space<vmem>>) target(%dma_start3A_260 : memref<64x256xf32, #tpu.memory_space<hbm>>) target_semaphore(%run_scoped3A : memref<!tpu.dma_semaphore, #tpu.memory_space<semaphore_mem>>)
          %dma_wait3A_261 = arith.constant 0 : i32
          %dma_wait3A_262 = tpu.memref_slice %arg6[%mul3A_256, %dma_wait3A_261] : memref<10240x256xf32, #tpu.memory_space<hbm>> -> memref<64x256xf32, #tpu.memory_space<hbm>>
          %dma_wait3A_263 = arith.constant 0 : i32
          %dma_wait3A_264 = tpu.memref_slice %arg6[%mul3A_256, %dma_wait3A_263] : memref<10240x256xf32, #tpu.memory_space<hbm>> -> memref<64x256xf32, #tpu.memory_space<hbm>>
          tpu.wait_dma2 semaphore(%run_scoped3A : memref<!tpu.dma_semaphore, #tpu.memory_space<semaphore_mem>>) src(%arg10 : memref<64x256xf32, #tpu.memory_space<vmem>>) dst(%dma_wait3A_264 : memref<64x256xf32, #tpu.memory_space<hbm>>)
          tpu.yield
        }) : () -> ()
      } else {
      }
      %ge3A = arith.constant 160 : i32
      %ge3A_251 = arith.cmpi sge, %add3A_13, %ge3A : i32
      %convert_element_type3A_252 = arith.extui %ge3A_251 : i1 to i32
      %cond3A_253 = arith.constant 0 : i32
      %cond3A_254 = arith.cmpi ne, %convert_element_type3A_252, %cond3A_253 : i32
      scf.if %cond3A_254 {
        %sub3A = arith.constant 160 : i32
        %sub3A_255 = arith.subi %add3A_13, %sub3A : i32
        %mul3A_256 = arith.constant 64 : i32
        %mul3A_257 = arith.muli %sub3A_255, %mul3A_256 : i32
        "tpu.region"() ({
          %run_scoped3A = tpu.sem_alloc : memref<!tpu.dma_semaphore, #tpu.memory_space<semaphore_mem>>
          %dma_start3A_258 = arith.constant 0 : i32
          %dma_start3A_259 = tpu.memref_slice %arg7[%mul3A_257, %dma_start3A_258] : memref<1024x256xf32, #tpu.memory_space<hbm>> -> memref<64x256xf32, #tpu.memory_space<hbm>>
          %dma_start3A_260 = arith.constant 0 : i32
          %dma_start3A_261 = tpu.memref_slice %arg7[%mul3A_257, %dma_start3A_260] : memref<1024x256xf32, #tpu.memory_space<hbm>> -> memref<64x256xf32, #tpu.memory_space<hbm>>
          tpu.enqueue_dma source(%arg10 : memref<64x256xf32, #tpu.memory_space<vmem>>) target(%dma_start3A_261 : memref<64x256xf32, #tpu.memory_space<hbm>>) target_semaphore(%run_scoped3A : memref<!tpu.dma_semaphore, #tpu.memory_space<semaphore_mem>>)
          %dma_wait3A_262 = arith.constant 0 : i32
          %dma_wait3A_263 = tpu.memref_slice %arg7[%mul3A_257, %dma_wait3A_262] : memref<1024x256xf32, #tpu.memory_space<hbm>> -> memref<64x256xf32, #tpu.memory_space<hbm>>
          %dma_wait3A_264 = arith.constant 0 : i32
          %dma_wait3A_265 = tpu.memref_slice %arg7[%mul3A_257, %dma_wait3A_264] : memref<1024x256xf32, #tpu.memory_space<hbm>> -> memref<64x256xf32, #tpu.memory_space<hbm>>
          tpu.wait_dma2 semaphore(%run_scoped3A : memref<!tpu.dma_semaphore, #tpu.memory_space<semaphore_mem>>) src(%arg10 : memref<64x256xf32, #tpu.memory_space<vmem>>) dst(%dma_wait3A_265 : memref<64x256xf32, #tpu.memory_space<hbm>>)
          tpu.yield
        }) : () -> ()
      } else {
      }
    } else {
    }
    %add3A_19 = arith.constant 64 : i32
    %add3A_20 = arith.addi %add3A_19, %add3A : i32
    %lt3A_21 = arith.constant 176 : i32
    %lt3A_22 = arith.cmpi slt, %add3A_20, %lt3A_21 : i32
    %convert_element_type3A_23 = arith.extui %lt3A_22 : i1 to i32
    %cond3A_24 = arith.constant 0 : i32
    %cond3A_25 = arith.cmpi ne, %convert_element_type3A_23, %cond3A_24 : i32
    scf.if %cond3A_25 {
      %run_scoped3A = arith.constant 0 : i32
      "tpu.region"() ({
        %run_scoped3A_246 = tpu.sem_alloc : memref<!tpu.dma_semaphore, #tpu.memory_space<semaphore_mem>>
        %dma_start3A_247 = arith.constant 0 : i32
        %dma_start3A_248 = tpu.memref_slice %arg8[%run_scoped3A, %dma_start3A_247] : memref<25x64xi32, #tpu.memory_space<vmem>> -> memref<1x64xi32, #tpu.memory_space<vmem>>
        %dma_start3A_249 = tpu.memref_squeeze %dma_start3A_248 : memref<1x64xi32, #tpu.memory_space<vmem>> -> memref<64xi32, #tpu.memory_space<vmem>>
        %dma_start3A_250 = arith.constant 0 : i32
        %dma_start3A_251 = tpu.memref_slice %arg4[%add3A_20, %dma_start3A_250] : memref<176x64xi32, #tpu.memory_space<hbm>> -> memref<1x64xi32, #tpu.memory_space<hbm>>
        %dma_start3A_252 = tpu.memref_squeeze %dma_start3A_251 : memref<1x64xi32, #tpu.memory_space<hbm>> -> memref<64xi32, #tpu.memory_space<hbm>>
        %dma_start3A_253 = arith.constant 0 : i32
        %dma_start3A_254 = tpu.memref_slice %arg8[%run_scoped3A, %dma_start3A_253] : memref<25x64xi32, #tpu.memory_space<vmem>> -> memref<1x64xi32, #tpu.memory_space<vmem>>
        %dma_start3A_255 = tpu.memref_squeeze %dma_start3A_254 : memref<1x64xi32, #tpu.memory_space<vmem>> -> memref<64xi32, #tpu.memory_space<vmem>>
        %dma_start3A_256 = arith.constant 0 : i32
        %dma_start3A_257 = tpu.memref_slice %arg4[%add3A_20, %dma_start3A_256] : memref<176x64xi32, #tpu.memory_space<hbm>> -> memref<1x64xi32, #tpu.memory_space<hbm>>
        %dma_start3A_258 = tpu.memref_squeeze %dma_start3A_257 : memref<1x64xi32, #tpu.memory_space<hbm>> -> memref<64xi32, #tpu.memory_space<hbm>>
        tpu.enqueue_dma source(%dma_start3A_258 : memref<64xi32, #tpu.memory_space<hbm>>) target(%dma_start3A_255 : memref<64xi32, #tpu.memory_space<vmem>>) target_semaphore(%run_scoped3A_246 : memref<!tpu.dma_semaphore, #tpu.memory_space<semaphore_mem>>)
        %dma_wait3A_259 = arith.constant 0 : i32
        %dma_wait3A_260 = tpu.memref_slice %arg8[%run_scoped3A, %dma_wait3A_259] : memref<25x64xi32, #tpu.memory_space<vmem>> -> memref<1x64xi32, #tpu.memory_space<vmem>>
        %dma_wait3A_261 = tpu.memref_squeeze %dma_wait3A_260 : memref<1x64xi32, #tpu.memory_space<vmem>> -> memref<64xi32, #tpu.memory_space<vmem>>
        %dma_wait3A_262 = arith.constant 0 : i32
        %dma_wait3A_263 = tpu.memref_slice %arg4[%add3A_20, %dma_wait3A_262] : memref<176x64xi32, #tpu.memory_space<hbm>> -> memref<1x64xi32, #tpu.memory_space<hbm>>
        %dma_wait3A_264 = tpu.memref_squeeze %dma_wait3A_263 : memref<1x64xi32, #tpu.memory_space<hbm>> -> memref<64xi32, #tpu.memory_space<hbm>>
        %dma_wait3A_265 = arith.constant 0 : i32
        %dma_wait3A_266 = tpu.memref_slice %arg8[%run_scoped3A, %dma_wait3A_265] : memref<25x64xi32, #tpu.memory_space<vmem>> -> memref<1x64xi32, #tpu.memory_space<vmem>>
        %dma_wait3A_267 = tpu.memref_squeeze %dma_wait3A_266 : memref<1x64xi32, #tpu.memory_space<vmem>> -> memref<64xi32, #tpu.memory_space<vmem>>
        %dma_wait3A_268 = arith.constant 0 : i32
        %dma_wait3A_269 = tpu.memref_slice %arg4[%add3A_20, %dma_wait3A_268] : memref<176x64xi32, #tpu.memory_space<hbm>> -> memref<1x64xi32, #tpu.memory_space<hbm>>
        %dma_wait3A_270 = tpu.memref_squeeze %dma_wait3A_269 : memref<1x64xi32, #tpu.memory_space<hbm>> -> memref<64xi32, #tpu.memory_space<hbm>>
        tpu.wait_dma2 semaphore(%run_scoped3A_246 : memref<!tpu.dma_semaphore, #tpu.memory_space<semaphore_mem>>) src(%dma_wait3A_270 : memref<64xi32, #tpu.memory_space<hbm>>) dst(%dma_wait3A_267 : memref<64xi32, #tpu.memory_space<vmem>>)
        tpu.yield
      }) : () -> ()
      %dma_start3A_239 = arith.constant 0 : i32
      %dma_start3A_240 = arith.constant 0 : i32
      %dma_start3A_241 = tpu.memref_slice %arg8[%dma_start3A_239, %dma_start3A_240] : memref<25x64xi32, #tpu.memory_space<vmem>> -> memref<1x64xi32, #tpu.memory_space<vmem>>
      %dma_start3A_242 = tpu.memref_squeeze %dma_start3A_241 : memref<1x64xi32, #tpu.memory_space<vmem>> -> memref<64xi32, #tpu.memory_space<vmem>>
      %dma_start3A_243 = arith.constant 0 : i32
      %dma_start3A_244 = arith.constant 0 : i32
      %dma_start3A_245 = tpu.memref_slice %arg2[%dma_start3A_243, %dma_start3A_244] : memref<50000x256xf32, #tpu.memory_space<hbm>> -> memref<50000x256xf32, #tpu.memory_space<hbm>>
      tpu.enqueue_indirect_dma source(%dma_start3A_245 : memref<50000x256xf32, #tpu.memory_space<hbm>>) target(%arg10 : memref<64x256xf32, #tpu.memory_space<vmem>>) offsets(%dma_start3A_242 : memref<64xi32, #tpu.memory_space<vmem>>) semaphore(%arg12 : memref<!tpu.dma_semaphore, #tpu.memory_space<semaphore_mem>>)
    } else {
    }
    %add3A_26 = arith.constant 32 : i32
    %add3A_27 = arith.addi %add3A_26, %add3A : i32
    %lt3A_28 = arith.constant 176 : i32
    %lt3A_29 = arith.cmpi slt, %add3A_27, %lt3A_28 : i32
    %convert_element_type3A_30 = arith.extui %lt3A_29 : i1 to i32
    %cond3A_31 = arith.constant 0 : i32
    %cond3A_32 = arith.cmpi ne, %convert_element_type3A_30, %cond3A_31 : i32
    scf.if %cond3A_32 {
      %dma_wait3A_239 = arith.constant 0 : i32
      %dma_wait3A_240 = arith.constant 0 : i32
      %dma_wait3A_241 = tpu.memref_slice %arg8[%dma_wait3A_239, %dma_wait3A_240] : memref<25x64xi32, #tpu.memory_space<vmem>> -> memref<1x64xi32, #tpu.memory_space<vmem>>
      %dma_wait3A_242 = tpu.memref_squeeze %dma_wait3A_241 : memref<1x64xi32, #tpu.memory_space<vmem>> -> memref<64xi32, #tpu.memory_space<vmem>>
      %dma_wait3A_243 = arith.constant 0 : i32
      %dma_wait3A_244 = arith.constant 0 : i32
      %dma_wait3A_245 = tpu.memref_slice %arg2[%dma_wait3A_243, %dma_wait3A_244] : memref<50000x256xf32, #tpu.memory_space<hbm>> -> memref<50000x256xf32, #tpu.memory_space<hbm>>
      tpu.wait_indirect_dma semaphore(%arg13 : memref<!tpu.dma_semaphore, #tpu.memory_space<semaphore_mem>>) src(%dma_wait3A_245 : memref<50000x256xf32, #tpu.memory_space<hbm>>) dst(%arg11 : memref<64x256xf32, #tpu.memory_space<vmem>>)
      %lt3A_246 = arith.constant 160 : i32
      %lt3A_247 = arith.cmpi slt, %add3A_27, %lt3A_246 : i32
      %convert_element_type3A_248 = arith.extui %lt3A_247 : i1 to i32
      %cond3A_249 = arith.constant 0 : i32
      %cond3A_250 = arith.cmpi ne, %convert_element_type3A_248, %cond3A_249 : i32
      scf.if %cond3A_250 {
        %mul3A_255 = arith.constant 64 : i32
        %mul3A_256 = arith.muli %add3A_27, %mul3A_255 : i32
        "tpu.region"() ({
          %run_scoped3A = tpu.sem_alloc : memref<!tpu.dma_semaphore, #tpu.memory_space<semaphore_mem>>
          %dma_start3A_257 = arith.constant 0 : i32
          %dma_start3A_258 = tpu.memref_slice %arg6[%mul3A_256, %dma_start3A_257] : memref<10240x256xf32, #tpu.memory_space<hbm>> -> memref<64x256xf32, #tpu.memory_space<hbm>>
          %dma_start3A_259 = arith.constant 0 : i32
          %dma_start3A_260 = tpu.memref_slice %arg6[%mul3A_256, %dma_start3A_259] : memref<10240x256xf32, #tpu.memory_space<hbm>> -> memref<64x256xf32, #tpu.memory_space<hbm>>
          tpu.enqueue_dma source(%arg11 : memref<64x256xf32, #tpu.memory_space<vmem>>) target(%dma_start3A_260 : memref<64x256xf32, #tpu.memory_space<hbm>>) target_semaphore(%run_scoped3A : memref<!tpu.dma_semaphore, #tpu.memory_space<semaphore_mem>>)
          %dma_wait3A_261 = arith.constant 0 : i32
          %dma_wait3A_262 = tpu.memref_slice %arg6[%mul3A_256, %dma_wait3A_261] : memref<10240x256xf32, #tpu.memory_space<hbm>> -> memref<64x256xf32, #tpu.memory_space<hbm>>
          %dma_wait3A_263 = arith.constant 0 : i32
          %dma_wait3A_264 = tpu.memref_slice %arg6[%mul3A_256, %dma_wait3A_263] : memref<10240x256xf32, #tpu.memory_space<hbm>> -> memref<64x256xf32, #tpu.memory_space<hbm>>
          tpu.wait_dma2 semaphore(%run_scoped3A : memref<!tpu.dma_semaphore, #tpu.memory_space<semaphore_mem>>) src(%arg11 : memref<64x256xf32, #tpu.memory_space<vmem>>) dst(%dma_wait3A_264 : memref<64x256xf32, #tpu.memory_space<hbm>>)
          tpu.yield
        }) : () -> ()
      } else {
      }
      %ge3A = arith.constant 160 : i32
      %ge3A_251 = arith.cmpi sge, %add3A_27, %ge3A : i32
      %convert_element_type3A_252 = arith.extui %ge3A_251 : i1 to i32
      %cond3A_253 = arith.constant 0 : i32
      %cond3A_254 = arith.cmpi ne, %convert_element_type3A_252, %cond3A_253 : i32
      scf.if %cond3A_254 {
        %sub3A = arith.constant 160 : i32
        %sub3A_255 = arith.subi %add3A_27, %sub3A : i32
        %mul3A_256 = arith.constant 64 : i32
        %mul3A_257 = arith.muli %sub3A_255, %mul3A_256 : i32
        "tpu.region"() ({
          %run_scoped3A = tpu.sem_alloc : memref<!tpu.dma_semaphore, #tpu.memory_space<semaphore_mem>>
          %dma_start3A_258 = arith.constant 0 : i32
          %dma_start3A_259 = tpu.memref_slice %arg7[%mul3A_257, %dma_start3A_258] : memref<1024x256xf32, #tpu.memory_space<hbm>> -> memref<64x256xf32, #tpu.memory_space<hbm>>
          %dma_start3A_260 = arith.constant 0 : i32
          %dma_start3A_261 = tpu.memref_slice %arg7[%mul3A_257, %dma_start3A_260] : memref<1024x256xf32, #tpu.memory_space<hbm>> -> memref<64x256xf32, #tpu.memory_space<hbm>>
          tpu.enqueue_dma source(%arg11 : memref<64x256xf32, #tpu.memory_space<vmem>>) target(%dma_start3A_261 : memref<64x256xf32, #tpu.memory_space<hbm>>) target_semaphore(%run_scoped3A : memref<!tpu.dma_semaphore, #tpu.memory_space<semaphore_mem>>)
          %dma_wait3A_262 = arith.constant 0 : i32
          %dma_wait3A_263 = tpu.memref_slice %arg7[%mul3A_257, %dma_wait3A_262] : memref<1024x256xf32, #tpu.memory_space<hbm>> -> memref<64x256xf32, #tpu.memory_space<hbm>>
          %dma_wait3A_264 = arith.constant 0 : i32
          %dma_wait3A_265 = tpu.memref_slice %arg7[%mul3A_257, %dma_wait3A_264] : memref<1024x256xf32, #tpu.memory_space<hbm>> -> memref<64x256xf32, #tpu.memory_space<hbm>>
          tpu.wait_dma2 semaphore(%run_scoped3A : memref<!tpu.dma_semaphore, #tpu.memory_space<semaphore_mem>>) src(%arg11 : memref<64x256xf32, #tpu.memory_space<vmem>>) dst(%dma_wait3A_265 : memref<64x256xf32, #tpu.memory_space<hbm>>)
          tpu.yield
        }) : () -> ()
      } else {
      }
    } else {
    }
    %add3A_33 = arith.constant 96 : i32
    %add3A_34 = arith.addi %add3A_33, %add3A : i32
    %lt3A_35 = arith.constant 176 : i32
    %lt3A_36 = arith.cmpi slt, %add3A_34, %lt3A_35 : i32
    %convert_element_type3A_37 = arith.extui %lt3A_36 : i1 to i32
    %cond3A_38 = arith.constant 0 : i32
    %cond3A_39 = arith.cmpi ne, %convert_element_type3A_37, %cond3A_38 : i32
    scf.if %cond3A_39 {
      %run_scoped3A = arith.constant 1 : i32
      "tpu.region"() ({
        %run_scoped3A_246 = tpu.sem_alloc : memref<!tpu.dma_semaphore, #tpu.memory_space<semaphore_mem>>
        %dma_start3A_247 = arith.constant 0 : i32
        %dma_start3A_248 = tpu.memref_slice %arg8[%run_scoped3A, %dma_start3A_247] : memref<25x64xi32, #tpu.memory_space<vmem>> -> memref<1x64xi32, #tpu.memory_space<vmem>>
        %dma_start3A_249 = tpu.memref_squeeze %dma_start3A_248 : memref<1x64xi32, #tpu.memory_space<vmem>> -> memref<64xi32, #tpu.memory_space<vmem>>
        %dma_start3A_250 = arith.constant 0 : i32
        %dma_start3A_251 = tpu.memref_slice %arg4[%add3A_34, %dma_start3A_250] : memref<176x64xi32, #tpu.memory_space<hbm>> -> memref<1x64xi32, #tpu.memory_space<hbm>>
        %dma_start3A_252 = tpu.memref_squeeze %dma_start3A_251 : memref<1x64xi32, #tpu.memory_space<hbm>> -> memref<64xi32, #tpu.memory_space<hbm>>
        %dma_start3A_253 = arith.constant 0 : i32
        %dma_start3A_254 = tpu.memref_slice %arg8[%run_scoped3A, %dma_start3A_253] : memref<25x64xi32, #tpu.memory_space<vmem>> -> memref<1x64xi32, #tpu.memory_space<vmem>>
        %dma_start3A_255 = tpu.memref_squeeze %dma_start3A_254 : memref<1x64xi32, #tpu.memory_space<vmem>> -> memref<64xi32, #tpu.memory_space<vmem>>
        %dma_start3A_256 = arith.constant 0 : i32
        %dma_start3A_257 = tpu.memref_slice %arg4[%add3A_34, %dma_start3A_256] : memref<176x64xi32, #tpu.memory_space<hbm>> -> memref<1x64xi32, #tpu.memory_space<hbm>>
        %dma_start3A_258 = tpu.memref_squeeze %dma_start3A_257 : memref<1x64xi32, #tpu.memory_space<hbm>> -> memref<64xi32, #tpu.memory_space<hbm>>
        tpu.enqueue_dma source(%dma_start3A_258 : memref<64xi32, #tpu.memory_space<hbm>>) target(%dma_start3A_255 : memref<64xi32, #tpu.memory_space<vmem>>) target_semaphore(%run_scoped3A_246 : memref<!tpu.dma_semaphore, #tpu.memory_space<semaphore_mem>>)
        %dma_wait3A_259 = arith.constant 0 : i32
        %dma_wait3A_260 = tpu.memref_slice %arg8[%run_scoped3A, %dma_wait3A_259] : memref<25x64xi32, #tpu.memory_space<vmem>> -> memref<1x64xi32, #tpu.memory_space<vmem>>
        %dma_wait3A_261 = tpu.memref_squeeze %dma_wait3A_260 : memref<1x64xi32, #tpu.memory_space<vmem>> -> memref<64xi32, #tpu.memory_space<vmem>>
        %dma_wait3A_262 = arith.constant 0 : i32
        %dma_wait3A_263 = tpu.memref_slice %arg4[%add3A_34, %dma_wait3A_262] : memref<176x64xi32, #tpu.memory_space<hbm>> -> memref<1x64xi32, #tpu.memory_space<hbm>>
        %dma_wait3A_264 = tpu.memref_squeeze %dma_wait3A_263 : memref<1x64xi32, #tpu.memory_space<hbm>> -> memref<64xi32, #tpu.memory_space<hbm>>
        %dma_wait3A_265 = arith.constant 0 : i32
        %dma_wait3A_266 = tpu.memref_slice %arg8[%run_scoped3A, %dma_wait3A_265] : memref<25x64xi32, #tpu.memory_space<vmem>> -> memref<1x64xi32, #tpu.memory_space<vmem>>
        %dma_wait3A_267 = tpu.memref_squeeze %dma_wait3A_266 : memref<1x64xi32, #tpu.memory_space<vmem>> -> memref<64xi32, #tpu.memory_space<vmem>>
        %dma_wait3A_268 = arith.constant 0 : i32
        %dma_wait3A_269 = tpu.memref_slice %arg4[%add3A_34, %dma_wait3A_268] : memref<176x64xi32, #tpu.memory_space<hbm>> -> memref<1x64xi32, #tpu.memory_space<hbm>>
        %dma_wait3A_270 = tpu.memref_squeeze %dma_wait3A_269 : memref<1x64xi32, #tpu.memory_space<hbm>> -> memref<64xi32, #tpu.memory_space<hbm>>
        tpu.wait_dma2 semaphore(%run_scoped3A_246 : memref<!tpu.dma_semaphore, #tpu.memory_space<semaphore_mem>>) src(%dma_wait3A_270 : memref<64xi32, #tpu.memory_space<hbm>>) dst(%dma_wait3A_267 : memref<64xi32, #tpu.memory_space<vmem>>)
        tpu.yield
      }) : () -> ()
      %dma_start3A_239 = arith.constant 1 : i32
      %dma_start3A_240 = arith.constant 0 : i32
      %dma_start3A_241 = tpu.memref_slice %arg8[%dma_start3A_239, %dma_start3A_240] : memref<25x64xi32, #tpu.memory_space<vmem>> -> memref<1x64xi32, #tpu.memory_space<vmem>>
      %dma_start3A_242 = tpu.memref_squeeze %dma_start3A_241 : memref<1x64xi32, #tpu.memory_space<vmem>> -> memref<64xi32, #tpu.memory_space<vmem>>
      %dma_start3A_243 = arith.constant 0 : i32
      %dma_start3A_244 = arith.constant 0 : i32
      %dma_start3A_245 = tpu.memref_slice %arg2[%dma_start3A_243, %dma_start3A_244] : memref<50000x256xf32, #tpu.memory_space<hbm>> -> memref<50000x256xf32, #tpu.memory_space<hbm>>
      tpu.enqueue_indirect_dma source(%dma_start3A_245 : memref<50000x256xf32, #tpu.memory_space<hbm>>) target(%arg11 : memref<64x256xf32, #tpu.memory_space<vmem>>) offsets(%dma_start3A_242 : memref<64xi32, #tpu.memory_space<vmem>>) semaphore(%arg13 : memref<!tpu.dma_semaphore, #tpu.memory_space<semaphore_mem>>)
    } else {
    }
    %add3A_40 = arith.constant 64 : i32
    %add3A_41 = arith.addi %add3A_40, %add3A : i32
    %lt3A_42 = arith.constant 176 : i32
    %lt3A_43 = arith.cmpi slt, %add3A_41, %lt3A_42 : i32
    %convert_element_type3A_44 = arith.extui %lt3A_43 : i1 to i32
    %cond3A_45 = arith.constant 0 : i32
    %cond3A_46 = arith.cmpi ne, %convert_element_type3A_44, %cond3A_45 : i32
    scf.if %cond3A_46 {
      %dma_wait3A_239 = arith.constant 0 : i32
      %dma_wait3A_240 = arith.constant 0 : i32
      %dma_wait3A_241 = tpu.memref_slice %arg8[%dma_wait3A_239, %dma_wait3A_240] : memref<25x64xi32, #tpu.memory_space<vmem>> -> memref<1x64xi32, #tpu.memory_space<vmem>>
      %dma_wait3A_242 = tpu.memref_squeeze %dma_wait3A_241 : memref<1x64xi32, #tpu.memory_space<vmem>> -> memref<64xi32, #tpu.memory_space<vmem>>
      %dma_wait3A_243 = arith.constant 0 : i32
      %dma_wait3A_244 = arith.constant 0 : i32
      %dma_wait3A_245 = tpu.memref_slice %arg2[%dma_wait3A_243, %dma_wait3A_244] : memref<50000x256xf32, #tpu.memory_space<hbm>> -> memref<50000x256xf32, #tpu.memory_space<hbm>>
      tpu.wait_indirect_dma semaphore(%arg12 : memref<!tpu.dma_semaphore, #tpu.memory_space<semaphore_mem>>) src(%dma_wait3A_245 : memref<50000x256xf32, #tpu.memory_space<hbm>>) dst(%arg10 : memref<64x256xf32, #tpu.memory_space<vmem>>)
      %lt3A_246 = arith.constant 160 : i32
      %lt3A_247 = arith.cmpi slt, %add3A_41, %lt3A_246 : i32
      %convert_element_type3A_248 = arith.extui %lt3A_247 : i1 to i32
      %cond3A_249 = arith.constant 0 : i32
      %cond3A_250 = arith.cmpi ne, %convert_element_type3A_248, %cond3A_249 : i32
      scf.if %cond3A_250 {
        %mul3A_255 = arith.constant 64 : i32
        %mul3A_256 = arith.muli %add3A_41, %mul3A_255 : i32
        "tpu.region"() ({
          %run_scoped3A = tpu.sem_alloc : memref<!tpu.dma_semaphore, #tpu.memory_space<semaphore_mem>>
          %dma_start3A_257 = arith.constant 0 : i32
          %dma_start3A_258 = tpu.memref_slice %arg6[%mul3A_256, %dma_start3A_257] : memref<10240x256xf32, #tpu.memory_space<hbm>> -> memref<64x256xf32, #tpu.memory_space<hbm>>
          %dma_start3A_259 = arith.constant 0 : i32
          %dma_start3A_260 = tpu.memref_slice %arg6[%mul3A_256, %dma_start3A_259] : memref<10240x256xf32, #tpu.memory_space<hbm>> -> memref<64x256xf32, #tpu.memory_space<hbm>>
          tpu.enqueue_dma source(%arg10 : memref<64x256xf32, #tpu.memory_space<vmem>>) target(%dma_start3A_260 : memref<64x256xf32, #tpu.memory_space<hbm>>) target_semaphore(%run_scoped3A : memref<!tpu.dma_semaphore, #tpu.memory_space<semaphore_mem>>)
          %dma_wait3A_261 = arith.constant 0 : i32
          %dma_wait3A_262 = tpu.memref_slice %arg6[%mul3A_256, %dma_wait3A_261] : memref<10240x256xf32, #tpu.memory_space<hbm>> -> memref<64x256xf32, #tpu.memory_space<hbm>>
          %dma_wait3A_263 = arith.constant 0 : i32
          %dma_wait3A_264 = tpu.memref_slice %arg6[%mul3A_256, %dma_wait3A_263] : memref<10240x256xf32, #tpu.memory_space<hbm>> -> memref<64x256xf32, #tpu.memory_space<hbm>>
          tpu.wait_dma2 semaphore(%run_scoped3A : memref<!tpu.dma_semaphore, #tpu.memory_space<semaphore_mem>>) src(%arg10 : memref<64x256xf32, #tpu.memory_space<vmem>>) dst(%dma_wait3A_264 : memref<64x256xf32, #tpu.memory_space<hbm>>)
          tpu.yield
        }) : () -> ()
      } else {
      }
      %ge3A = arith.constant 160 : i32
      %ge3A_251 = arith.cmpi sge, %add3A_41, %ge3A : i32
      %convert_element_type3A_252 = arith.extui %ge3A_251 : i1 to i32
      %cond3A_253 = arith.constant 0 : i32
      %cond3A_254 = arith.cmpi ne, %convert_element_type3A_252, %cond3A_253 : i32
      scf.if %cond3A_254 {
        %sub3A = arith.constant 160 : i32
        %sub3A_255 = arith.subi %add3A_41, %sub3A : i32
        %mul3A_256 = arith.constant 64 : i32
        %mul3A_257 = arith.muli %sub3A_255, %mul3A_256 : i32
        "tpu.region"() ({
          %run_scoped3A = tpu.sem_alloc : memref<!tpu.dma_semaphore, #tpu.memory_space<semaphore_mem>>
          %dma_start3A_258 = arith.constant 0 : i32
          %dma_start3A_259 = tpu.memref_slice %arg7[%mul3A_257, %dma_start3A_258] : memref<1024x256xf32, #tpu.memory_space<hbm>> -> memref<64x256xf32, #tpu.memory_space<hbm>>
          %dma_start3A_260 = arith.constant 0 : i32
          %dma_start3A_261 = tpu.memref_slice %arg7[%mul3A_257, %dma_start3A_260] : memref<1024x256xf32, #tpu.memory_space<hbm>> -> memref<64x256xf32, #tpu.memory_space<hbm>>
          tpu.enqueue_dma source(%arg10 : memref<64x256xf32, #tpu.memory_space<vmem>>) target(%dma_start3A_261 : memref<64x256xf32, #tpu.memory_space<hbm>>) target_semaphore(%run_scoped3A : memref<!tpu.dma_semaphore, #tpu.memory_space<semaphore_mem>>)
          %dma_wait3A_262 = arith.constant 0 : i32
          %dma_wait3A_263 = tpu.memref_slice %arg7[%mul3A_257, %dma_wait3A_262] : memref<1024x256xf32, #tpu.memory_space<hbm>> -> memref<64x256xf32, #tpu.memory_space<hbm>>
          %dma_wait3A_264 = arith.constant 0 : i32
          %dma_wait3A_265 = tpu.memref_slice %arg7[%mul3A_257, %dma_wait3A_264] : memref<1024x256xf32, #tpu.memory_space<hbm>> -> memref<64x256xf32, #tpu.memory_space<hbm>>
          tpu.wait_dma2 semaphore(%run_scoped3A : memref<!tpu.dma_semaphore, #tpu.memory_space<semaphore_mem>>) src(%arg10 : memref<64x256xf32, #tpu.memory_space<vmem>>) dst(%dma_wait3A_265 : memref<64x256xf32, #tpu.memory_space<hbm>>)
          tpu.yield
        }) : () -> ()
      } else {
      }
    } else {
    }
    %add3A_47 = arith.constant 128 : i32
    %add3A_48 = arith.addi %add3A_47, %add3A : i32
    %lt3A_49 = arith.constant 176 : i32
    %lt3A_50 = arith.cmpi slt, %add3A_48, %lt3A_49 : i32
    %convert_element_type3A_51 = arith.extui %lt3A_50 : i1 to i32
    %cond3A_52 = arith.constant 0 : i32
    %cond3A_53 = arith.cmpi ne, %convert_element_type3A_51, %cond3A_52 : i32
    scf.if %cond3A_53 {
      %run_scoped3A = arith.constant 0 : i32
      "tpu.region"() ({
        %run_scoped3A_246 = tpu.sem_alloc : memref<!tpu.dma_semaphore, #tpu.memory_space<semaphore_mem>>
        %dma_start3A_247 = arith.constant 0 : i32
        %dma_start3A_248 = tpu.memref_slice %arg8[%run_scoped3A, %dma_start3A_247] : memref<25x64xi32, #tpu.memory_space<vmem>> -> memref<1x64xi32, #tpu.memory_space<vmem>>
        %dma_start3A_249 = tpu.memref_squeeze %dma_start3A_248 : memref<1x64xi32, #tpu.memory_space<vmem>> -> memref<64xi32, #tpu.memory_space<vmem>>
        %dma_start3A_250 = arith.constant 0 : i32
        %dma_start3A_251 = tpu.memref_slice %arg4[%add3A_48, %dma_start3A_250] : memref<176x64xi32, #tpu.memory_space<hbm>> -> memref<1x64xi32, #tpu.memory_space<hbm>>
        %dma_start3A_252 = tpu.memref_squeeze %dma_start3A_251 : memref<1x64xi32, #tpu.memory_space<hbm>> -> memref<64xi32, #tpu.memory_space<hbm>>
        %dma_start3A_253 = arith.constant 0 : i32
        %dma_start3A_254 = tpu.memref_slice %arg8[%run_scoped3A, %dma_start3A_253] : memref<25x64xi32, #tpu.memory_space<vmem>> -> memref<1x64xi32, #tpu.memory_space<vmem>>
        %dma_start3A_255 = tpu.memref_squeeze %dma_start3A_254 : memref<1x64xi32, #tpu.memory_space<vmem>> -> memref<64xi32, #tpu.memory_space<vmem>>
        %dma_start3A_256 = arith.constant 0 : i32
        %dma_start3A_257 = tpu.memref_slice %arg4[%add3A_48, %dma_start3A_256] : memref<176x64xi32, #tpu.memory_space<hbm>> -> memref<1x64xi32, #tpu.memory_space<hbm>>
        %dma_start3A_258 = tpu.memref_squeeze %dma_start3A_257 : memref<1x64xi32, #tpu.memory_space<hbm>> -> memref<64xi32, #tpu.memory_space<hbm>>
        tpu.enqueue_dma source(%dma_start3A_258 : memref<64xi32, #tpu.memory_space<hbm>>) target(%dma_start3A_255 : memref<64xi32, #tpu.memory_space<vmem>>) target_semaphore(%run_scoped3A_246 : memref<!tpu.dma_semaphore, #tpu.memory_space<semaphore_mem>>)
        %dma_wait3A_259 = arith.constant 0 : i32
        %dma_wait3A_260 = tpu.memref_slice %arg8[%run_scoped3A, %dma_wait3A_259] : memref<25x64xi32, #tpu.memory_space<vmem>> -> memref<1x64xi32, #tpu.memory_space<vmem>>
        %dma_wait3A_261 = tpu.memref_squeeze %dma_wait3A_260 : memref<1x64xi32, #tpu.memory_space<vmem>> -> memref<64xi32, #tpu.memory_space<vmem>>
        %dma_wait3A_262 = arith.constant 0 : i32
        %dma_wait3A_263 = tpu.memref_slice %arg4[%add3A_48, %dma_wait3A_262] : memref<176x64xi32, #tpu.memory_space<hbm>> -> memref<1x64xi32, #tpu.memory_space<hbm>>
        %dma_wait3A_264 = tpu.memref_squeeze %dma_wait3A_263 : memref<1x64xi32, #tpu.memory_space<hbm>> -> memref<64xi32, #tpu.memory_space<hbm>>
        %dma_wait3A_265 = arith.constant 0 : i32
        %dma_wait3A_266 = tpu.memref_slice %arg8[%run_scoped3A, %dma_wait3A_265] : memref<25x64xi32, #tpu.memory_space<vmem>> -> memref<1x64xi32, #tpu.memory_space<vmem>>
        %dma_wait3A_267 = tpu.memref_squeeze %dma_wait3A_266 : memref<1x64xi32, #tpu.memory_space<vmem>> -> memref<64xi32, #tpu.memory_space<vmem>>
        %dma_wait3A_268 = arith.constant 0 : i32
        %dma_wait3A_269 = tpu.memref_slice %arg4[%add3A_48, %dma_wait3A_268] : memref<176x64xi32, #tpu.memory_space<hbm>> -> memref<1x64xi32, #tpu.memory_space<hbm>>
        %dma_wait3A_270 = tpu.memref_squeeze %dma_wait3A_269 : memref<1x64xi32, #tpu.memory_space<hbm>> -> memref<64xi32, #tpu.memory_space<hbm>>
        tpu.wait_dma2 semaphore(%run_scoped3A_246 : memref<!tpu.dma_semaphore, #tpu.memory_space<semaphore_mem>>) src(%dma_wait3A_270 : memref<64xi32, #tpu.memory_space<hbm>>) dst(%dma_wait3A_267 : memref<64xi32, #tpu.memory_space<vmem>>)
        tpu.yield
      }) : () -> ()
      %dma_start3A_239 = arith.constant 0 : i32
      %dma_start3A_240 = arith.constant 0 : i32
      %dma_start3A_241 = tpu.memref_slice %arg8[%dma_start3A_239, %dma_start3A_240] : memref<25x64xi32, #tpu.memory_space<vmem>> -> memref<1x64xi32, #tpu.memory_space<vmem>>
      %dma_start3A_242 = tpu.memref_squeeze %dma_start3A_241 : memref<1x64xi32, #tpu.memory_space<vmem>> -> memref<64xi32, #tpu.memory_space<vmem>>
      %dma_start3A_243 = arith.constant 0 : i32
      %dma_start3A_244 = arith.constant 0 : i32
      %dma_start3A_245 = tpu.memref_slice %arg2[%dma_start3A_243, %dma_start3A_244] : memref<50000x256xf32, #tpu.memory_space<hbm>> -> memref<50000x256xf32, #tpu.memory_space<hbm>>
      tpu.enqueue_indirect_dma source(%dma_start3A_245 : memref<50000x256xf32, #tpu.memory_space<hbm>>) target(%arg10 : memref<64x256xf32, #tpu.memory_space<vmem>>) offsets(%dma_start3A_242 : memref<64xi32, #tpu.memory_space<vmem>>) semaphore(%arg12 : memref<!tpu.dma_semaphore, #tpu.memory_space<semaphore_mem>>)
    } else {
    }
    %add3A_54 = arith.constant 96 : i32
    %add3A_55 = arith.addi %add3A_54, %add3A : i32
    %lt3A_56 = arith.constant 176 : i32
    %lt3A_57 = arith.cmpi slt, %add3A_55, %lt3A_56 : i32
    %convert_element_type3A_58 = arith.extui %lt3A_57 : i1 to i32
    %cond3A_59 = arith.constant 0 : i32
    %cond3A_60 = arith.cmpi ne, %convert_element_type3A_58, %cond3A_59 : i32
    scf.if %cond3A_60 {
      %dma_wait3A_239 = arith.constant 0 : i32
      %dma_wait3A_240 = arith.constant 0 : i32
      %dma_wait3A_241 = tpu.memref_slice %arg8[%dma_wait3A_239, %dma_wait3A_240] : memref<25x64xi32, #tpu.memory_space<vmem>> -> memref<1x64xi32, #tpu.memory_space<vmem>>
      %dma_wait3A_242 = tpu.memref_squeeze %dma_wait3A_241 : memref<1x64xi32, #tpu.memory_space<vmem>> -> memref<64xi32, #tpu.memory_space<vmem>>
      %dma_wait3A_243 = arith.constant 0 : i32
      %dma_wait3A_244 = arith.constant 0 : i32
      %dma_wait3A_245 = tpu.memref_slice %arg2[%dma_wait3A_243, %dma_wait3A_244] : memref<50000x256xf32, #tpu.memory_space<hbm>> -> memref<50000x256xf32, #tpu.memory_space<hbm>>
      tpu.wait_indirect_dma semaphore(%arg13 : memref<!tpu.dma_semaphore, #tpu.memory_space<semaphore_mem>>) src(%dma_wait3A_245 : memref<50000x256xf32, #tpu.memory_space<hbm>>) dst(%arg11 : memref<64x256xf32, #tpu.memory_space<vmem>>)
      %lt3A_246 = arith.constant 160 : i32
      %lt3A_247 = arith.cmpi slt, %add3A_55, %lt3A_246 : i32
      %convert_element_type3A_248 = arith.extui %lt3A_247 : i1 to i32
      %cond3A_249 = arith.constant 0 : i32
      %cond3A_250 = arith.cmpi ne, %convert_element_type3A_248, %cond3A_249 : i32
      scf.if %cond3A_250 {
        %mul3A_255 = arith.constant 64 : i32
        %mul3A_256 = arith.muli %add3A_55, %mul3A_255 : i32
        "tpu.region"() ({
          %run_scoped3A = tpu.sem_alloc : memref<!tpu.dma_semaphore, #tpu.memory_space<semaphore_mem>>
          %dma_start3A_257 = arith.constant 0 : i32
          %dma_start3A_258 = tpu.memref_slice %arg6[%mul3A_256, %dma_start3A_257] : memref<10240x256xf32, #tpu.memory_space<hbm>> -> memref<64x256xf32, #tpu.memory_space<hbm>>
          %dma_start3A_259 = arith.constant 0 : i32
          %dma_start3A_260 = tpu.memref_slice %arg6[%mul3A_256, %dma_start3A_259] : memref<10240x256xf32, #tpu.memory_space<hbm>> -> memref<64x256xf32, #tpu.memory_space<hbm>>
          tpu.enqueue_dma source(%arg11 : memref<64x256xf32, #tpu.memory_space<vmem>>) target(%dma_start3A_260 : memref<64x256xf32, #tpu.memory_space<hbm>>) target_semaphore(%run_scoped3A : memref<!tpu.dma_semaphore, #tpu.memory_space<semaphore_mem>>)
          %dma_wait3A_261 = arith.constant 0 : i32
          %dma_wait3A_262 = tpu.memref_slice %arg6[%mul3A_256, %dma_wait3A_261] : memref<10240x256xf32, #tpu.memory_space<hbm>> -> memref<64x256xf32, #tpu.memory_space<hbm>>
          %dma_wait3A_263 = arith.constant 0 : i32
          %dma_wait3A_264 = tpu.memref_slice %arg6[%mul3A_256, %dma_wait3A_263] : memref<10240x256xf32, #tpu.memory_space<hbm>> -> memref<64x256xf32, #tpu.memory_space<hbm>>
          tpu.wait_dma2 semaphore(%run_scoped3A : memref<!tpu.dma_semaphore, #tpu.memory_space<semaphore_mem>>) src(%arg11 : memref<64x256xf32, #tpu.memory_space<vmem>>) dst(%dma_wait3A_264 : memref<64x256xf32, #tpu.memory_space<hbm>>)
          tpu.yield
        }) : () -> ()
      } else {
      }
      %ge3A = arith.constant 160 : i32
      %ge3A_251 = arith.cmpi sge, %add3A_55, %ge3A : i32
      %convert_element_type3A_252 = arith.extui %ge3A_251 : i1 to i32
      %cond3A_253 = arith.constant 0 : i32
      %cond3A_254 = arith.cmpi ne, %convert_element_type3A_252, %cond3A_253 : i32
      scf.if %cond3A_254 {
        %sub3A = arith.constant 160 : i32
        %sub3A_255 = arith.subi %add3A_55, %sub3A : i32
        %mul3A_256 = arith.constant 64 : i32
        %mul3A_257 = arith.muli %sub3A_255, %mul3A_256 : i32
        "tpu.region"() ({
          %run_scoped3A = tpu.sem_alloc : memref<!tpu.dma_semaphore, #tpu.memory_space<semaphore_mem>>
          %dma_start3A_258 = arith.constant 0 : i32
          %dma_start3A_259 = tpu.memref_slice %arg7[%mul3A_257, %dma_start3A_258] : memref<1024x256xf32, #tpu.memory_space<hbm>> -> memref<64x256xf32, #tpu.memory_space<hbm>>
          %dma_start3A_260 = arith.constant 0 : i32
          %dma_start3A_261 = tpu.memref_slice %arg7[%mul3A_257, %dma_start3A_260] : memref<1024x256xf32, #tpu.memory_space<hbm>> -> memref<64x256xf32, #tpu.memory_space<hbm>>
          tpu.enqueue_dma source(%arg11 : memref<64x256xf32, #tpu.memory_space<vmem>>) target(%dma_start3A_261 : memref<64x256xf32, #tpu.memory_space<hbm>>) target_semaphore(%run_scoped3A : memref<!tpu.dma_semaphore, #tpu.memory_space<semaphore_mem>>)
          %dma_wait3A_262 = arith.constant 0 : i32
          %dma_wait3A_263 = tpu.memref_slice %arg7[%mul3A_257, %dma_wait3A_262] : memref<1024x256xf32, #tpu.memory_space<hbm>> -> memref<64x256xf32, #tpu.memory_space<hbm>>
          %dma_wait3A_264 = arith.constant 0 : i32
          %dma_wait3A_265 = tpu.memref_slice %arg7[%mul3A_257, %dma_wait3A_264] : memref<1024x256xf32, #tpu.memory_space<hbm>> -> memref<64x256xf32, #tpu.memory_space<hbm>>
          tpu.wait_dma2 semaphore(%run_scoped3A : memref<!tpu.dma_semaphore, #tpu.memory_space<semaphore_mem>>) src(%arg11 : memref<64x256xf32, #tpu.memory_space<vmem>>) dst(%dma_wait3A_265 : memref<64x256xf32, #tpu.memory_space<hbm>>)
          tpu.yield
        }) : () -> ()
      } else {
      }
    } else {
    }
    %add3A_61 = arith.constant 160 : i32
    %add3A_62 = arith.addi %add3A_61, %add3A : i32
    %lt3A_63 = arith.constant 176 : i32
    %lt3A_64 = arith.cmpi slt, %add3A_62, %lt3A_63 : i32
    %convert_element_type3A_65 = arith.extui %lt3A_64 : i1 to i32
    %cond3A_66 = arith.constant 0 : i32
    %cond3A_67 = arith.cmpi ne, %convert_element_type3A_65, %cond3A_66 : i32
    scf.if %cond3A_67 {
      %run_scoped3A = arith.constant 1 : i32
      "tpu.region"() ({
        %run_scoped3A_246 = tpu.sem_alloc : memref<!tpu.dma_semaphore, #tpu.memory_space<semaphore_mem>>
        %dma_start3A_247 = arith.constant 0 : i32
        %dma_start3A_248 = tpu.memref_slice %arg8[%run_scoped3A, %dma_start3A_247] : memref<25x64xi32, #tpu.memory_space<vmem>> -> memref<1x64xi32, #tpu.memory_space<vmem>>
        %dma_start3A_249 = tpu.memref_squeeze %dma_start3A_248 : memref<1x64xi32, #tpu.memory_space<vmem>> -> memref<64xi32, #tpu.memory_space<vmem>>
        %dma_start3A_250 = arith.constant 0 : i32
        %dma_start3A_251 = tpu.memref_slice %arg4[%add3A_62, %dma_start3A_250] : memref<176x64xi32, #tpu.memory_space<hbm>> -> memref<1x64xi32, #tpu.memory_space<hbm>>
        %dma_start3A_252 = tpu.memref_squeeze %dma_start3A_251 : memref<1x64xi32, #tpu.memory_space<hbm>> -> memref<64xi32, #tpu.memory_space<hbm>>
        %dma_start3A_253 = arith.constant 0 : i32
        %dma_start3A_254 = tpu.memref_slice %arg8[%run_scoped3A, %dma_start3A_253] : memref<25x64xi32, #tpu.memory_space<vmem>> -> memref<1x64xi32, #tpu.memory_space<vmem>>
        %dma_start3A_255 = tpu.memref_squeeze %dma_start3A_254 : memref<1x64xi32, #tpu.memory_space<vmem>> -> memref<64xi32, #tpu.memory_space<vmem>>
        %dma_start3A_256 = arith.constant 0 : i32
        %dma_start3A_257 = tpu.memref_slice %arg4[%add3A_62, %dma_start3A_256] : memref<176x64xi32, #tpu.memory_space<hbm>> -> memref<1x64xi32, #tpu.memory_space<hbm>>
        %dma_start3A_258 = tpu.memref_squeeze %dma_start3A_257 : memref<1x64xi32, #tpu.memory_space<hbm>> -> memref<64xi32, #tpu.memory_space<hbm>>
        tpu.enqueue_dma source(%dma_start3A_258 : memref<64xi32, #tpu.memory_space<hbm>>) target(%dma_start3A_255 : memref<64xi32, #tpu.memory_space<vmem>>) target_semaphore(%run_scoped3A_246 : memref<!tpu.dma_semaphore, #tpu.memory_space<semaphore_mem>>)
        %dma_wait3A_259 = arith.constant 0 : i32
        %dma_wait3A_260 = tpu.memref_slice %arg8[%run_scoped3A, %dma_wait3A_259] : memref<25x64xi32, #tpu.memory_space<vmem>> -> memref<1x64xi32, #tpu.memory_space<vmem>>
        %dma_wait3A_261 = tpu.memref_squeeze %dma_wait3A_260 : memref<1x64xi32, #tpu.memory_space<vmem>> -> memref<64xi32, #tpu.memory_space<vmem>>
        %dma_wait3A_262 = arith.constant 0 : i32
        %dma_wait3A_263 = tpu.memref_slice %arg4[%add3A_62, %dma_wait3A_262] : memref<176x64xi32, #tpu.memory_space<hbm>> -> memref<1x64xi32, #tpu.memory_space<hbm>>
        %dma_wait3A_264 = tpu.memref_squeeze %dma_wait3A_263 : memref<1x64xi32, #tpu.memory_space<hbm>> -> memref<64xi32, #tpu.memory_space<hbm>>
        %dma_wait3A_265 = arith.constant 0 : i32
        %dma_wait3A_266 = tpu.memref_slice %arg8[%run_scoped3A, %dma_wait3A_265] : memref<25x64xi32, #tpu.memory_space<vmem>> -> memref<1x64xi32, #tpu.memory_space<vmem>>
        %dma_wait3A_267 = tpu.memref_squeeze %dma_wait3A_266 : memref<1x64xi32, #tpu.memory_space<vmem>> -> memref<64xi32, #tpu.memory_space<vmem>>
        %dma_wait3A_268 = arith.constant 0 : i32
        %dma_wait3A_269 = tpu.memref_slice %arg4[%add3A_62, %dma_wait3A_268] : memref<176x64xi32, #tpu.memory_space<hbm>> -> memref<1x64xi32, #tpu.memory_space<hbm>>
        %dma_wait3A_270 = tpu.memref_squeeze %dma_wait3A_269 : memref<1x64xi32, #tpu.memory_space<hbm>> -> memref<64xi32, #tpu.memory_space<hbm>>
        tpu.wait_dma2 semaphore(%run_scoped3A_246 : memref<!tpu.dma_semaphore, #tpu.memory_space<semaphore_mem>>) src(%dma_wait3A_270 : memref<64xi32, #tpu.memory_space<hbm>>) dst(%dma_wait3A_267 : memref<64xi32, #tpu.memory_space<vmem>>)
        tpu.yield
      }) : () -> ()
      %dma_start3A_239 = arith.constant 1 : i32
      %dma_start3A_240 = arith.constant 0 : i32
      %dma_start3A_241 = tpu.memref_slice %arg8[%dma_start3A_239, %dma_start3A_240] : memref<25x64xi32, #tpu.memory_space<vmem>> -> memref<1x64xi32, #tpu.memory_space<vmem>>
      %dma_start3A_242 = tpu.memref_squeeze %dma_start3A_241 : memref<1x64xi32, #tpu.memory_space<vmem>> -> memref<64xi32, #tpu.memory_space<vmem>>
      %dma_start3A_243 = arith.constant 0 : i32
      %dma_start3A_244 = arith.constant 0 : i32
      %dma_start3A_245 = tpu.memref_slice %arg2[%dma_start3A_243, %dma_start3A_244] : memref<50000x256xf32, #tpu.memory_space<hbm>> -> memref<50000x256xf32, #tpu.memory_space<hbm>>
      tpu.enqueue_indirect_dma source(%dma_start3A_245 : memref<50000x256xf32, #tpu.memory_space<hbm>>) target(%arg11 : memref<64x256xf32, #tpu.memory_space<vmem>>) offsets(%dma_start3A_242 : memref<64xi32, #tpu.memory_space<vmem>>) semaphore(%arg13 : memref<!tpu.dma_semaphore, #tpu.memory_space<semaphore_mem>>)
    } else {
    }
    %add3A_68 = arith.constant 128 : i32
    %add3A_69 = arith.addi %add3A_68, %add3A : i32
    %lt3A_70 = arith.constant 176 : i32
    %lt3A_71 = arith.cmpi slt, %add3A_69, %lt3A_70 : i32
    %convert_element_type3A_72 = arith.extui %lt3A_71 : i1 to i32
    %cond3A_73 = arith.constant 0 : i32
    %cond3A_74 = arith.cmpi ne, %convert_element_type3A_72, %cond3A_73 : i32
    scf.if %cond3A_74 {
      %dma_wait3A_239 = arith.constant 0 : i32
      %dma_wait3A_240 = arith.constant 0 : i32
      %dma_wait3A_241 = tpu.memref_slice %arg8[%dma_wait3A_239, %dma_wait3A_240] : memref<25x64xi32, #tpu.memory_space<vmem>> -> memref<1x64xi32, #tpu.memory_space<vmem>>
      %dma_wait3A_242 = tpu.memref_squeeze %dma_wait3A_241 : memref<1x64xi32, #tpu.memory_space<vmem>> -> memref<64xi32, #tpu.memory_space<vmem>>
      %dma_wait3A_243 = arith.constant 0 : i32
      %dma_wait3A_244 = arith.constant 0 : i32
      %dma_wait3A_245 = tpu.memref_slice %arg2[%dma_wait3A_243, %dma_wait3A_244] : memref<50000x256xf32, #tpu.memory_space<hbm>> -> memref<50000x256xf32, #tpu.memory_space<hbm>>
      tpu.wait_indirect_dma semaphore(%arg12 : memref<!tpu.dma_semaphore, #tpu.memory_space<semaphore_mem>>) src(%dma_wait3A_245 : memref<50000x256xf32, #tpu.memory_space<hbm>>) dst(%arg10 : memref<64x256xf32, #tpu.memory_space<vmem>>)
      %lt3A_246 = arith.constant 160 : i32
      %lt3A_247 = arith.cmpi slt, %add3A_69, %lt3A_246 : i32
      %convert_element_type3A_248 = arith.extui %lt3A_247 : i1 to i32
      %cond3A_249 = arith.constant 0 : i32
      %cond3A_250 = arith.cmpi ne, %convert_element_type3A_248, %cond3A_249 : i32
      scf.if %cond3A_250 {
        %mul3A_255 = arith.constant 64 : i32
        %mul3A_256 = arith.muli %add3A_69, %mul3A_255 : i32
        "tpu.region"() ({
          %run_scoped3A = tpu.sem_alloc : memref<!tpu.dma_semaphore, #tpu.memory_space<semaphore_mem>>
          %dma_start3A_257 = arith.constant 0 : i32
          %dma_start3A_258 = tpu.memref_slice %arg6[%mul3A_256, %dma_start3A_257] : memref<10240x256xf32, #tpu.memory_space<hbm>> -> memref<64x256xf32, #tpu.memory_space<hbm>>
          %dma_start3A_259 = arith.constant 0 : i32
          %dma_start3A_260 = tpu.memref_slice %arg6[%mul3A_256, %dma_start3A_259] : memref<10240x256xf32, #tpu.memory_space<hbm>> -> memref<64x256xf32, #tpu.memory_space<hbm>>
          tpu.enqueue_dma source(%arg10 : memref<64x256xf32, #tpu.memory_space<vmem>>) target(%dma_start3A_260 : memref<64x256xf32, #tpu.memory_space<hbm>>) target_semaphore(%run_scoped3A : memref<!tpu.dma_semaphore, #tpu.memory_space<semaphore_mem>>)
          %dma_wait3A_261 = arith.constant 0 : i32
          %dma_wait3A_262 = tpu.memref_slice %arg6[%mul3A_256, %dma_wait3A_261] : memref<10240x256xf32, #tpu.memory_space<hbm>> -> memref<64x256xf32, #tpu.memory_space<hbm>>
          %dma_wait3A_263 = arith.constant 0 : i32
          %dma_wait3A_264 = tpu.memref_slice %arg6[%mul3A_256, %dma_wait3A_263] : memref<10240x256xf32, #tpu.memory_space<hbm>> -> memref<64x256xf32, #tpu.memory_space<hbm>>
          tpu.wait_dma2 semaphore(%run_scoped3A : memref<!tpu.dma_semaphore, #tpu.memory_space<semaphore_mem>>) src(%arg10 : memref<64x256xf32, #tpu.memory_space<vmem>>) dst(%dma_wait3A_264 : memref<64x256xf32, #tpu.memory_space<hbm>>)
          tpu.yield
        }) : () -> ()
      } else {
      }
      %ge3A = arith.constant 160 : i32
      %ge3A_251 = arith.cmpi sge, %add3A_69, %ge3A : i32
      %convert_element_type3A_252 = arith.extui %ge3A_251 : i1 to i32
      %cond3A_253 = arith.constant 0 : i32
      %cond3A_254 = arith.cmpi ne, %convert_element_type3A_252, %cond3A_253 : i32
      scf.if %cond3A_254 {
        %sub3A = arith.constant 160 : i32
        %sub3A_255 = arith.subi %add3A_69, %sub3A : i32
        %mul3A_256 = arith.constant 64 : i32
        %mul3A_257 = arith.muli %sub3A_255, %mul3A_256 : i32
        "tpu.region"() ({
          %run_scoped3A = tpu.sem_alloc : memref<!tpu.dma_semaphore, #tpu.memory_space<semaphore_mem>>
          %dma_start3A_258 = arith.constant 0 : i32
          %dma_start3A_259 = tpu.memref_slice %arg7[%mul3A_257, %dma_start3A_258] : memref<1024x256xf32, #tpu.memory_space<hbm>> -> memref<64x256xf32, #tpu.memory_space<hbm>>
          %dma_start3A_260 = arith.constant 0 : i32
          %dma_start3A_261 = tpu.memref_slice %arg7[%mul3A_257, %dma_start3A_260] : memref<1024x256xf32, #tpu.memory_space<hbm>> -> memref<64x256xf32, #tpu.memory_space<hbm>>
          tpu.enqueue_dma source(%arg10 : memref<64x256xf32, #tpu.memory_space<vmem>>) target(%dma_start3A_261 : memref<64x256xf32, #tpu.memory_space<hbm>>) target_semaphore(%run_scoped3A : memref<!tpu.dma_semaphore, #tpu.memory_space<semaphore_mem>>)
          %dma_wait3A_262 = arith.constant 0 : i32
          %dma_wait3A_263 = tpu.memref_slice %arg7[%mul3A_257, %dma_wait3A_262] : memref<1024x256xf32, #tpu.memory_space<hbm>> -> memref<64x256xf32, #tpu.memory_space<hbm>>
          %dma_wait3A_264 = arith.constant 0 : i32
          %dma_wait3A_265 = tpu.memref_slice %arg7[%mul3A_257, %dma_wait3A_264] : memref<1024x256xf32, #tpu.memory_space<hbm>> -> memref<64x256xf32, #tpu.memory_space<hbm>>
          tpu.wait_dma2 semaphore(%run_scoped3A : memref<!tpu.dma_semaphore, #tpu.memory_space<semaphore_mem>>) src(%arg10 : memref<64x256xf32, #tpu.memory_space<vmem>>) dst(%dma_wait3A_265 : memref<64x256xf32, #tpu.memory_space<hbm>>)
          tpu.yield
        }) : () -> ()
      } else {
      }
    } else {
    }
    %add3A_75 = arith.constant 160 : i32
    %add3A_76 = arith.addi %add3A_75, %add3A : i32
    %lt3A_77 = arith.constant 176 : i32
    %lt3A_78 = arith.cmpi slt, %add3A_76, %lt3A_77 : i32
    %convert_element_type3A_79 = arith.extui %lt3A_78 : i1 to i32
    %cond3A_80 = arith.constant 0 : i32
    %cond3A_81 = arith.cmpi ne, %convert_element_type3A_79, %cond3A_80 : i32
    scf.if %cond3A_81 {
      %dma_wait3A_239 = arith.constant 0 : i32
      %dma_wait3A_240 = arith.constant 0 : i32
      %dma_wait3A_241 = tpu.memref_slice %arg8[%dma_wait3A_239, %dma_wait3A_240] : memref<25x64xi32, #tpu.memory_space<vmem>> -> memref<1x64xi32, #tpu.memory_space<vmem>>
      %dma_wait3A_242 = tpu.memref_squeeze %dma_wait3A_241 : memref<1x64xi32, #tpu.memory_space<vmem>> -> memref<64xi32, #tpu.memory_space<vmem>>
      %dma_wait3A_243 = arith.constant 0 : i32
      %dma_wait3A_244 = arith.constant 0 : i32
      %dma_wait3A_245 = tpu.memref_slice %arg2[%dma_wait3A_243, %dma_wait3A_244] : memref<50000x256xf32, #tpu.memory_space<hbm>> -> memref<50000x256xf32, #tpu.memory_space<hbm>>
      tpu.wait_indirect_dma semaphore(%arg13 : memref<!tpu.dma_semaphore, #tpu.memory_space<semaphore_mem>>) src(%dma_wait3A_245 : memref<50000x256xf32, #tpu.memory_space<hbm>>) dst(%arg11 : memref<64x256xf32, #tpu.memory_space<vmem>>)
      %lt3A_246 = arith.constant 160 : i32
      %lt3A_247 = arith.cmpi slt, %add3A_76, %lt3A_246 : i32
      %convert_element_type3A_248 = arith.extui %lt3A_247 : i1 to i32
      %cond3A_249 = arith.constant 0 : i32
      %cond3A_250 = arith.cmpi ne, %convert_element_type3A_248, %cond3A_249 : i32
      scf.if %cond3A_250 {
        %mul3A_255 = arith.constant 64 : i32
        %mul3A_256 = arith.muli %add3A_76, %mul3A_255 : i32
        "tpu.region"() ({
          %run_scoped3A = tpu.sem_alloc : memref<!tpu.dma_semaphore, #tpu.memory_space<semaphore_mem>>
          %dma_start3A_257 = arith.constant 0 : i32
          %dma_start3A_258 = tpu.memref_slice %arg6[%mul3A_256, %dma_start3A_257] : memref<10240x256xf32, #tpu.memory_space<hbm>> -> memref<64x256xf32, #tpu.memory_space<hbm>>
          %dma_start3A_259 = arith.constant 0 : i32
          %dma_start3A_260 = tpu.memref_slice %arg6[%mul3A_256, %dma_start3A_259] : memref<10240x256xf32, #tpu.memory_space<hbm>> -> memref<64x256xf32, #tpu.memory_space<hbm>>
          tpu.enqueue_dma source(%arg11 : memref<64x256xf32, #tpu.memory_space<vmem>>) target(%dma_start3A_260 : memref<64x256xf32, #tpu.memory_space<hbm>>) target_semaphore(%run_scoped3A : memref<!tpu.dma_semaphore, #tpu.memory_space<semaphore_mem>>)
          %dma_wait3A_261 = arith.constant 0 : i32
          %dma_wait3A_262 = tpu.memref_slice %arg6[%mul3A_256, %dma_wait3A_261] : memref<10240x256xf32, #tpu.memory_space<hbm>> -> memref<64x256xf32, #tpu.memory_space<hbm>>
          %dma_wait3A_263 = arith.constant 0 : i32
          %dma_wait3A_264 = tpu.memref_slice %arg6[%mul3A_256, %dma_wait3A_263] : memref<10240x256xf32, #tpu.memory_space<hbm>> -> memref<64x256xf32, #tpu.memory_space<hbm>>
          tpu.wait_dma2 semaphore(%run_scoped3A : memref<!tpu.dma_semaphore, #tpu.memory_space<semaphore_mem>>) src(%arg11 : memref<64x256xf32, #tpu.memory_space<vmem>>) dst(%dma_wait3A_264 : memref<64x256xf32, #tpu.memory_space<hbm>>)
          tpu.yield
        }) : () -> ()
      } else {
      }
      %ge3A = arith.constant 160 : i32
      %ge3A_251 = arith.cmpi sge, %add3A_76, %ge3A : i32
      %convert_element_type3A_252 = arith.extui %ge3A_251 : i1 to i32
      %cond3A_253 = arith.constant 0 : i32
      %cond3A_254 = arith.cmpi ne, %convert_element_type3A_252, %cond3A_253 : i32
      scf.if %cond3A_254 {
        %sub3A = arith.constant 160 : i32
        %sub3A_255 = arith.subi %add3A_76, %sub3A : i32
        %mul3A_256 = arith.constant 64 : i32
        %mul3A_257 = arith.muli %sub3A_255, %mul3A_256 : i32
        "tpu.region"() ({
          %run_scoped3A = tpu.sem_alloc : memref<!tpu.dma_semaphore, #tpu.memory_space<semaphore_mem>>
          %dma_start3A_258 = arith.constant 0 : i32
          %dma_start3A_259 = tpu.memref_slice %arg7[%mul3A_257, %dma_start3A_258] : memref<1024x256xf32, #tpu.memory_space<hbm>> -> memref<64x256xf32, #tpu.memory_space<hbm>>
          %dma_start3A_260 = arith.constant 0 : i32
          %dma_start3A_261 = tpu.memref_slice %arg7[%mul3A_257, %dma_start3A_260] : memref<1024x256xf32, #tpu.memory_space<hbm>> -> memref<64x256xf32, #tpu.memory_space<hbm>>
          tpu.enqueue_dma source(%arg11 : memref<64x256xf32, #tpu.memory_space<vmem>>) target(%dma_start3A_261 : memref<64x256xf32, #tpu.memory_space<hbm>>) target_semaphore(%run_scoped3A : memref<!tpu.dma_semaphore, #tpu.memory_space<semaphore_mem>>)
          %dma_wait3A_262 = arith.constant 0 : i32
          %dma_wait3A_263 = tpu.memref_slice %arg7[%mul3A_257, %dma_wait3A_262] : memref<1024x256xf32, #tpu.memory_space<hbm>> -> memref<64x256xf32, #tpu.memory_space<hbm>>
          %dma_wait3A_264 = arith.constant 0 : i32
          %dma_wait3A_265 = tpu.memref_slice %arg7[%mul3A_257, %dma_wait3A_264] : memref<1024x256xf32, #tpu.memory_space<hbm>> -> memref<64x256xf32, #tpu.memory_space<hbm>>
          tpu.wait_dma2 semaphore(%run_scoped3A : memref<!tpu.dma_semaphore, #tpu.memory_space<semaphore_mem>>) src(%arg11 : memref<64x256xf32, #tpu.memory_space<vmem>>) dst(%dma_wait3A_265 : memref<64x256xf32, #tpu.memory_space<hbm>>)
          tpu.yield
        }) : () -> ()
      } else {
      }
    } else {
    }
    %add3A_82 = arith.constant 0 : i32
    %add3A_83 = arith.addi %add3A_82, %add3A : i32
    "tpu.region"() ({
      %run_scoped3A = tpu.sem_alloc : memref<!tpu.dma_semaphore, #tpu.memory_space<semaphore_mem>>
      %dma_start3A_239 = arith.constant 0 : i32
      %dma_start3A_240 = arith.constant 0 : i32
      %dma_start3A_241 = tpu.memref_slice %arg3[%add3A_83, %dma_start3A_239, %dma_start3A_240] : memref<160x25x64xi32, #tpu.memory_space<hbm>> -> memref<1x25x64xi32, #tpu.memory_space<hbm>>
      %dma_start3A_242 = tpu.memref_squeeze %dma_start3A_241 : memref<1x25x64xi32, #tpu.memory_space<hbm>> -> memref<25x64xi32, #tpu.memory_space<hbm>>
      %dma_start3A_243 = arith.constant 0 : i32
      %dma_start3A_244 = arith.constant 0 : i32
      %dma_start3A_245 = tpu.memref_slice %arg3[%add3A_83, %dma_start3A_243, %dma_start3A_244] : memref<160x25x64xi32, #tpu.memory_space<hbm>> -> memref<1x25x64xi32, #tpu.memory_space<hbm>>
      %dma_start3A_246 = tpu.memref_squeeze %dma_start3A_245 : memref<1x25x64xi32, #tpu.memory_space<hbm>> -> memref<25x64xi32, #tpu.memory_space<hbm>>
      tpu.enqueue_dma source(%dma_start3A_246 : memref<25x64xi32, #tpu.memory_space<hbm>>) target(%arg8 : memref<25x64xi32, #tpu.memory_space<vmem>>) target_semaphore(%run_scoped3A : memref<!tpu.dma_semaphore, #tpu.memory_space<semaphore_mem>>)
      %dma_wait3A_247 = arith.constant 0 : i32
      %dma_wait3A_248 = arith.constant 0 : i32
      %dma_wait3A_249 = tpu.memref_slice %arg3[%add3A_83, %dma_wait3A_247, %dma_wait3A_248] : memref<160x25x64xi32, #tpu.memory_space<hbm>> -> memref<1x25x64xi32, #tpu.memory_space<hbm>>
      %dma_wait3A_250 = tpu.memref_squeeze %dma_wait3A_249 : memref<1x25x64xi32, #tpu.memory_space<hbm>> -> memref<25x64xi32, #tpu.memory_space<hbm>>
      %dma_wait3A_251 = arith.constant 0 : i32
      %dma_wait3A_252 = arith.constant 0 : i32
      %dma_wait3A_253 = tpu.memref_slice %arg3[%add3A_83, %dma_wait3A_251, %dma_wait3A_252] : memref<160x25x64xi32, #tpu.memory_space<hbm>> -> memref<1x25x64xi32, #tpu.memory_space<hbm>>
      %dma_wait3A_254 = tpu.memref_squeeze %dma_wait3A_253 : memref<1x25x64xi32, #tpu.memory_space<hbm>> -> memref<25x64xi32, #tpu.memory_space<hbm>>
      tpu.wait_dma2 semaphore(%run_scoped3A : memref<!tpu.dma_semaphore, #tpu.memory_space<semaphore_mem>>) src(%dma_wait3A_254 : memref<25x64xi32, #tpu.memory_space<hbm>>) dst(%arg8 : memref<25x64xi32, #tpu.memory_space<vmem>>)
      tpu.yield
    }) : () -> ()
    %dma_start3A = arith.constant 0 : i32
    %dma_start3A_84 = arith.constant 0 : i32
    %dma_start3A_85 = tpu.memref_slice %arg8[%dma_start3A, %dma_start3A_84] : memref<25x64xi32, #tpu.memory_space<vmem>> -> memref<1x64xi32, #tpu.memory_space<vmem>>
    %dma_start3A_86 = tpu.memref_squeeze %dma_start3A_85 : memref<1x64xi32, #tpu.memory_space<vmem>> -> memref<64xi32, #tpu.memory_space<vmem>>
    %dma_start3A_87 = arith.constant 0 : i32
    %dma_start3A_88 = arith.constant 0 : i32
    %dma_start3A_89 = tpu.memref_slice %arg2[%dma_start3A_87, %dma_start3A_88] : memref<50000x256xf32, #tpu.memory_space<hbm>> -> memref<50000x256xf32, #tpu.memory_space<hbm>>
    tpu.enqueue_indirect_dma source(%dma_start3A_89 : memref<50000x256xf32, #tpu.memory_space<hbm>>) target(%arg10 : memref<64x256xf32, #tpu.memory_space<vmem>>) offsets(%dma_start3A_86 : memref<64xi32, #tpu.memory_space<vmem>>) semaphore(%arg12 : memref<!tpu.dma_semaphore, #tpu.memory_space<semaphore_mem>>)
    %dma_wait3A = arith.constant 0 : i32
    %dma_wait3A_90 = arith.constant 0 : i32
    %dma_wait3A_91 = tpu.memref_slice %arg8[%dma_wait3A, %dma_wait3A_90] : memref<25x64xi32, #tpu.memory_space<vmem>> -> memref<1x64xi32, #tpu.memory_space<vmem>>
    %dma_wait3A_92 = tpu.memref_squeeze %dma_wait3A_91 : memref<1x64xi32, #tpu.memory_space<vmem>> -> memref<64xi32, #tpu.memory_space<vmem>>
    %dma_wait3A_93 = arith.constant 0 : i32
    %dma_wait3A_94 = arith.constant 0 : i32
    %dma_wait3A_95 = tpu.memref_slice %arg2[%dma_wait3A_93, %dma_wait3A_94] : memref<50000x256xf32, #tpu.memory_space<hbm>> -> memref<50000x256xf32, #tpu.memory_space<hbm>>
    tpu.wait_indirect_dma semaphore(%arg12 : memref<!tpu.dma_semaphore, #tpu.memory_space<semaphore_mem>>) src(%dma_wait3A_95 : memref<50000x256xf32, #tpu.memory_space<hbm>>) dst(%arg10 : memref<64x256xf32, #tpu.memory_space<vmem>>)
    %scan3A = arith.constant 0 : i32
    %scan3A_96 = arith.constant 1 : i32
    %scan3A_97 = arith.constant 24 : i32
    %scan3A_98 = arith.addi %scan3A_96, %scan3A_97 : i32
    %scan3A_99 = arith.constant 1 : i32
    scf.for %scan3A_239 = %scan3A_96 to %scan3A_98 step %scan3A_99  : i32 {
      %dma_start3A_240 = arith.constant 0 : i32
      %dma_start3A_241 = tpu.memref_slice %arg8[%scan3A_239, %dma_start3A_240] : memref<25x64xi32, #tpu.memory_space<vmem>> -> memref<1x64xi32, #tpu.memory_space<vmem>>
      %dma_start3A_242 = tpu.memref_squeeze %dma_start3A_241 : memref<1x64xi32, #tpu.memory_space<vmem>> -> memref<64xi32, #tpu.memory_space<vmem>>
      %dma_start3A_243 = arith.constant 0 : i32
      %dma_start3A_244 = arith.constant 0 : i32
      %dma_start3A_245 = tpu.memref_slice %arg2[%dma_start3A_243, %dma_start3A_244] : memref<50000x256xf32, #tpu.memory_space<hbm>> -> memref<50000x256xf32, #tpu.memory_space<hbm>>
      tpu.enqueue_indirect_dma source(%dma_start3A_245 : memref<50000x256xf32, #tpu.memory_space<hbm>>) target(%arg10 : memref<64x256xf32, #tpu.memory_space<vmem>>) offsets(%dma_start3A_242 : memref<64xi32, #tpu.memory_space<vmem>>) semaphore(%arg12 : memref<!tpu.dma_semaphore, #tpu.memory_space<semaphore_mem>>) {add = true}
    }
    %scan3A_100 = arith.constant 24 : i32
    %add3A_101 = arith.constant 32 : i32
    %add3A_102 = arith.addi %add3A_101, %add3A : i32
    "tpu.region"() ({
      %run_scoped3A = tpu.sem_alloc : memref<!tpu.dma_semaphore, #tpu.memory_space<semaphore_mem>>
      %dma_start3A_239 = arith.constant 0 : i32
      %dma_start3A_240 = arith.constant 0 : i32
      %dma_start3A_241 = tpu.memref_slice %arg3[%add3A_102, %dma_start3A_239, %dma_start3A_240] : memref<160x25x64xi32, #tpu.memory_space<hbm>> -> memref<1x25x64xi32, #tpu.memory_space<hbm>>
      %dma_start3A_242 = tpu.memref_squeeze %dma_start3A_241 : memref<1x25x64xi32, #tpu.memory_space<hbm>> -> memref<25x64xi32, #tpu.memory_space<hbm>>
      %dma_start3A_243 = arith.constant 0 : i32
      %dma_start3A_244 = arith.constant 0 : i32
      %dma_start3A_245 = tpu.memref_slice %arg3[%add3A_102, %dma_start3A_243, %dma_start3A_244] : memref<160x25x64xi32, #tpu.memory_space<hbm>> -> memref<1x25x64xi32, #tpu.memory_space<hbm>>
      %dma_start3A_246 = tpu.memref_squeeze %dma_start3A_245 : memref<1x25x64xi32, #tpu.memory_space<hbm>> -> memref<25x64xi32, #tpu.memory_space<hbm>>
      tpu.enqueue_dma source(%dma_start3A_246 : memref<25x64xi32, #tpu.memory_space<hbm>>) target(%arg9 : memref<25x64xi32, #tpu.memory_space<vmem>>) target_semaphore(%run_scoped3A : memref<!tpu.dma_semaphore, #tpu.memory_space<semaphore_mem>>)
      %dma_wait3A_247 = arith.constant 0 : i32
      %dma_wait3A_248 = arith.constant 0 : i32
      %dma_wait3A_249 = tpu.memref_slice %arg3[%add3A_102, %dma_wait3A_247, %dma_wait3A_248] : memref<160x25x64xi32, #tpu.memory_space<hbm>> -> memref<1x25x64xi32, #tpu.memory_space<hbm>>
      %dma_wait3A_250 = tpu.memref_squeeze %dma_wait3A_249 : memref<1x25x64xi32, #tpu.memory_space<hbm>> -> memref<25x64xi32, #tpu.memory_space<hbm>>
      %dma_wait3A_251 = arith.constant 0 : i32
      %dma_wait3A_252 = arith.constant 0 : i32
      %dma_wait3A_253 = tpu.memref_slice %arg3[%add3A_102, %dma_wait3A_251, %dma_wait3A_252] : memref<160x25x64xi32, #tpu.memory_space<hbm>> -> memref<1x25x64xi32, #tpu.memory_space<hbm>>
      %dma_wait3A_254 = tpu.memref_squeeze %dma_wait3A_253 : memref<1x25x64xi32, #tpu.memory_space<hbm>> -> memref<25x64xi32, #tpu.memory_space<hbm>>
      tpu.wait_dma2 semaphore(%run_scoped3A : memref<!tpu.dma_semaphore, #tpu.memory_space<semaphore_mem>>) src(%dma_wait3A_254 : memref<25x64xi32, #tpu.memory_space<hbm>>) dst(%arg9 : memref<25x64xi32, #tpu.memory_space<vmem>>)
      tpu.yield
    }) : () -> ()
    %dma_start3A_103 = arith.constant 0 : i32
    %dma_start3A_104 = arith.constant 0 : i32
    %dma_start3A_105 = tpu.memref_slice %arg9[%dma_start3A_103, %dma_start3A_104] : memref<25x64xi32, #tpu.memory_space<vmem>> -> memref<1x64xi32, #tpu.memory_space<vmem>>
    %dma_start3A_106 = tpu.memref_squeeze %dma_start3A_105 : memref<1x64xi32, #tpu.memory_space<vmem>> -> memref<64xi32, #tpu.memory_space<vmem>>
    %dma_start3A_107 = arith.constant 0 : i32
    %dma_start3A_108 = arith.constant 0 : i32
    %dma_start3A_109 = tpu.memref_slice %arg2[%dma_start3A_107, %dma_start3A_108] : memref<50000x256xf32, #tpu.memory_space<hbm>> -> memref<50000x256xf32, #tpu.memory_space<hbm>>
    tpu.enqueue_indirect_dma source(%dma_start3A_109 : memref<50000x256xf32, #tpu.memory_space<hbm>>) target(%arg11 : memref<64x256xf32, #tpu.memory_space<vmem>>) offsets(%dma_start3A_106 : memref<64xi32, #tpu.memory_space<vmem>>) semaphore(%arg13 : memref<!tpu.dma_semaphore, #tpu.memory_space<semaphore_mem>>)
    %add3A_110 = arith.constant 0 : i32
    %add3A_111 = arith.addi %add3A_110, %add3A : i32
    %scan3A_112 = arith.constant 0 : i32
    %scan3A_113 = arith.constant 1 : i32
    %scan3A_114 = arith.constant 24 : i32
    %scan3A_115 = arith.addi %scan3A_113, %scan3A_114 : i32
    %scan3A_116 = arith.constant 1 : i32
    scf.for %scan3A_239 = %scan3A_113 to %scan3A_115 step %scan3A_116  : i32 {
      %dma_wait3A_240 = arith.constant 0 : i32
      %dma_wait3A_241 = arith.constant 0 : i32
      %dma_wait3A_242 = tpu.memref_slice %arg8[%dma_wait3A_240, %dma_wait3A_241] : memref<25x64xi32, #tpu.memory_space<vmem>> -> memref<1x64xi32, #tpu.memory_space<vmem>>
      %dma_wait3A_243 = tpu.memref_squeeze %dma_wait3A_242 : memref<1x64xi32, #tpu.memory_space<vmem>> -> memref<64xi32, #tpu.memory_space<vmem>>
      %dma_wait3A_244 = arith.constant 0 : i32
      %dma_wait3A_245 = arith.constant 0 : i32
      %dma_wait3A_246 = tpu.memref_slice %arg2[%dma_wait3A_244, %dma_wait3A_245] : memref<50000x256xf32, #tpu.memory_space<hbm>> -> memref<50000x256xf32, #tpu.memory_space<hbm>>
      tpu.wait_indirect_dma semaphore(%arg12 : memref<!tpu.dma_semaphore, #tpu.memory_space<semaphore_mem>>) src(%dma_wait3A_246 : memref<50000x256xf32, #tpu.memory_space<hbm>>) dst(%arg10 : memref<64x256xf32, #tpu.memory_space<vmem>>)
    }
    %scan3A_117 = arith.constant 24 : i32
    %mul3A_118 = arith.constant 64 : i32
    %mul3A_119 = arith.muli %add3A_111, %mul3A_118 : i32
    "tpu.region"() ({
      %run_scoped3A = tpu.sem_alloc : memref<!tpu.dma_semaphore, #tpu.memory_space<semaphore_mem>>
      %dma_start3A_239 = arith.constant 0 : i32
      %dma_start3A_240 = tpu.memref_slice %arg5[%mul3A_119, %dma_start3A_239] : memref<10240x256xf32, #tpu.memory_space<hbm>> -> memref<64x256xf32, #tpu.memory_space<hbm>>
      %dma_start3A_241 = arith.constant 0 : i32
      %dma_start3A_242 = tpu.memref_slice %arg5[%mul3A_119, %dma_start3A_241] : memref<10240x256xf32, #tpu.memory_space<hbm>> -> memref<64x256xf32, #tpu.memory_space<hbm>>
      tpu.enqueue_dma source(%arg10 : memref<64x256xf32, #tpu.memory_space<vmem>>) target(%dma_start3A_242 : memref<64x256xf32, #tpu.memory_space<hbm>>) target_semaphore(%run_scoped3A : memref<!tpu.dma_semaphore, #tpu.memory_space<semaphore_mem>>)
      %dma_wait3A_243 = arith.constant 0 : i32
      %dma_wait3A_244 = tpu.memref_slice %arg5[%mul3A_119, %dma_wait3A_243] : memref<10240x256xf32, #tpu.memory_space<hbm>> -> memref<64x256xf32, #tpu.memory_space<hbm>>
      %dma_wait3A_245 = arith.constant 0 : i32
      %dma_wait3A_246 = tpu.memref_slice %arg5[%mul3A_119, %dma_wait3A_245] : memref<10240x256xf32, #tpu.memory_space<hbm>> -> memref<64x256xf32, #tpu.memory_space<hbm>>
      tpu.wait_dma2 semaphore(%run_scoped3A : memref<!tpu.dma_semaphore, #tpu.memory_space<semaphore_mem>>) src(%arg10 : memref<64x256xf32, #tpu.memory_space<vmem>>) dst(%dma_wait3A_246 : memref<64x256xf32, #tpu.memory_space<hbm>>)
      tpu.yield
    }) : () -> ()
    %dma_wait3A_120 = arith.constant 0 : i32
    %dma_wait3A_121 = arith.constant 0 : i32
    %dma_wait3A_122 = tpu.memref_slice %arg9[%dma_wait3A_120, %dma_wait3A_121] : memref<25x64xi32, #tpu.memory_space<vmem>> -> memref<1x64xi32, #tpu.memory_space<vmem>>
    %dma_wait3A_123 = tpu.memref_squeeze %dma_wait3A_122 : memref<1x64xi32, #tpu.memory_space<vmem>> -> memref<64xi32, #tpu.memory_space<vmem>>
    %dma_wait3A_124 = arith.constant 0 : i32
    %dma_wait3A_125 = arith.constant 0 : i32
    %dma_wait3A_126 = tpu.memref_slice %arg2[%dma_wait3A_124, %dma_wait3A_125] : memref<50000x256xf32, #tpu.memory_space<hbm>> -> memref<50000x256xf32, #tpu.memory_space<hbm>>
    tpu.wait_indirect_dma semaphore(%arg13 : memref<!tpu.dma_semaphore, #tpu.memory_space<semaphore_mem>>) src(%dma_wait3A_126 : memref<50000x256xf32, #tpu.memory_space<hbm>>) dst(%arg11 : memref<64x256xf32, #tpu.memory_space<vmem>>)
    %scan3A_127 = arith.constant 0 : i32
    %scan3A_128 = arith.constant 1 : i32
    %scan3A_129 = arith.constant 24 : i32
    %scan3A_130 = arith.addi %scan3A_128, %scan3A_129 : i32
    %scan3A_131 = arith.constant 1 : i32
    scf.for %scan3A_239 = %scan3A_128 to %scan3A_130 step %scan3A_131  : i32 {
      %dma_start3A_240 = arith.constant 0 : i32
      %dma_start3A_241 = tpu.memref_slice %arg9[%scan3A_239, %dma_start3A_240] : memref<25x64xi32, #tpu.memory_space<vmem>> -> memref<1x64xi32, #tpu.memory_space<vmem>>
      %dma_start3A_242 = tpu.memref_squeeze %dma_start3A_241 : memref<1x64xi32, #tpu.memory_space<vmem>> -> memref<64xi32, #tpu.memory_space<vmem>>
      %dma_start3A_243 = arith.constant 0 : i32
      %dma_start3A_244 = arith.constant 0 : i32
      %dma_start3A_245 = tpu.memref_slice %arg2[%dma_start3A_243, %dma_start3A_244] : memref<50000x256xf32, #tpu.memory_space<hbm>> -> memref<50000x256xf32, #tpu.memory_space<hbm>>
      tpu.enqueue_indirect_dma source(%dma_start3A_245 : memref<50000x256xf32, #tpu.memory_space<hbm>>) target(%arg11 : memref<64x256xf32, #tpu.memory_space<vmem>>) offsets(%dma_start3A_242 : memref<64xi32, #tpu.memory_space<vmem>>) semaphore(%arg13 : memref<!tpu.dma_semaphore, #tpu.memory_space<semaphore_mem>>) {add = true}
    }
    %scan3A_132 = arith.constant 24 : i32
    %add3A_133 = arith.constant 64 : i32
    %add3A_134 = arith.addi %add3A_133, %add3A : i32
    "tpu.region"() ({
      %run_scoped3A = tpu.sem_alloc : memref<!tpu.dma_semaphore, #tpu.memory_space<semaphore_mem>>
      %dma_start3A_239 = arith.constant 0 : i32
      %dma_start3A_240 = arith.constant 0 : i32
      %dma_start3A_241 = tpu.memref_slice %arg3[%add3A_134, %dma_start3A_239, %dma_start3A_240] : memref<160x25x64xi32, #tpu.memory_space<hbm>> -> memref<1x25x64xi32, #tpu.memory_space<hbm>>
      %dma_start3A_242 = tpu.memref_squeeze %dma_start3A_241 : memref<1x25x64xi32, #tpu.memory_space<hbm>> -> memref<25x64xi32, #tpu.memory_space<hbm>>
      %dma_start3A_243 = arith.constant 0 : i32
      %dma_start3A_244 = arith.constant 0 : i32
      %dma_start3A_245 = tpu.memref_slice %arg3[%add3A_134, %dma_start3A_243, %dma_start3A_244] : memref<160x25x64xi32, #tpu.memory_space<hbm>> -> memref<1x25x64xi32, #tpu.memory_space<hbm>>
      %dma_start3A_246 = tpu.memref_squeeze %dma_start3A_245 : memref<1x25x64xi32, #tpu.memory_space<hbm>> -> memref<25x64xi32, #tpu.memory_space<hbm>>
      tpu.enqueue_dma source(%dma_start3A_246 : memref<25x64xi32, #tpu.memory_space<hbm>>) target(%arg8 : memref<25x64xi32, #tpu.memory_space<vmem>>) target_semaphore(%run_scoped3A : memref<!tpu.dma_semaphore, #tpu.memory_space<semaphore_mem>>)
      %dma_wait3A_247 = arith.constant 0 : i32
      %dma_wait3A_248 = arith.constant 0 : i32
      %dma_wait3A_249 = tpu.memref_slice %arg3[%add3A_134, %dma_wait3A_247, %dma_wait3A_248] : memref<160x25x64xi32, #tpu.memory_space<hbm>> -> memref<1x25x64xi32, #tpu.memory_space<hbm>>
      %dma_wait3A_250 = tpu.memref_squeeze %dma_wait3A_249 : memref<1x25x64xi32, #tpu.memory_space<hbm>> -> memref<25x64xi32, #tpu.memory_space<hbm>>
      %dma_wait3A_251 = arith.constant 0 : i32
      %dma_wait3A_252 = arith.constant 0 : i32
      %dma_wait3A_253 = tpu.memref_slice %arg3[%add3A_134, %dma_wait3A_251, %dma_wait3A_252] : memref<160x25x64xi32, #tpu.memory_space<hbm>> -> memref<1x25x64xi32, #tpu.memory_space<hbm>>
      %dma_wait3A_254 = tpu.memref_squeeze %dma_wait3A_253 : memref<1x25x64xi32, #tpu.memory_space<hbm>> -> memref<25x64xi32, #tpu.memory_space<hbm>>
      tpu.wait_dma2 semaphore(%run_scoped3A : memref<!tpu.dma_semaphore, #tpu.memory_space<semaphore_mem>>) src(%dma_wait3A_254 : memref<25x64xi32, #tpu.memory_space<hbm>>) dst(%arg8 : memref<25x64xi32, #tpu.memory_space<vmem>>)
      tpu.yield
    }) : () -> ()
    %dma_start3A_135 = arith.constant 0 : i32
    %dma_start3A_136 = arith.constant 0 : i32
    %dma_start3A_137 = tpu.memref_slice %arg8[%dma_start3A_135, %dma_start3A_136] : memref<25x64xi32, #tpu.memory_space<vmem>> -> memref<1x64xi32, #tpu.memory_space<vmem>>
    %dma_start3A_138 = tpu.memref_squeeze %dma_start3A_137 : memref<1x64xi32, #tpu.memory_space<vmem>> -> memref<64xi32, #tpu.memory_space<vmem>>
    %dma_start3A_139 = arith.constant 0 : i32
    %dma_start3A_140 = arith.constant 0 : i32
    %dma_start3A_141 = tpu.memref_slice %arg2[%dma_start3A_139, %dma_start3A_140] : memref<50000x256xf32, #tpu.memory_space<hbm>> -> memref<50000x256xf32, #tpu.memory_space<hbm>>
    tpu.enqueue_indirect_dma source(%dma_start3A_141 : memref<50000x256xf32, #tpu.memory_space<hbm>>) target(%arg10 : memref<64x256xf32, #tpu.memory_space<vmem>>) offsets(%dma_start3A_138 : memref<64xi32, #tpu.memory_space<vmem>>) semaphore(%arg12 : memref<!tpu.dma_semaphore, #tpu.memory_space<semaphore_mem>>)
    %add3A_142 = arith.constant 32 : i32
    %add3A_143 = arith.addi %add3A_142, %add3A : i32
    %scan3A_144 = arith.constant 0 : i32
    %scan3A_145 = arith.constant 1 : i32
    %scan3A_146 = arith.constant 24 : i32
    %scan3A_147 = arith.addi %scan3A_145, %scan3A_146 : i32
    %scan3A_148 = arith.constant 1 : i32
    scf.for %scan3A_239 = %scan3A_145 to %scan3A_147 step %scan3A_148  : i32 {
      %dma_wait3A_240 = arith.constant 0 : i32
      %dma_wait3A_241 = arith.constant 0 : i32
      %dma_wait3A_242 = tpu.memref_slice %arg9[%dma_wait3A_240, %dma_wait3A_241] : memref<25x64xi32, #tpu.memory_space<vmem>> -> memref<1x64xi32, #tpu.memory_space<vmem>>
      %dma_wait3A_243 = tpu.memref_squeeze %dma_wait3A_242 : memref<1x64xi32, #tpu.memory_space<vmem>> -> memref<64xi32, #tpu.memory_space<vmem>>
      %dma_wait3A_244 = arith.constant 0 : i32
      %dma_wait3A_245 = arith.constant 0 : i32
      %dma_wait3A_246 = tpu.memref_slice %arg2[%dma_wait3A_244, %dma_wait3A_245] : memref<50000x256xf32, #tpu.memory_space<hbm>> -> memref<50000x256xf32, #tpu.memory_space<hbm>>
      tpu.wait_indirect_dma semaphore(%arg13 : memref<!tpu.dma_semaphore, #tpu.memory_space<semaphore_mem>>) src(%dma_wait3A_246 : memref<50000x256xf32, #tpu.memory_space<hbm>>) dst(%arg11 : memref<64x256xf32, #tpu.memory_space<vmem>>)
    }
    %scan3A_149 = arith.constant 24 : i32
    %mul3A_150 = arith.constant 64 : i32
    %mul3A_151 = arith.muli %add3A_143, %mul3A_150 : i32
    "tpu.region"() ({
      %run_scoped3A = tpu.sem_alloc : memref<!tpu.dma_semaphore, #tpu.memory_space<semaphore_mem>>
      %dma_start3A_239 = arith.constant 0 : i32
      %dma_start3A_240 = tpu.memref_slice %arg5[%mul3A_151, %dma_start3A_239] : memref<10240x256xf32, #tpu.memory_space<hbm>> -> memref<64x256xf32, #tpu.memory_space<hbm>>
      %dma_start3A_241 = arith.constant 0 : i32
      %dma_start3A_242 = tpu.memref_slice %arg5[%mul3A_151, %dma_start3A_241] : memref<10240x256xf32, #tpu.memory_space<hbm>> -> memref<64x256xf32, #tpu.memory_space<hbm>>
      tpu.enqueue_dma source(%arg11 : memref<64x256xf32, #tpu.memory_space<vmem>>) target(%dma_start3A_242 : memref<64x256xf32, #tpu.memory_space<hbm>>) target_semaphore(%run_scoped3A : memref<!tpu.dma_semaphore, #tpu.memory_space<semaphore_mem>>)
      %dma_wait3A_243 = arith.constant 0 : i32
      %dma_wait3A_244 = tpu.memref_slice %arg5[%mul3A_151, %dma_wait3A_243] : memref<10240x256xf32, #tpu.memory_space<hbm>> -> memref<64x256xf32, #tpu.memory_space<hbm>>
      %dma_wait3A_245 = arith.constant 0 : i32
      %dma_wait3A_246 = tpu.memref_slice %arg5[%mul3A_151, %dma_wait3A_245] : memref<10240x256xf32, #tpu.memory_space<hbm>> -> memref<64x256xf32, #tpu.memory_space<hbm>>
      tpu.wait_dma2 semaphore(%run_scoped3A : memref<!tpu.dma_semaphore, #tpu.memory_space<semaphore_mem>>) src(%arg11 : memref<64x256xf32, #tpu.memory_space<vmem>>) dst(%dma_wait3A_246 : memref<64x256xf32, #tpu.memory_space<hbm>>)
      tpu.yield
    }) : () -> ()
    %dma_wait3A_152 = arith.constant 0 : i32
    %dma_wait3A_153 = arith.constant 0 : i32
    %dma_wait3A_154 = tpu.memref_slice %arg8[%dma_wait3A_152, %dma_wait3A_153] : memref<25x64xi32, #tpu.memory_space<vmem>> -> memref<1x64xi32, #tpu.memory_space<vmem>>
    %dma_wait3A_155 = tpu.memref_squeeze %dma_wait3A_154 : memref<1x64xi32, #tpu.memory_space<vmem>> -> memref<64xi32, #tpu.memory_space<vmem>>
    %dma_wait3A_156 = arith.constant 0 : i32
    %dma_wait3A_157 = arith.constant 0 : i32
    %dma_wait3A_158 = tpu.memref_slice %arg2[%dma_wait3A_156, %dma_wait3A_157] : memref<50000x256xf32, #tpu.memory_space<hbm>> -> memref<50000x256xf32, #tpu.memory_space<hbm>>
    tpu.wait_indirect_dma semaphore(%arg12 : memref<!tpu.dma_semaphore, #tpu.memory_space<semaphore_mem>>) src(%dma_wait3A_158 : memref<50000x256xf32, #tpu.memory_space<hbm>>) dst(%arg10 : memref<64x256xf32, #tpu.memory_space<vmem>>)
    %scan3A_159 = arith.constant 0 : i32
    %scan3A_160 = arith.constant 1 : i32
    %scan3A_161 = arith.constant 24 : i32
    %scan3A_162 = arith.addi %scan3A_160, %scan3A_161 : i32
    %scan3A_163 = arith.constant 1 : i32
    scf.for %scan3A_239 = %scan3A_160 to %scan3A_162 step %scan3A_163  : i32 {
      %dma_start3A_240 = arith.constant 0 : i32
      %dma_start3A_241 = tpu.memref_slice %arg8[%scan3A_239, %dma_start3A_240] : memref<25x64xi32, #tpu.memory_space<vmem>> -> memref<1x64xi32, #tpu.memory_space<vmem>>
      %dma_start3A_242 = tpu.memref_squeeze %dma_start3A_241 : memref<1x64xi32, #tpu.memory_space<vmem>> -> memref<64xi32, #tpu.memory_space<vmem>>
      %dma_start3A_243 = arith.constant 0 : i32
      %dma_start3A_244 = arith.constant 0 : i32
      %dma_start3A_245 = tpu.memref_slice %arg2[%dma_start3A_243, %dma_start3A_244] : memref<50000x256xf32, #tpu.memory_space<hbm>> -> memref<50000x256xf32, #tpu.memory_space<hbm>>
      tpu.enqueue_indirect_dma source(%dma_start3A_245 : memref<50000x256xf32, #tpu.memory_space<hbm>>) target(%arg10 : memref<64x256xf32, #tpu.memory_space<vmem>>) offsets(%dma_start3A_242 : memref<64xi32, #tpu.memory_space<vmem>>) semaphore(%arg12 : memref<!tpu.dma_semaphore, #tpu.memory_space<semaphore_mem>>) {add = true}
    }
    %scan3A_164 = arith.constant 24 : i32
    %add3A_165 = arith.constant 96 : i32
    %add3A_166 = arith.addi %add3A_165, %add3A : i32
    "tpu.region"() ({
      %run_scoped3A = tpu.sem_alloc : memref<!tpu.dma_semaphore, #tpu.memory_space<semaphore_mem>>
      %dma_start3A_239 = arith.constant 0 : i32
      %dma_start3A_240 = arith.constant 0 : i32
      %dma_start3A_241 = tpu.memref_slice %arg3[%add3A_166, %dma_start3A_239, %dma_start3A_240] : memref<160x25x64xi32, #tpu.memory_space<hbm>> -> memref<1x25x64xi32, #tpu.memory_space<hbm>>
      %dma_start3A_242 = tpu.memref_squeeze %dma_start3A_241 : memref<1x25x64xi32, #tpu.memory_space<hbm>> -> memref<25x64xi32, #tpu.memory_space<hbm>>
      %dma_start3A_243 = arith.constant 0 : i32
      %dma_start3A_244 = arith.constant 0 : i32
      %dma_start3A_245 = tpu.memref_slice %arg3[%add3A_166, %dma_start3A_243, %dma_start3A_244] : memref<160x25x64xi32, #tpu.memory_space<hbm>> -> memref<1x25x64xi32, #tpu.memory_space<hbm>>
      %dma_start3A_246 = tpu.memref_squeeze %dma_start3A_245 : memref<1x25x64xi32, #tpu.memory_space<hbm>> -> memref<25x64xi32, #tpu.memory_space<hbm>>
      tpu.enqueue_dma source(%dma_start3A_246 : memref<25x64xi32, #tpu.memory_space<hbm>>) target(%arg9 : memref<25x64xi32, #tpu.memory_space<vmem>>) target_semaphore(%run_scoped3A : memref<!tpu.dma_semaphore, #tpu.memory_space<semaphore_mem>>)
      %dma_wait3A_247 = arith.constant 0 : i32
      %dma_wait3A_248 = arith.constant 0 : i32
      %dma_wait3A_249 = tpu.memref_slice %arg3[%add3A_166, %dma_wait3A_247, %dma_wait3A_248] : memref<160x25x64xi32, #tpu.memory_space<hbm>> -> memref<1x25x64xi32, #tpu.memory_space<hbm>>
      %dma_wait3A_250 = tpu.memref_squeeze %dma_wait3A_249 : memref<1x25x64xi32, #tpu.memory_space<hbm>> -> memref<25x64xi32, #tpu.memory_space<hbm>>
      %dma_wait3A_251 = arith.constant 0 : i32
      %dma_wait3A_252 = arith.constant 0 : i32
      %dma_wait3A_253 = tpu.memref_slice %arg3[%add3A_166, %dma_wait3A_251, %dma_wait3A_252] : memref<160x25x64xi32, #tpu.memory_space<hbm>> -> memref<1x25x64xi32, #tpu.memory_space<hbm>>
      %dma_wait3A_254 = tpu.memref_squeeze %dma_wait3A_253 : memref<1x25x64xi32, #tpu.memory_space<hbm>> -> memref<25x64xi32, #tpu.memory_space<hbm>>
      tpu.wait_dma2 semaphore(%run_scoped3A : memref<!tpu.dma_semaphore, #tpu.memory_space<semaphore_mem>>) src(%dma_wait3A_254 : memref<25x64xi32, #tpu.memory_space<hbm>>) dst(%arg9 : memref<25x64xi32, #tpu.memory_space<vmem>>)
      tpu.yield
    }) : () -> ()
    %dma_start3A_167 = arith.constant 0 : i32
    %dma_start3A_168 = arith.constant 0 : i32
    %dma_start3A_169 = tpu.memref_slice %arg9[%dma_start3A_167, %dma_start3A_168] : memref<25x64xi32, #tpu.memory_space<vmem>> -> memref<1x64xi32, #tpu.memory_space<vmem>>
    %dma_start3A_170 = tpu.memref_squeeze %dma_start3A_169 : memref<1x64xi32, #tpu.memory_space<vmem>> -> memref<64xi32, #tpu.memory_space<vmem>>
    %dma_start3A_171 = arith.constant 0 : i32
    %dma_start3A_172 = arith.constant 0 : i32
    %dma_start3A_173 = tpu.memref_slice %arg2[%dma_start3A_171, %dma_start3A_172] : memref<50000x256xf32, #tpu.memory_space<hbm>> -> memref<50000x256xf32, #tpu.memory_space<hbm>>
    tpu.enqueue_indirect_dma source(%dma_start3A_173 : memref<50000x256xf32, #tpu.memory_space<hbm>>) target(%arg11 : memref<64x256xf32, #tpu.memory_space<vmem>>) offsets(%dma_start3A_170 : memref<64xi32, #tpu.memory_space<vmem>>) semaphore(%arg13 : memref<!tpu.dma_semaphore, #tpu.memory_space<semaphore_mem>>)
    %add3A_174 = arith.constant 64 : i32
    %add3A_175 = arith.addi %add3A_174, %add3A : i32
    %scan3A_176 = arith.constant 0 : i32
    %scan3A_177 = arith.constant 1 : i32
    %scan3A_178 = arith.constant 24 : i32
    %scan3A_179 = arith.addi %scan3A_177, %scan3A_178 : i32
    %scan3A_180 = arith.constant 1 : i32
    scf.for %scan3A_239 = %scan3A_177 to %scan3A_179 step %scan3A_180  : i32 {
      %dma_wait3A_240 = arith.constant 0 : i32
      %dma_wait3A_241 = arith.constant 0 : i32
      %dma_wait3A_242 = tpu.memref_slice %arg8[%dma_wait3A_240, %dma_wait3A_241] : memref<25x64xi32, #tpu.memory_space<vmem>> -> memref<1x64xi32, #tpu.memory_space<vmem>>
      %dma_wait3A_243 = tpu.memref_squeeze %dma_wait3A_242 : memref<1x64xi32, #tpu.memory_space<vmem>> -> memref<64xi32, #tpu.memory_space<vmem>>
      %dma_wait3A_244 = arith.constant 0 : i32
      %dma_wait3A_245 = arith.constant 0 : i32
      %dma_wait3A_246 = tpu.memref_slice %arg2[%dma_wait3A_244, %dma_wait3A_245] : memref<50000x256xf32, #tpu.memory_space<hbm>> -> memref<50000x256xf32, #tpu.memory_space<hbm>>
      tpu.wait_indirect_dma semaphore(%arg12 : memref<!tpu.dma_semaphore, #tpu.memory_space<semaphore_mem>>) src(%dma_wait3A_246 : memref<50000x256xf32, #tpu.memory_space<hbm>>) dst(%arg10 : memref<64x256xf32, #tpu.memory_space<vmem>>)
    }
    %scan3A_181 = arith.constant 24 : i32
    %mul3A_182 = arith.constant 64 : i32
    %mul3A_183 = arith.muli %add3A_175, %mul3A_182 : i32
    "tpu.region"() ({
      %run_scoped3A = tpu.sem_alloc : memref<!tpu.dma_semaphore, #tpu.memory_space<semaphore_mem>>
      %dma_start3A_239 = arith.constant 0 : i32
      %dma_start3A_240 = tpu.memref_slice %arg5[%mul3A_183, %dma_start3A_239] : memref<10240x256xf32, #tpu.memory_space<hbm>> -> memref<64x256xf32, #tpu.memory_space<hbm>>
      %dma_start3A_241 = arith.constant 0 : i32
      %dma_start3A_242 = tpu.memref_slice %arg5[%mul3A_183, %dma_start3A_241] : memref<10240x256xf32, #tpu.memory_space<hbm>> -> memref<64x256xf32, #tpu.memory_space<hbm>>
      tpu.enqueue_dma source(%arg10 : memref<64x256xf32, #tpu.memory_space<vmem>>) target(%dma_start3A_242 : memref<64x256xf32, #tpu.memory_space<hbm>>) target_semaphore(%run_scoped3A : memref<!tpu.dma_semaphore, #tpu.memory_space<semaphore_mem>>)
      %dma_wait3A_243 = arith.constant 0 : i32
      %dma_wait3A_244 = tpu.memref_slice %arg5[%mul3A_183, %dma_wait3A_243] : memref<10240x256xf32, #tpu.memory_space<hbm>> -> memref<64x256xf32, #tpu.memory_space<hbm>>
      %dma_wait3A_245 = arith.constant 0 : i32
      %dma_wait3A_246 = tpu.memref_slice %arg5[%mul3A_183, %dma_wait3A_245] : memref<10240x256xf32, #tpu.memory_space<hbm>> -> memref<64x256xf32, #tpu.memory_space<hbm>>
      tpu.wait_dma2 semaphore(%run_scoped3A : memref<!tpu.dma_semaphore, #tpu.memory_space<semaphore_mem>>) src(%arg10 : memref<64x256xf32, #tpu.memory_space<vmem>>) dst(%dma_wait3A_246 : memref<64x256xf32, #tpu.memory_space<hbm>>)
      tpu.yield
    }) : () -> ()
    %dma_wait3A_184 = arith.constant 0 : i32
    %dma_wait3A_185 = arith.constant 0 : i32
    %dma_wait3A_186 = tpu.memref_slice %arg9[%dma_wait3A_184, %dma_wait3A_185] : memref<25x64xi32, #tpu.memory_space<vmem>> -> memref<1x64xi32, #tpu.memory_space<vmem>>
    %dma_wait3A_187 = tpu.memref_squeeze %dma_wait3A_186 : memref<1x64xi32, #tpu.memory_space<vmem>> -> memref<64xi32, #tpu.memory_space<vmem>>
    %dma_wait3A_188 = arith.constant 0 : i32
    %dma_wait3A_189 = arith.constant 0 : i32
    %dma_wait3A_190 = tpu.memref_slice %arg2[%dma_wait3A_188, %dma_wait3A_189] : memref<50000x256xf32, #tpu.memory_space<hbm>> -> memref<50000x256xf32, #tpu.memory_space<hbm>>
    tpu.wait_indirect_dma semaphore(%arg13 : memref<!tpu.dma_semaphore, #tpu.memory_space<semaphore_mem>>) src(%dma_wait3A_190 : memref<50000x256xf32, #tpu.memory_space<hbm>>) dst(%arg11 : memref<64x256xf32, #tpu.memory_space<vmem>>)
    %scan3A_191 = arith.constant 0 : i32
    %scan3A_192 = arith.constant 1 : i32
    %scan3A_193 = arith.constant 24 : i32
    %scan3A_194 = arith.addi %scan3A_192, %scan3A_193 : i32
    %scan3A_195 = arith.constant 1 : i32
    scf.for %scan3A_239 = %scan3A_192 to %scan3A_194 step %scan3A_195  : i32 {
      %dma_start3A_240 = arith.constant 0 : i32
      %dma_start3A_241 = tpu.memref_slice %arg9[%scan3A_239, %dma_start3A_240] : memref<25x64xi32, #tpu.memory_space<vmem>> -> memref<1x64xi32, #tpu.memory_space<vmem>>
      %dma_start3A_242 = tpu.memref_squeeze %dma_start3A_241 : memref<1x64xi32, #tpu.memory_space<vmem>> -> memref<64xi32, #tpu.memory_space<vmem>>
      %dma_start3A_243 = arith.constant 0 : i32
      %dma_start3A_244 = arith.constant 0 : i32
      %dma_start3A_245 = tpu.memref_slice %arg2[%dma_start3A_243, %dma_start3A_244] : memref<50000x256xf32, #tpu.memory_space<hbm>> -> memref<50000x256xf32, #tpu.memory_space<hbm>>
      tpu.enqueue_indirect_dma source(%dma_start3A_245 : memref<50000x256xf32, #tpu.memory_space<hbm>>) target(%arg11 : memref<64x256xf32, #tpu.memory_space<vmem>>) offsets(%dma_start3A_242 : memref<64xi32, #tpu.memory_space<vmem>>) semaphore(%arg13 : memref<!tpu.dma_semaphore, #tpu.memory_space<semaphore_mem>>) {add = true}
    }
    %scan3A_196 = arith.constant 24 : i32
    %add3A_197 = arith.constant 128 : i32
    %add3A_198 = arith.addi %add3A_197, %add3A : i32
    "tpu.region"() ({
      %run_scoped3A = tpu.sem_alloc : memref<!tpu.dma_semaphore, #tpu.memory_space<semaphore_mem>>
      %dma_start3A_239 = arith.constant 0 : i32
      %dma_start3A_240 = arith.constant 0 : i32
      %dma_start3A_241 = tpu.memref_slice %arg3[%add3A_198, %dma_start3A_239, %dma_start3A_240] : memref<160x25x64xi32, #tpu.memory_space<hbm>> -> memref<1x25x64xi32, #tpu.memory_space<hbm>>
      %dma_start3A_242 = tpu.memref_squeeze %dma_start3A_241 : memref<1x25x64xi32, #tpu.memory_space<hbm>> -> memref<25x64xi32, #tpu.memory_space<hbm>>
      %dma_start3A_243 = arith.constant 0 : i32
      %dma_start3A_244 = arith.constant 0 : i32
      %dma_start3A_245 = tpu.memref_slice %arg3[%add3A_198, %dma_start3A_243, %dma_start3A_244] : memref<160x25x64xi32, #tpu.memory_space<hbm>> -> memref<1x25x64xi32, #tpu.memory_space<hbm>>
      %dma_start3A_246 = tpu.memref_squeeze %dma_start3A_245 : memref<1x25x64xi32, #tpu.memory_space<hbm>> -> memref<25x64xi32, #tpu.memory_space<hbm>>
      tpu.enqueue_dma source(%dma_start3A_246 : memref<25x64xi32, #tpu.memory_space<hbm>>) target(%arg8 : memref<25x64xi32, #tpu.memory_space<vmem>>) target_semaphore(%run_scoped3A : memref<!tpu.dma_semaphore, #tpu.memory_space<semaphore_mem>>)
      %dma_wait3A_247 = arith.constant 0 : i32
      %dma_wait3A_248 = arith.constant 0 : i32
      %dma_wait3A_249 = tpu.memref_slice %arg3[%add3A_198, %dma_wait3A_247, %dma_wait3A_248] : memref<160x25x64xi32, #tpu.memory_space<hbm>> -> memref<1x25x64xi32, #tpu.memory_space<hbm>>
      %dma_wait3A_250 = tpu.memref_squeeze %dma_wait3A_249 : memref<1x25x64xi32, #tpu.memory_space<hbm>> -> memref<25x64xi32, #tpu.memory_space<hbm>>
      %dma_wait3A_251 = arith.constant 0 : i32
      %dma_wait3A_252 = arith.constant 0 : i32
      %dma_wait3A_253 = tpu.memref_slice %arg3[%add3A_198, %dma_wait3A_251, %dma_wait3A_252] : memref<160x25x64xi32, #tpu.memory_space<hbm>> -> memref<1x25x64xi32, #tpu.memory_space<hbm>>
      %dma_wait3A_254 = tpu.memref_squeeze %dma_wait3A_253 : memref<1x25x64xi32, #tpu.memory_space<hbm>> -> memref<25x64xi32, #tpu.memory_space<hbm>>
      tpu.wait_dma2 semaphore(%run_scoped3A : memref<!tpu.dma_semaphore, #tpu.memory_space<semaphore_mem>>) src(%dma_wait3A_254 : memref<25x64xi32, #tpu.memory_space<hbm>>) dst(%arg8 : memref<25x64xi32, #tpu.memory_space<vmem>>)
      tpu.yield
    }) : () -> ()
    %dma_start3A_199 = arith.constant 0 : i32
    %dma_start3A_200 = arith.constant 0 : i32
    %dma_start3A_201 = tpu.memref_slice %arg8[%dma_start3A_199, %dma_start3A_200] : memref<25x64xi32, #tpu.memory_space<vmem>> -> memref<1x64xi32, #tpu.memory_space<vmem>>
    %dma_start3A_202 = tpu.memref_squeeze %dma_start3A_201 : memref<1x64xi32, #tpu.memory_space<vmem>> -> memref<64xi32, #tpu.memory_space<vmem>>
    %dma_start3A_203 = arith.constant 0 : i32
    %dma_start3A_204 = arith.constant 0 : i32
    %dma_start3A_205 = tpu.memref_slice %arg2[%dma_start3A_203, %dma_start3A_204] : memref<50000x256xf32, #tpu.memory_space<hbm>> -> memref<50000x256xf32, #tpu.memory_space<hbm>>
    tpu.enqueue_indirect_dma source(%dma_start3A_205 : memref<50000x256xf32, #tpu.memory_space<hbm>>) target(%arg10 : memref<64x256xf32, #tpu.memory_space<vmem>>) offsets(%dma_start3A_202 : memref<64xi32, #tpu.memory_space<vmem>>) semaphore(%arg12 : memref<!tpu.dma_semaphore, #tpu.memory_space<semaphore_mem>>)
    %add3A_206 = arith.constant 96 : i32
    %add3A_207 = arith.addi %add3A_206, %add3A : i32
    %scan3A_208 = arith.constant 0 : i32
    %scan3A_209 = arith.constant 1 : i32
    %scan3A_210 = arith.constant 24 : i32
    %scan3A_211 = arith.addi %scan3A_209, %scan3A_210 : i32
    %scan3A_212 = arith.constant 1 : i32
    scf.for %scan3A_239 = %scan3A_209 to %scan3A_211 step %scan3A_212  : i32 {
      %dma_wait3A_240 = arith.constant 0 : i32
      %dma_wait3A_241 = arith.constant 0 : i32
      %dma_wait3A_242 = tpu.memref_slice %arg9[%dma_wait3A_240, %dma_wait3A_241] : memref<25x64xi32, #tpu.memory_space<vmem>> -> memref<1x64xi32, #tpu.memory_space<vmem>>
      %dma_wait3A_243 = tpu.memref_squeeze %dma_wait3A_242 : memref<1x64xi32, #tpu.memory_space<vmem>> -> memref<64xi32, #tpu.memory_space<vmem>>
      %dma_wait3A_244 = arith.constant 0 : i32
      %dma_wait3A_245 = arith.constant 0 : i32
      %dma_wait3A_246 = tpu.memref_slice %arg2[%dma_wait3A_244, %dma_wait3A_245] : memref<50000x256xf32, #tpu.memory_space<hbm>> -> memref<50000x256xf32, #tpu.memory_space<hbm>>
      tpu.wait_indirect_dma semaphore(%arg13 : memref<!tpu.dma_semaphore, #tpu.memory_space<semaphore_mem>>) src(%dma_wait3A_246 : memref<50000x256xf32, #tpu.memory_space<hbm>>) dst(%arg11 : memref<64x256xf32, #tpu.memory_space<vmem>>)
    }
    %scan3A_213 = arith.constant 24 : i32
    %mul3A_214 = arith.constant 64 : i32
    %mul3A_215 = arith.muli %add3A_207, %mul3A_214 : i32
    "tpu.region"() ({
      %run_scoped3A = tpu.sem_alloc : memref<!tpu.dma_semaphore, #tpu.memory_space<semaphore_mem>>
      %dma_start3A_239 = arith.constant 0 : i32
      %dma_start3A_240 = tpu.memref_slice %arg5[%mul3A_215, %dma_start3A_239] : memref<10240x256xf32, #tpu.memory_space<hbm>> -> memref<64x256xf32, #tpu.memory_space<hbm>>
      %dma_start3A_241 = arith.constant 0 : i32
      %dma_start3A_242 = tpu.memref_slice %arg5[%mul3A_215, %dma_start3A_241] : memref<10240x256xf32, #tpu.memory_space<hbm>> -> memref<64x256xf32, #tpu.memory_space<hbm>>
      tpu.enqueue_dma source(%arg11 : memref<64x256xf32, #tpu.memory_space<vmem>>) target(%dma_start3A_242 : memref<64x256xf32, #tpu.memory_space<hbm>>) target_semaphore(%run_scoped3A : memref<!tpu.dma_semaphore, #tpu.memory_space<semaphore_mem>>)
      %dma_wait3A_243 = arith.constant 0 : i32
      %dma_wait3A_244 = tpu.memref_slice %arg5[%mul3A_215, %dma_wait3A_243] : memref<10240x256xf32, #tpu.memory_space<hbm>> -> memref<64x256xf32, #tpu.memory_space<hbm>>
      %dma_wait3A_245 = arith.constant 0 : i32
      %dma_wait3A_246 = tpu.memref_slice %arg5[%mul3A_215, %dma_wait3A_245] : memref<10240x256xf32, #tpu.memory_space<hbm>> -> memref<64x256xf32, #tpu.memory_space<hbm>>
      tpu.wait_dma2 semaphore(%run_scoped3A : memref<!tpu.dma_semaphore, #tpu.memory_space<semaphore_mem>>) src(%arg11 : memref<64x256xf32, #tpu.memory_space<vmem>>) dst(%dma_wait3A_246 : memref<64x256xf32, #tpu.memory_space<hbm>>)
      tpu.yield
    }) : () -> ()
    %dma_wait3A_216 = arith.constant 0 : i32
    %dma_wait3A_217 = arith.constant 0 : i32
    %dma_wait3A_218 = tpu.memref_slice %arg8[%dma_wait3A_216, %dma_wait3A_217] : memref<25x64xi32, #tpu.memory_space<vmem>> -> memref<1x64xi32, #tpu.memory_space<vmem>>
    %dma_wait3A_219 = tpu.memref_squeeze %dma_wait3A_218 : memref<1x64xi32, #tpu.memory_space<vmem>> -> memref<64xi32, #tpu.memory_space<vmem>>
    %dma_wait3A_220 = arith.constant 0 : i32
    %dma_wait3A_221 = arith.constant 0 : i32
    %dma_wait3A_222 = tpu.memref_slice %arg2[%dma_wait3A_220, %dma_wait3A_221] : memref<50000x256xf32, #tpu.memory_space<hbm>> -> memref<50000x256xf32, #tpu.memory_space<hbm>>
    tpu.wait_indirect_dma semaphore(%arg12 : memref<!tpu.dma_semaphore, #tpu.memory_space<semaphore_mem>>) src(%dma_wait3A_222 : memref<50000x256xf32, #tpu.memory_space<hbm>>) dst(%arg10 : memref<64x256xf32, #tpu.memory_space<vmem>>)
    %scan3A_223 = arith.constant 0 : i32
    %scan3A_224 = arith.constant 1 : i32
    %scan3A_225 = arith.constant 24 : i32
    %scan3A_226 = arith.addi %scan3A_224, %scan3A_225 : i32
    %scan3A_227 = arith.constant 1 : i32
    scf.for %scan3A_239 = %scan3A_224 to %scan3A_226 step %scan3A_227  : i32 {
      %dma_start3A_240 = arith.constant 0 : i32
      %dma_start3A_241 = tpu.memref_slice %arg8[%scan3A_239, %dma_start3A_240] : memref<25x64xi32, #tpu.memory_space<vmem>> -> memref<1x64xi32, #tpu.memory_space<vmem>>
      %dma_start3A_242 = tpu.memref_squeeze %dma_start3A_241 : memref<1x64xi32, #tpu.memory_space<vmem>> -> memref<64xi32, #tpu.memory_space<vmem>>
      %dma_start3A_243 = arith.constant 0 : i32
      %dma_start3A_244 = arith.constant 0 : i32
      %dma_start3A_245 = tpu.memref_slice %arg2[%dma_start3A_243, %dma_start3A_244] : memref<50000x256xf32, #tpu.memory_space<hbm>> -> memref<50000x256xf32, #tpu.memory_space<hbm>>
      tpu.enqueue_indirect_dma source(%dma_start3A_245 : memref<50000x256xf32, #tpu.memory_space<hbm>>) target(%arg10 : memref<64x256xf32, #tpu.memory_space<vmem>>) offsets(%dma_start3A_242 : memref<64xi32, #tpu.memory_space<vmem>>) semaphore(%arg12 : memref<!tpu.dma_semaphore, #tpu.memory_space<semaphore_mem>>) {add = true}
    }
    %scan3A_228 = arith.constant 24 : i32
    %add3A_229 = arith.constant 128 : i32
    %add3A_230 = arith.addi %add3A_229, %add3A : i32
    %scan3A_231 = arith.constant 0 : i32
    %scan3A_232 = arith.constant 1 : i32
    %scan3A_233 = arith.constant 24 : i32
    %scan3A_234 = arith.addi %scan3A_232, %scan3A_233 : i32
    %scan3A_235 = arith.constant 1 : i32
    scf.for %scan3A_239 = %scan3A_232 to %scan3A_234 step %scan3A_235  : i32 {
      %dma_wait3A_240 = arith.constant 0 : i32
      %dma_wait3A_241 = arith.constant 0 : i32
      %dma_wait3A_242 = tpu.memref_slice %arg8[%dma_wait3A_240, %dma_wait3A_241] : memref<25x64xi32, #tpu.memory_space<vmem>> -> memref<1x64xi32, #tpu.memory_space<vmem>>
      %dma_wait3A_243 = tpu.memref_squeeze %dma_wait3A_242 : memref<1x64xi32, #tpu.memory_space<vmem>> -> memref<64xi32, #tpu.memory_space<vmem>>
      %dma_wait3A_244 = arith.constant 0 : i32
      %dma_wait3A_245 = arith.constant 0 : i32
      %dma_wait3A_246 = tpu.memref_slice %arg2[%dma_wait3A_244, %dma_wait3A_245] : memref<50000x256xf32, #tpu.memory_space<hbm>> -> memref<50000x256xf32, #tpu.memory_space<hbm>>
      tpu.wait_indirect_dma semaphore(%arg12 : memref<!tpu.dma_semaphore, #tpu.memory_space<semaphore_mem>>) src(%dma_wait3A_246 : memref<50000x256xf32, #tpu.memory_space<hbm>>) dst(%arg10 : memref<64x256xf32, #tpu.memory_space<vmem>>)
    }
    %scan3A_236 = arith.constant 24 : i32
    %mul3A_237 = arith.constant 64 : i32
    %mul3A_238 = arith.muli %add3A_230, %mul3A_237 : i32
    "tpu.region"() ({
      %run_scoped3A = tpu.sem_alloc : memref<!tpu.dma_semaphore, #tpu.memory_space<semaphore_mem>>
      %dma_start3A_239 = arith.constant 0 : i32
      %dma_start3A_240 = tpu.memref_slice %arg5[%mul3A_238, %dma_start3A_239] : memref<10240x256xf32, #tpu.memory_space<hbm>> -> memref<64x256xf32, #tpu.memory_space<hbm>>
      %dma_start3A_241 = arith.constant 0 : i32
      %dma_start3A_242 = tpu.memref_slice %arg5[%mul3A_238, %dma_start3A_241] : memref<10240x256xf32, #tpu.memory_space<hbm>> -> memref<64x256xf32, #tpu.memory_space<hbm>>
      tpu.enqueue_dma source(%arg10 : memref<64x256xf32, #tpu.memory_space<vmem>>) target(%dma_start3A_242 : memref<64x256xf32, #tpu.memory_space<hbm>>) target_semaphore(%run_scoped3A : memref<!tpu.dma_semaphore, #tpu.memory_space<semaphore_mem>>)
      %dma_wait3A_243 = arith.constant 0 : i32
      %dma_wait3A_244 = tpu.memref_slice %arg5[%mul3A_238, %dma_wait3A_243] : memref<10240x256xf32, #tpu.memory_space<hbm>> -> memref<64x256xf32, #tpu.memory_space<hbm>>
      %dma_wait3A_245 = arith.constant 0 : i32
      %dma_wait3A_246 = tpu.memref_slice %arg5[%mul3A_238, %dma_wait3A_245] : memref<10240x256xf32, #tpu.memory_space<hbm>> -> memref<64x256xf32, #tpu.memory_space<hbm>>
      tpu.wait_dma2 semaphore(%run_scoped3A : memref<!tpu.dma_semaphore, #tpu.memory_space<semaphore_mem>>) src(%arg10 : memref<64x256xf32, #tpu.memory_space<vmem>>) dst(%dma_wait3A_246 : memref<64x256xf32, #tpu.memory_space<hbm>>)
      tpu.yield
    }) : () -> ()
    return
  }
}

module attributes {stable_mosaic.version = 14 : i64} {
  func.func @_tc_all(%arg0: i32, %arg1: memref<320x256xf32, #tpu.memory_space<vmem>>, %arg2: memref<320x256xf32, #tpu.memory_space<vmem>>, %arg3: memref<1024x256xf32, #tpu.memory_space<vmem>>, %arg4: memref<1024x1xi32, #tpu.memory_space<vmem>>, %arg5: memref<256x256xf32, #tpu.memory_space<vmem>>, %arg6: memref<256x256xf32, #tpu.memory_space<vmem>>, %arg7: memref<256x256xf32, #tpu.memory_space<vmem>>, %arg8: memref<256x256xf32, #tpu.memory_space<vmem>>, %arg9: memref<256x64xf32, #tpu.memory_space<vmem>>, %arg10: memref<1x64xf32, #tpu.memory_space<vmem>>, %arg11: memref<1x1xf32, #tpu.memory_space<vmem>>, %arg12: memref<1024x64xf32, #tpu.memory_space<vmem>>, %arg13: memref<1024x256xf32, #tpu.memory_space<vmem>>, %arg14: memref<1024x256xf32, #tpu.memory_space<vmem>>) attributes {dimension_semantics = [#tpu.dimension_semantics<arbitrary>], iteration_bounds = array<i64: 32>, scalar_prefetch = 0 : i64, scratch_operands = 2 : i64, tpu.core_type = #tpu.core_type<tc>, window_params = [{transform_indices = @transform_0, window_bounds = array<i64: 320, 256>}, {transform_indices = @transform_1, window_bounds = array<i64: 320, 256>}, {pipeline_mode = #tpu.pipeline_mode<synchronous>, transform_indices = @transform_2, window_bounds = array<i64: 1024, 256>}, {pipeline_mode = #tpu.pipeline_mode<synchronous>, transform_indices = @transform_3, window_bounds = array<i64: 1024, 1>}, {pipeline_mode = #tpu.pipeline_mode<synchronous>, transform_indices = @transform_4, window_bounds = array<i64: 256, 256>}, {pipeline_mode = #tpu.pipeline_mode<synchronous>, transform_indices = @transform_5, window_bounds = array<i64: 256, 256>}, {pipeline_mode = #tpu.pipeline_mode<synchronous>, transform_indices = @transform_6, window_bounds = array<i64: 256, 256>}, {pipeline_mode = #tpu.pipeline_mode<synchronous>, transform_indices = @transform_7, window_bounds = array<i64: 256, 256>}, {pipeline_mode = #tpu.pipeline_mode<synchronous>, transform_indices = @transform_8, window_bounds = array<i64: 256, 64>}, {pipeline_mode = #tpu.pipeline_mode<synchronous>, transform_indices = @transform_9, window_bounds = array<i64: 1, 64>}, {pipeline_mode = #tpu.pipeline_mode<synchronous>, transform_indices = @transform_10, window_bounds = array<i64: 1, 1>}, {pipeline_mode = #tpu.pipeline_mode<synchronous>, transform_indices = @transform_11, window_bounds = array<i64: 1024, 64>}]} {
    %get3A = arith.constant 0 : index
    %get3A_0 = arith.constant 0 : index
    %get3A_1 = vector.load %arg1[%get3A, %get3A_0] : memref<320x256xf32, #tpu.memory_space<vmem>>, vector<320x256xf32>
    %mul3A = arith.constant 4.000000e-02 : f32
    %mul3A_2 = vector.broadcast %mul3A : f32 to vector<320x256xf32>
    %mul3A_3 = arith.mulf %get3A_1, %mul3A_2 : vector<320x256xf32>
    %get3A_4 = arith.constant 0 : index
    %get3A_5 = arith.constant 0 : index
    %get3A_6 = vector.load %arg2[%get3A_4, %get3A_5] : memref<320x256xf32, #tpu.memory_space<vmem>>, vector<320x256xf32>
    %get3A_7 = arith.constant 0 : index
    %get3A_8 = arith.constant 0 : index
    %get3A_9 = vector.load %arg5[%get3A_7, %get3A_8] : memref<256x256xf32, #tpu.memory_space<vmem>>, vector<256x256xf32>
    %dot_general3A = arith.constant dense<0.000000e+00> : vector<320x256xf32>
    %dot_general3A_10 = tpu.matmul %get3A_6, %get3A_9, %dot_general3A {dimension_numbers = #tpu.dot_dimension_numbers<[1], [0], [0], [1], [0, 0, 1, 1], [], []>, transpose_lhs_hint = false} : vector<320x256xf32>, vector<256x256xf32>, vector<320x256xf32> -> vector<320x256xf32>
    %get3A_11 = arith.constant 0 : index
    %get3A_12 = arith.constant 0 : index
    %get3A_13 = vector.load %arg6[%get3A_11, %get3A_12] : memref<256x256xf32, #tpu.memory_space<vmem>>, vector<256x256xf32>
    %dot_general3A_14 = arith.constant dense<0.000000e+00> : vector<320x256xf32>
    %dot_general3A_15 = tpu.matmul %mul3A_3, %get3A_13, %dot_general3A_14 {dimension_numbers = #tpu.dot_dimension_numbers<[1], [0], [0], [1], [0, 0, 1, 1], [], []>, transpose_lhs_hint = false} : vector<320x256xf32>, vector<256x256xf32>, vector<320x256xf32> -> vector<320x256xf32>
    %add3A = arith.addf %dot_general3A_10, %dot_general3A_15 : vector<320x256xf32>
    %max3A = arith.constant 0.000000e+00 : f32
    %max3A_16 = vector.broadcast %max3A : f32 to vector<320x256xf32>
    %max3A_17 = arith.maximumf %add3A, %max3A_16 : vector<320x256xf32>
    %iota3A = tpu.iota {dimensions = array<i32: 0>} : vector<32x320xi32>
    %iota3A_18 = tpu.iota {dimensions = array<i32: 1>} : vector<32x320xi32>
    %jit3A = arith.constant 10 : i32
    %div3A = vector.broadcast %jit3A : i32 to vector<32x320xi32>
    %div3A_19 = arith.divsi %iota3A_18, %div3A : vector<32x320xi32>
    %sign3A = arith.constant 0 : i32
    %sign3A_20 = vector.broadcast %sign3A : i32 to vector<32x320xi32>
    %sign3A_21 = arith.cmpi sgt, %iota3A_18, %sign3A_20 : vector<32x320xi32>
    %sign3A_22 = arith.extui %sign3A_21 : vector<32x320xi1> to vector<32x320xi32>
    %sign3A_23 = arith.constant 0 : i32
    %sign3A_24 = vector.broadcast %sign3A_23 : i32 to vector<32x320xi32>
    %sign3A_25 = arith.cmpi slt, %iota3A_18, %sign3A_24 : vector<32x320xi32>
    %sign3A_26 = arith.extui %sign3A_25 : vector<32x320xi1> to vector<32x320xi32>
    %sign3A_27 = arith.subi %sign3A_22, %sign3A_26 : vector<32x320xi32>
    %sign3A_28 = arith.constant 0 : i32
    %sign3A_29 = arith.cmpi sgt, %jit3A, %sign3A_28 : i32
    %sign3A_30 = arith.extui %sign3A_29 : i1 to i32
    %sign3A_31 = arith.constant 0 : i32
    %sign3A_32 = arith.cmpi slt, %jit3A, %sign3A_31 : i32
    %sign3A_33 = arith.extui %sign3A_32 : i1 to i32
    %sign3A_34 = arith.subi %sign3A_30, %sign3A_33 : i32
    %ne3A = vector.broadcast %sign3A_34 : i32 to vector<32x320xi32>
    %ne3A_35 = arith.cmpi ne, %sign3A_27, %ne3A : vector<32x320xi32>
    %rem3A = vector.broadcast %jit3A : i32 to vector<32x320xi32>
    %rem3A_36 = arith.remsi %iota3A_18, %rem3A : vector<32x320xi32>
    %ne3A_37 = arith.constant 0 : i32
    %ne3A_38 = vector.broadcast %ne3A_37 : i32 to vector<32x320xi32>
    %ne3A_39 = arith.cmpi ne, %rem3A_36, %ne3A_38 : vector<32x320xi32>
    %and3A = arith.andi %ne3A_35, %ne3A_39 : vector<32x320xi1>
    %sub3A = arith.constant 1 : i32
    %sub3A_40 = vector.broadcast %sub3A : i32 to vector<32x320xi32>
    %sub3A_41 = arith.subi %div3A_19, %sub3A_40 : vector<32x320xi32>
    %select_n3A = arith.select %and3A, %sub3A_41, %div3A_19 : vector<32x320xi1>, vector<32x320xi32>
    %eq3A = arith.cmpi eq, %select_n3A, %iota3A : vector<32x320xi32>
    %jit3A_42 = arith.constant 1.000000e-01 : f32
    %jit3A_43 = arith.constant 0.000000e+00 : f32
    %broadcast_in_dim3A = vector.broadcast %jit3A_42 : f32 to vector<32x320xf32>
    %broadcast_in_dim3A_44 = vector.broadcast %jit3A_43 : f32 to vector<32x320xf32>
    %select_n3A_45 = arith.select %eq3A, %broadcast_in_dim3A, %broadcast_in_dim3A_44 : vector<32x320xi1>, vector<32x320xf32>
    %dot_general3A_46 = arith.constant dense<0.000000e+00> : vector<32x256xf32>
    %dot_general3A_47 = tpu.matmul %select_n3A_45, %get3A_6, %dot_general3A_46 {dimension_numbers = #tpu.dot_dimension_numbers<[1], [0], [0], [1], [0, 0, 1, 1], [], []>, transpose_lhs_hint = false} : vector<32x320xf32>, vector<320x256xf32>, vector<32x256xf32> -> vector<32x256xf32>
    %mul3A_48 = arith.constant 32 : i32
    %mul3A_49 = arith.muli %arg0, %mul3A_48 : i32
    %swap3A = arith.index_cast %mul3A_49 : i32 to index
    %swap3A_50 = arith.constant 0 : index
    %swap3A_51 = vector.load %arg13[%swap3A, %swap3A_50] : memref<1024x256xf32, #tpu.memory_space<vmem>>, vector<32x256xf32>
    tpu.vector_store %arg13[%swap3A, %swap3A_50], %dot_general3A_47 {strides = array<i32>} : memref<1024x256xf32, #tpu.memory_space<vmem>>, vector<32x256xf32>,
    %dot_general3A_52 = arith.constant dense<0.000000e+00> : vector<32x256xf32>
    %dot_general3A_53 = tpu.matmul %select_n3A_45, %max3A_17, %dot_general3A_52 {dimension_numbers = #tpu.dot_dimension_numbers<[1], [0], [0], [1], [0, 0, 1, 1], [], []>, transpose_lhs_hint = false} : vector<32x320xf32>, vector<320x256xf32>, vector<32x256xf32> -> vector<32x256xf32>
    %mul3A_54 = arith.constant 32 : i32
    %mul3A_55 = arith.muli %arg0, %mul3A_54 : i32
    %swap3A_56 = arith.index_cast %mul3A_55 : i32 to index
    %swap3A_57 = arith.constant 0 : index
    %swap3A_58 = vector.load %arg14[%swap3A_56, %swap3A_57] : memref<1024x256xf32, #tpu.memory_space<vmem>>, vector<32x256xf32>
    tpu.vector_store %arg14[%swap3A_56, %swap3A_57], %dot_general3A_53 {strides = array<i32>} : memref<1024x256xf32, #tpu.memory_space<vmem>>, vector<32x256xf32>,
    %eq3A_59 = arith.constant 31 : i32
    %eq3A_60 = arith.cmpi eq, %arg0, %eq3A_59 : i32
    %convert_element_type3A = arith.extui %eq3A_60 : i1 to i32
    %cond3A = arith.constant 0 : i32
    %cond3A_61 = arith.cmpi ne, %convert_element_type3A, %cond3A : i32
    scf.if %cond3A_61 {
      %get3A_62 = arith.constant 0 : index
      %get3A_63 = arith.constant 0 : index
      %get3A_64 = vector.load %arg3[%get3A_62, %get3A_63] : memref<1024x256xf32, #tpu.memory_space<vmem>>, vector<1024x256xf32>
      %get3A_65 = arith.constant 0 : index
      %get3A_66 = arith.constant 0 : index
      %get3A_67 = vector.load %arg5[%get3A_65, %get3A_66] : memref<256x256xf32, #tpu.memory_space<vmem>>, vector<256x256xf32>
      %dot_general3A_68 = arith.constant dense<0.000000e+00> : vector<1024x256xf32>
      %dot_general3A_69 = tpu.matmul %get3A_64, %get3A_67, %dot_general3A_68 {dimension_numbers = #tpu.dot_dimension_numbers<[1], [0], [0], [1], [0, 0, 1, 1], [], []>, transpose_lhs_hint = false} : vector<1024x256xf32>, vector<256x256xf32>, vector<1024x256xf32> -> vector<1024x256xf32>
      %get3A_70 = arith.constant 0 : index
      %get3A_71 = arith.constant 0 : index
      %get3A_72 = vector.load %arg13[%get3A_70, %get3A_71] : memref<1024x256xf32, #tpu.memory_space<vmem>>, vector<1024x256xf32>
      %get3A_73 = arith.constant 0 : index
      %get3A_74 = arith.constant 0 : index
      %get3A_75 = vector.load %arg6[%get3A_73, %get3A_74] : memref<256x256xf32, #tpu.memory_space<vmem>>, vector<256x256xf32>
      %dot_general3A_76 = arith.constant dense<0.000000e+00> : vector<1024x256xf32>
      %dot_general3A_77 = tpu.matmul %get3A_72, %get3A_75, %dot_general3A_76 {dimension_numbers = #tpu.dot_dimension_numbers<[1], [0], [0], [1], [0, 0, 1, 1], [], []>, transpose_lhs_hint = false} : vector<1024x256xf32>, vector<256x256xf32>, vector<1024x256xf32> -> vector<1024x256xf32>
      %add3A_78 = arith.addf %dot_general3A_69, %dot_general3A_77 : vector<1024x256xf32>
      %max3A_79 = arith.constant 0.000000e+00 : f32
      %max3A_80 = vector.broadcast %max3A_79 : f32 to vector<1024x256xf32>
      %max3A_81 = arith.maximumf %add3A_78, %max3A_80 : vector<1024x256xf32>
      %get3A_82 = arith.constant 0 : index
      %get3A_83 = arith.constant 0 : index
      %get3A_84 = vector.load %arg7[%get3A_82, %get3A_83] : memref<256x256xf32, #tpu.memory_space<vmem>>, vector<256x256xf32>
      %dot_general3A_85 = arith.constant dense<0.000000e+00> : vector<1024x256xf32>
      %dot_general3A_86 = tpu.matmul %max3A_81, %get3A_84, %dot_general3A_85 {dimension_numbers = #tpu.dot_dimension_numbers<[1], [0], [0], [1], [0, 0, 1, 1], [], []>, transpose_lhs_hint = false} : vector<1024x256xf32>, vector<256x256xf32>, vector<1024x256xf32> -> vector<1024x256xf32>
      %get3A_87 = arith.constant 0 : index
      %get3A_88 = arith.constant 0 : index
      %get3A_89 = vector.load %arg14[%get3A_87, %get3A_88] : memref<1024x256xf32, #tpu.memory_space<vmem>>, vector<1024x256xf32>
      %get3A_90 = arith.constant 0 : index
      %get3A_91 = arith.constant 0 : index
      %get3A_92 = vector.load %arg8[%get3A_90, %get3A_91] : memref<256x256xf32, #tpu.memory_space<vmem>>, vector<256x256xf32>
      %dot_general3A_93 = arith.constant dense<0.000000e+00> : vector<1024x256xf32>
      %dot_general3A_94 = tpu.matmul %get3A_89, %get3A_92, %dot_general3A_93 {dimension_numbers = #tpu.dot_dimension_numbers<[1], [0], [0], [1], [0, 0, 1, 1], [], []>, transpose_lhs_hint = false} : vector<1024x256xf32>, vector<256x256xf32>, vector<1024x256xf32> -> vector<1024x256xf32>
      %add3A_95 = arith.addf %dot_general3A_86, %dot_general3A_94 : vector<1024x256xf32>
      %mul3A_96 = arith.mulf %add3A_95, %add3A_95 : vector<1024x256xf32>
      %reduce_sum3A = arith.constant dense<0.000000e+00> : vector<1024xf32>
      %reduce_sum3A_97 = vector.multi_reduction <add>, %mul3A_96, %reduce_sum3A [1] : vector<1024x256xf32> to vector<1024xf32>
      %broadcast_in_dim3A_98 = vector.shape_cast %reduce_sum3A_97 : vector<1024xf32> to vector<1024x1xf32>
      %sqrt3A = math.sqrt %broadcast_in_dim3A_98 : vector<1024x1xf32>
      %max3A_99 = arith.constant 9.99999996E-13 : f32
      %max3A_100 = vector.broadcast %max3A_99 : f32 to vector<1024x1xf32>
      %max3A_101 = arith.maximumf %sqrt3A, %max3A_100 : vector<1024x1xf32>
      %div3A_102 = vector.broadcast %max3A_101 : vector<1024x1xf32> to vector<1024x256xf32>
      %div3A_103 = arith.divf %add3A_95, %div3A_102 : vector<1024x256xf32>
      %get3A_104 = arith.constant 0 : index
      %get3A_105 = arith.constant 0 : index
      %get3A_106 = vector.load %arg9[%get3A_104, %get3A_105] : memref<256x64xf32, #tpu.memory_space<vmem>>, vector<256x64xf32>
      %dot_general3A_107 = arith.constant dense<0.000000e+00> : vector<1024x64xf32>
      %dot_general3A_108 = tpu.matmul %div3A_103, %get3A_106, %dot_general3A_107 {dimension_numbers = #tpu.dot_dimension_numbers<[1], [0], [0], [1], [0, 0, 1, 1], [], []>, transpose_lhs_hint = false} : vector<1024x256xf32>, vector<256x64xf32>, vector<1024x64xf32> -> vector<1024x64xf32>
      %get3A_109 = arith.constant 0 : index
      %get3A_110 = arith.constant 0 : index
      %get3A_111 = vector.load %arg10[%get3A_109, %get3A_110] : memref<1x64xf32, #tpu.memory_space<vmem>>, vector<1x64xf32>
      %add3A_112 = vector.broadcast %get3A_111 : vector<1x64xf32> to vector<1024x64xf32>
      %add3A_113 = arith.addf %dot_general3A_108, %add3A_112 : vector<1024x64xf32>
      %reduce_max3A = arith.constant dense<0xFF800000> : vector<1024xf32>
      %reduce_max3A_114 = vector.multi_reduction <maximumf>, %add3A_113, %reduce_max3A [1] : vector<1024x64xf32> to vector<1024xf32>
      %broadcast_in_dim3A_115 = vector.shape_cast %reduce_max3A_114 : vector<1024xf32> to vector<1024x1xf32>
      %sub3A_116 = vector.broadcast %broadcast_in_dim3A_115 : vector<1024x1xf32> to vector<1024x64xf32>
      %sub3A_117 = arith.subf %add3A_113, %sub3A_116 : vector<1024x64xf32>
      %exp3A = math.exp %sub3A_117 : vector<1024x64xf32>
      %reduce_sum3A_118 = arith.constant dense<0.000000e+00> : vector<1024xf32>
      %reduce_sum3A_119 = vector.multi_reduction <add>, %exp3A, %reduce_sum3A_118 [1] : vector<1024x64xf32> to vector<1024xf32>
      %broadcast_in_dim3A_120 = vector.shape_cast %reduce_sum3A_119 : vector<1024xf32> to vector<1024x1xf32>
      %div3A_121 = vector.broadcast %broadcast_in_dim3A_120 : vector<1024x1xf32> to vector<1024x64xf32>
      %div3A_122 = arith.divf %exp3A, %div3A_121 : vector<1024x64xf32>
      %swap3A_123 = arith.constant 0 : index
      %swap3A_124 = arith.constant 0 : index
      %swap3A_125 = vector.load %arg12[%swap3A_123, %swap3A_124] : memref<1024x64xf32, #tpu.memory_space<vmem>>, vector<1024x64xf32>
      tpu.vector_store %arg12[%swap3A_123, %swap3A_124], %div3A_122 {strides = array<i32>} : memref<1024x64xf32, #tpu.memory_space<vmem>>, vector<1024x64xf32>,
      %sub3A_126 = vector.broadcast %broadcast_in_dim3A_115 : vector<1024x1xf32> to vector<1024x64xf32>
      %sub3A_127 = arith.subf %add3A_113, %sub3A_126 : vector<1024x64xf32>
      %log3A = math.log %broadcast_in_dim3A_120 : vector<1024x1xf32>
      %sub3A_128 = vector.broadcast %log3A : vector<1024x1xf32> to vector<1024x64xf32>
      %sub3A_129 = arith.subf %sub3A_127, %sub3A_128 : vector<1024x64xf32>
      %iota3A_130 = tpu.iota {dimensions = array<i32: 1>} : vector<1024x64xi32>
      %get3A_131 = arith.constant 0 : index
      %get3A_132 = arith.constant 0 : index
      %get3A_133 = vector.load %arg4[%get3A_131, %get3A_132] : memref<1024x1xi32, #tpu.memory_space<vmem>>, vector<1024x1xi32>
      %eq3A_134 = vector.broadcast %get3A_133 : vector<1024x1xi32> to vector<1024x64xi32>
      %eq3A_135 = arith.cmpi eq, %iota3A_130, %eq3A_134 : vector<1024x64xi32>
      %jit3A_136 = arith.constant 0.000000e+00 : f32
      %broadcast_in_dim3A_137 = vector.broadcast %jit3A_136 : f32 to vector<1024x64xf32>
      %select_n3A_138 = arith.select %eq3A_135, %sub3A_129, %broadcast_in_dim3A_137 : vector<1024x64xi1>, vector<1024x64xf32>
      %reduce_sum3A_139 = arith.constant dense<0.000000e+00> : vector<1024xf32>
      %reduce_sum3A_140 = vector.multi_reduction <add>, %select_n3A_138, %reduce_sum3A_139 [1] : vector<1024x64xf32> to vector<1024xf32>
      %broadcast_in_dim3A_141 = vector.shape_cast %reduce_sum3A_140 : vector<1024xf32> to vector<1024x1xf32>
      %reduce_sum3A_142 = vector.shape_cast %broadcast_in_dim3A_141 : vector<1024x1xf32> to vector<1x1024x1xf32>
      %reduce_sum3A_143 = arith.constant dense<0.000000e+00> : vector<1xf32>
      %reduce_sum3A_144 = vector.multi_reduction <add>, %reduce_sum3A_142, %reduce_sum3A_143 [1, 2] : vector<1x1024x1xf32> to vector<1xf32>
      %reduce_sum3A_145 = vector.shape_cast %reduce_sum3A_144 : vector<1xf32> to vector<1x1x1xf32>
      %reduce_sum3A_146 = vector.extract %reduce_sum3A_145[0, 0, 0] : f32 from vector<1x1x1xf32>
      %div3A_147 = arith.constant 1.024000e+03 : f32
      %div3A_148 = arith.divf %reduce_sum3A_146, %div3A_147 : f32
      %neg3A = arith.constant 0.000000e+00 : f32
      %neg3A_149 = arith.subf %neg3A, %div3A_148 : f32
      %reshape3A = vector.broadcast %neg3A_149 : f32 to vector<1x1xf32>
      %swap3A_150 = arith.constant 0 : index
      %swap3A_151 = arith.constant 0 : index
      %swap3A_152 = vector.load %arg11[%swap3A_150, %swap3A_151] : memref<1x1xf32, #tpu.memory_space<vmem>>, vector<1x1xf32>
      tpu.vector_store %arg11[%swap3A_150, %swap3A_151], %reshape3A {strides = array<i32>} : memref<1x1xf32, #tpu.memory_space<vmem>>, vector<1x1xf32>,
    } else {
    }
    return
  }
  func.func @transform_0(%arg0: i32) -> (i32, i32) {
    %c0_i32 = arith.constant 0 : i32
    %c0_i32_0 = arith.constant 0 : i32
    return %arg0, %c0_i32 : i32, i32
  }
  func.func @transform_1(%arg0: i32) -> (i32, i32) {
    %c0_i32 = arith.constant 0 : i32
    %c0_i32_0 = arith.constant 0 : i32
    return %arg0, %c0_i32 : i32, i32
  }
  func.func @transform_2(%arg0: i32) -> (i32, i32) {
    %c0_i32 = arith.constant 0 : i32
    %c0_i32_0 = arith.constant 0 : i32
    %c0_i32_1 = arith.constant 0 : i32
    return %c0_i32, %c0_i32_0 : i32, i32
  }
  func.func @transform_3(%arg0: i32) -> (i32, i32) {
    %c0_i32 = arith.constant 0 : i32
    %c0_i32_0 = arith.constant 0 : i32
    %c0_i32_1 = arith.constant 0 : i32
    return %c0_i32, %c0_i32_0 : i32, i32
  }
  func.func @transform_4(%arg0: i32) -> (i32, i32) {
    %c0_i32 = arith.constant 0 : i32
    %c0_i32_0 = arith.constant 0 : i32
    %c0_i32_1 = arith.constant 0 : i32
    return %c0_i32, %c0_i32_0 : i32, i32
  }
  func.func @transform_5(%arg0: i32) -> (i32, i32) {
    %c0_i32 = arith.constant 0 : i32
    %c0_i32_0 = arith.constant 0 : i32
    %c0_i32_1 = arith.constant 0 : i32
    return %c0_i32, %c0_i32_0 : i32, i32
  }
  func.func @transform_6(%arg0: i32) -> (i32, i32) {
    %c0_i32 = arith.constant 0 : i32
    %c0_i32_0 = arith.constant 0 : i32
    %c0_i32_1 = arith.constant 0 : i32
    return %c0_i32, %c0_i32_0 : i32, i32
  }
  func.func @transform_7(%arg0: i32) -> (i32, i32) {
    %c0_i32 = arith.constant 0 : i32
    %c0_i32_0 = arith.constant 0 : i32
    %c0_i32_1 = arith.constant 0 : i32
    return %c0_i32, %c0_i32_0 : i32, i32
  }
  func.func @transform_8(%arg0: i32) -> (i32, i32) {
    %c0_i32 = arith.constant 0 : i32
    %c0_i32_0 = arith.constant 0 : i32
    %c0_i32_1 = arith.constant 0 : i32
    return %c0_i32, %c0_i32_0 : i32, i32
  }
  func.func @transform_9(%arg0: i32) -> (i32, i32) {
    %c0_i32 = arith.constant 0 : i32
    %c0_i32_0 = arith.constant 0 : i32
    %c0_i32_1 = arith.constant 0 : i32
    return %c0_i32, %c0_i32_0 : i32, i32
  }
  func.func @transform_10(%arg0: i32) -> (i32, i32) {
    %c0_i32 = arith.constant 0 : i32
    %c0_i32_0 = arith.constant 0 : i32
    %c0_i32_1 = arith.constant 0 : i32
    return %c0_i32, %c0_i32_0 : i32, i32
  }
  func.func @transform_11(%arg0: i32) -> (i32, i32) {
    %c0_i32 = arith.constant 0 : i32
    %c0_i32_0 = arith.constant 0 : i32
    %c0_i32_1 = arith.constant 0 : i32
    return %c0_i32, %c0_i32_0 : i32, i32
  }
}

</mosaic_0001>

<sc_bundles>
// kernel: kernel.4.cloned.1.call-start
scs
__scs_entry_jumppad:
0x0: {  	(pc) =	sbr.rel $0x88, $3  }
0x1: {  	(tag) =	ssettag $0x0;
	lr =	simm.s32 $0x1  }
0x2: {  	[smem:$0x3F96] =	sst lr;
	_ =	strace $0xD0000000  }
0x3: {  	_ = 	snop  }
0x4: {  	_ = 	snop  }
0x5: {  	_ = 	snop  }
0x6: {  	_ = 	snop  }
0x7: {  	_ = 	snop  }
__scs_overlays_trampoline_lowered:
0x8: {  	[smem:$0x3FA5] =	sst s0  }
0x9: {  	[smem:$0x3FA6] =	sst s1  }
0xa: {  	[smem:$0x3FA7] =	sst s2  }
0xb: {  	[smem:$0x3FA8] =	sst s3  }
0xc: {  	[smem:$0x3FA9] =	sst s4  }
0xd: {  	[smem:$0x3FAA] =	sst s5  }
0xe: {  	[smem:$0x3FAB] =	sst s6  }
0xf: {  	[smem:$0x3FAC] =	sst s7  }
0x10: {  	[smem:$0x3FAD] =	sst s8  }
0x11: {  	[smem:$0x3FAE] =	sst s9;
	s0 =	simm.s32 @!p0 $0x0  }
0x12: {  	s1 =	sld [smem:$0x3F94];
	s0 =	simm.s32 @p0 $0x1  }
0x13: {  	[smem:$0x3FAF] =	sst s0;
	s0 =	simm.s32 @!p1 $0x0  }
0x14: {  	s2 =	sld [smem:$0x3F93];
	s0 =	simm.s32 @p1 $0x1  }
0x15: {  	[smem:$0x3FB0] =	sst s0;
	s0 =	simm.s32 @!p2 $0x0  }
0x16: {  	s3 =	sld [smem:$0x3FDB];
	s0 =	simm.s32 @p2 $0x1  }
0x17: {  	s4 =	simm.s32 $0x1BF5;
	[smem:$0x3FB2] =	sst s0  }
0x18: {  	s0 =	sld [smem:$0x3F95];
	_ =	swait.ge [sflag:s4], $0x0  }
0x19: {  	s7 =	sld [smem:$0x3F96]  }
0x1a: {  	s8 =	sadd.s32 $0xFFFFE003, lr  }
0x1b: {  	s9 =	sadd.s32 $0xFFFFFEF7, lr;
	s5 =	simm.s32 $0xFFFFFFFF;
	p2 =	slt.u32 s8, $0xFFFFF086  }
0x1c: {  	p1 =	slt.u32 s9, $0xF7A;
	s5 =	simm.s32 @!p2 $0x0  }
0x1d: {  	s5 =	simm.s32 @p1 $0x1;
	p0 =	seq.s32 s7, s2  }
0x1e: {  	s7 =	smul.u32 @!p0 $0xF7A, s2;
	p2 =	seq.s32 @!p0 s5, $0x0  }
0x1f: {  	s9 =	smul.u32 $0xF7A, s1;
	s8 =	simm.s32 @!p0 $0x1BF5;
	p2 =	por !p2, p0  }
0x20: {  	[sflag:s8] =	ssyncset.s32 @!p0 $0xFFFFF086;
	s6 =	sadd.s32 @!p0 s3, s7;
	s7 =	simm.s32 @!p0 $0x108  }
0x21: {  	s3 =	sadd.s32 s3, s9;
	s6 =	sadd.s32 @!p0 $0x88, s6;
	s7 =	simm.s32 @p2 $0x1082  }
0x22: {  	[simem:s7], [sflag:s8] =	dma.local @!p0 [hbm:s6], $0xF7A  }
0x23: {  	s9 =	sor.u32 $0xD0000000, s2;
	s6 =	simm.s32 $0x108;
	_ =	swait.ge @!p0 [sflag:s8], $0x0  }
0x24: {  	s3 =	sadd.s32 $0x88, s3;
	s6 =	simm.s32 @!p1 $0x1082;
	[sflag:s4] =	ssyncset.s32 $0xFFFFF086  }
0x25: {  	[simem:s6], [sflag:s4] =	dma.local [hbm:s3], $0xF7A  }
0x26: {  	[smem:$0x3F96] =	sst s1;
	(tag) =	ssettag s2;
	_ =	strace s9  }
0x27: {  	s1 =	sld [smem:$0x3FA6]  }
0x28: {  	s2 =	sld [smem:$0x3FA7]  }
0x29: {  	s4 =	sld [smem:$0x3FA9]  }
0x2a: {  	p0 =	seq.s32 s5, $0x0;
	s5 =	sld [smem:$0x3FAA]  }
0x2b: {  	s6 =	sld [smem:$0x3FAB]  }
0x2c: {  	s7 =	sld [smem:$0x3FAC]  }
0x2d: {  	s3 =	simm.s32 $0x108;
	s8 =	sld [smem:$0x3FAD]  }
0x2e: {  	s3 =	simm.s32 @!p0 $0x1082;
	s9 =	sld [smem:$0x3FAE]  }
0x2f: {  	lr =	sadd.s32 s0, s3;
	s0 =	sld [smem:$0x3FA5]  }
0x30: {  	s3 =	sld [smem:$0x3FA8]  }
0x31: {  	[smem:$0x3FB1] =	sst s10  }
0x32: {  	s10 =	sld [smem:$0x3FAF];
	_ =	sdelay $0x3  }
0x33: {  	p0 =	seq.s32 s10, $0x1;
	s10 =	sld [smem:$0x3FB1];
	_ =	sdelay $0x3  }
0x34: {  	[smem:$0x3FB1] =	sst s10  }
0x35: {  	s10 =	sld [smem:$0x3FB0];
	_ =	sdelay $0x3  }
0x36: {  	p1 =	seq.s32 s10, $0x1;
	s10 =	sld [smem:$0x3FB1];
	_ =	sdelay $0x3  }
0x37: {  	[smem:$0x3FB1] =	sst s10  }
0x38: {  	s10 =	sld [smem:$0x3FB2]  }
0x39: {  	_ = 	snop;
	(pc) =	sbr.ind lr, $3  }
0x3a: {  	_ = 	snop  }
0x3b: {  	_ = 	snop  }
0x3c: {  	p2 =	seq.s32 s10, $0x1;
	s10 =	sld [smem:$0x3FB1]  }
0x3d: {  	_ =	shalt  }
0x3e: {  	_ =	shalt  }
0x3f: {  	_ =	shalt  }
0x40: {  	_ =	shalt  }
0x41: {  	_ =	shalt  }
0x42: {  	_ =	shalt  }
0x43: {  	_ =	shalt  }
0x44: {  	_ =	shalt  }
0x45: {  	_ =	shalt  }
0x46: {  	_ =	shalt  }
0x47: {  	_ =	shalt  }
0x48: {  	_ =	shalt  }
0x49: {  	_ =	shalt  }
0x4a: {  	_ =	shalt  }
0x4b: {  	_ =	shalt  }
0x4c: {  	_ =	shalt  }
0x4d: {  	_ =	shalt  }
0x4e: {  	_ =	shalt  }
0x4f: {  	_ =	shalt  }
0x50: {  	_ =	shalt  }
0x51: {  	_ =	shalt  }
0x52: {  	_ =	shalt  }
0x53: {  	_ =	shalt  }
0x54: {  	_ =	shalt  }
0x55: {  	_ =	shalt  }
0x56: {  	_ =	shalt  }
0x57: {  	_ =	shalt  }
0x58: {  	_ =	shalt  }
0x59: {  	_ =	shalt  }
0x5a: {  	_ =	shalt  }
0x5b: {  	_ =	shalt  }
0x5c: {  	_ =	shalt  }
0x5d: {  	_ =	shalt  }
0x5e: {  	_ =	shalt  }
0x5f: {  	_ =	shalt  }
0x60: {  	_ =	shalt  }
0x61: {  	_ =	shalt  }
0x62: {  	_ =	shalt  }
0x63: {  	_ =	shalt  }
0x64: {  	_ =	shalt  }
0x65: {  	_ =	shalt  }
0x66: {  	_ =	shalt  }
0x67: {  	_ =	shalt  }
0x68: {  	_ =	shalt  }
0x69: {  	_ =	shalt  }
0x6a: {  	_ =	shalt  }
0x6b: {  	_ =	shalt  }
0x6c: {  	_ =	shalt  }
0x6d: {  	_ =	shalt  }
0x6e: {  	_ =	shalt  }
0x6f: {  	_ =	shalt  }
0x70: {  	_ =	shalt  }
0x71: {  	_ =	shalt  }
0x72: {  	_ =	shalt  }
0x73: {  	_ =	shalt  }
0x74: {  	_ =	shalt  }
0x75: {  	_ =	shalt  }
0x76: {  	_ =	shalt  }
0x77: {  	_ =	shalt  }
0x78: {  	_ =	shalt  }
0x79: {  	_ =	shalt  }
0x7a: {  	_ =	shalt  }
0x7b: {  	_ =	shalt  }
0x7c: {  	_ =	shalt  }
0x7d: {  	_ =	shalt  }
0x7e: {  	_ =	shalt  }
0x7f: {  	_ =	shalt  }
0x80: {  	_ =	shalt  }
0x81: {  	_ =	shalt  }
0x82: {  	_ =	shalt  }
0x83: {  	_ =	shalt  }
0x84: {  	_ =	shalt  }
0x85: {  	_ =	shalt  }
0x86: {  	_ =	shalt  }
0x87: {  	_ =	shalt  }
.Lfunc_end0:
.L_simem_size_0:
called_computation_lowered:
.L_overlay_start_0:
0x88: {  	s2 =	sld [smem:$0x3FD9]  }
0x89: {  	s3 =	sld [smem:$0x3FFE];
	_ =	sdelay $0x1  }
0x8a: {  	s1 =	srdreg.scid  }
0x8b: {  	s0 =	sand.u32 $0x1, s1  }
0x8c: {  	s14 =	sshll.u32 s0, $0xA;
	s2 =	sadd.s32 s3, s2  }
0x8d: {  	s2 =	sadd.s32 s2, s14  }
0x8e: {  	[smem:$0x3FBD] =	sst s2  }
0x8f: {  	_ = 	snop  }
0x90: {  	s2 =	sld [smem:$0x3FD0];
	_ =	sdelay $0x2  }
0x91: {  	s4 =	simm.s32 $0xA;
	s5 =	simm.s32 $0x10;
	s15 =	sld [smem:$0x3FC9]  }
0x92: {  	[smem:s5], [sflag:s4] =	dma.local [hbm:s2], $0x1  }
0x93: {  	_ =	swait.eq [sflag:s4], $0x1  }
0x94: {  	[sflag:s4] =	ssyncset.done $0x0  }
0x95: {  	[sflag:s4] =	ssyncadd.s32 $0xFFFFFFFF  }
0x96: {  	s16 =	sld [smem:$0x11];
	(tm) =	ssettm $0x1  }
0x97: {  	s17 =	sld [smem:$0x3FFB];
	_ =	sdelay $0x3  }
0x98: {  	_ =	strace s17  }
0x99: {  	s4 =	sld [smem:$0x3FFC];
	_ =	sdelay $0x3  }
0x9a: {  	_ =	strace s4  }
0x9b: {  	s4 =	sld [smem:$0x3FFD];
	_ =	sdelay $0x3  }
0x9c: {  	_ =	strace s4  }
0x9d: {  	_ =	strace $0x8FFFFFFF  }
0x9e: {  	s18 =	sld [smem:$0x3FDB];
	_ =	sdelay $0x1  }
0x9f: {  	s19 =	simm.s32 $_scs_section_size  }
0xa0: {  	s6 =	simm.s32 $_size__tile_overlayer_lowered;
	s7 =	simm.s32 $_tile_overlayer_lowered  }
0xa1: {  	s22 =	simm.s32 $0x1BFF;
	s21 =	sshll.u32 s7, $0x1;
	s4 =	sadd.s32 s19, s18  }
0xa2: {  	s8 =	simm.s32 $0x0;
	s20 =	sshll.u32 s6, $0x1;
	s6 =	sadd.s32 s21, s4  }
0xa3: {  	[timem:s8], [sflag:s22] =	dma.local [hbm:s6], s20  }
0xa4: {  	_ =	swait.ge [sflag:s22], s20  }
0xa5: {  	s5 =	ssub.s32 $0x0, s20;
	[sflag:s22] =	ssyncset.done $0x0  }
0xa6: {  	[sflag:s22] =	ssyncadd.s32 s5;
	_ =	sdelay $0x1  }
0xa7: {  	s23 =	simm.s32 $0x1B8B  }
0xa8: {  	_ =	swait.ge [sflag:s23], $0x1  }
0xa9: {  	[sflag:s23] =	ssyncset.done $0x0  }
0xaa: {  	s25 =	simm.s32 $0x1B8E;
	s24 =	sld [smem:$0x3FFE];
	[sflag:s23] =	ssyncadd.s32 $0xFFFFFFFF  }
0xab: {  	s26 =	simm.s32 $execute0_lowered;
	[smem:$0x3FD2] =	sst s25  }
0xac: {  	s6 =	sshll.u32 s26, $0x1;
	_ =	strace $0x80000046;
	[dreg:$0x1] =	wrdreg $0xFFFFFFFF  }
0xad: {  	s28 =	simm.s32 $_size_execute0_lowered;
	s4 =	sadd.s32 s4, s6;
	[dreg:$0x0] =	wrdreg $0x0  }
0xae: {  	s6 =	sshll.u32 s28, $0x1;
	[dreg:$0x2] =	wrdreg s4  }
0xaf: {  	[dreg:$0x3] =	wrdreg s6  }
0xb0: {  	[dreg:$0x4] =	wrdreg $0xC0  }
0xb1: {  	_ =	task [dreg:s8], $0x5FFFF  }
0xb2: {  	[dreg:$0x1] =	wrdreg $0xFFFFFFFF  }
0xb3: {  	[dreg:$0x0] =	wrdreg $0x60  }
0xb4: {  	[dreg:$0x2] =	wrdreg s15  }
0xb5: {  	[dreg:$0x3] =	wrdreg s24  }
0xb6: {  	[dreg:$0x4] =	wrdreg s16  }
0xb7: {  	[dreg:$0x5] =	wrdreg $0x9  }
0xb8: {  	_ =	task.clear_ibuf [dreg:s8], $0x6FFFF;
	_ =	strace $0x90000046  }
0xb9: {  	s29 =	simm.s32 $0x9;
	_ =	strace $0x80000048  }
0xba: {  	_ =	swait.ge [sflag:s29], $0x1  }
0xbb: {  	[sflag:s29] =	ssyncadd.s32 $0xFFFFFFFF  }
0xbc: {  	_ =	strace $0x90000048  }
0xbd: {  	_ =	sfence  }
0xbe: {  	s30 =	sld [smem:$0x0];
	_ =	sdelay $0x2  }
0xbf: {  	s31 =	sshll.u32 s1, $0xD;
	s1 =	sshrl.u32 s1, $0x2  }
0xc0: {  	s3 =	sand.u32 $0x4000, s31;
	s1 =	sadd.s32 s1, s30  }
0xc1: {  	s0 =	sor.u32 s3, s0;
	s1 =	sshll.u32 s1, $0x11  }
0xc2: {  	s0 =	sor.u32 s1, s0  }
0xc3: {  	s0 =	sadd.s32 $0x8F2B, s0  }
0xc4: {  	[sflag:s0] =	ssyncadd.remote.s32 $0x1  }
0xc5: {  	_ =	sfence.sel $0xFFFF  }
0xc6: {  	[dreg:$0x0] =	wrdreg $0xFFFFFFFF;
	(pc) =	sbr.abs _section_cstart, $3  }
0xc7: {  	[dreg:$0x1] =	wrdreg $0xFFFFFFFF  }
0xc8: {  	_ =	task.clear_ibuf [dreg:s8], $0x2FFFF;
	_ =	strace $0x9FFFFFFF  }
0xc9: {  	(tm) =	ssettm $0x7FFFFFFF  }
tec
execute0_lowered:
.L_overlay_start_1:
0x0: {  	(tag) =	ssettag $0x1  }
0x1: {  	s2 =	rddreg [dreg:$0x1]  }
0x2: {  	s4 =	rddreg [dreg:$0x2]  }
0x3: {  	s0 =	srdreg.scid;
	s18 =	stileid.u32  }
0x4: {  	s1 =	simm.s32 $0x0;
	s28 =	simm.s32 $0x3;
	s29 =	simm.s32 $0x2800  }
0x5: {  	s30 =	simm.s32 $0x3000;
	s31 =	simm.s32 $0x3800;
	s3 =	sand.u32 $0x1, s0  }
0x6: {  	s15 =	sshll.u32 s18, $0x1;
	[smem:$0x7FF] =	sst s1;
	s5 =	sadd.s32 $0x2000, s2  }
0x7: {  	s0 =	sadd.s32 $0x16000, s2;
	s8 =	sadd.s32 $0x6E000, s2;
	s23 =	sshll.u32 s18, $0x5  }
0x8: {  	p0 =	sgt.u32 s18, $0x7;
	s6 =	sor.u32 s3, s15;
	s3 =	ssub.s32 $0x2, s3  }
0x9: {  	s7 =	sshll.u32 s6, $0xB;
	s9 =	sshrl.u32 s3, $0x1;
	s16 =	sshll.u32 s6, $0x7  }
0xa: {  	s10 =	sor.u32 $0x20, s6;
	s12 =	sor.u32 $0x40, s6;
	s13 =	sshll.u32 s6, $0x4  }
0xb: {  	s21 =	sor.u32 $0x80, s6;
	s2 =	sadd.s32 s7, s2;
	s3 =	ssub.s32 s3, s9  }
0xc: {  	s9 =	sand.u32 $0x380, s16;
	s11 =	sshll.u32 s10, $0x7;
	s14 =	sshll.u32 s12, $0x7  }
0xd: {  	s15 =	sadd.s32 s4, s13;
	s16 =	sadd.s32 s8, s7;
	s22 =	sshll.u32 s21, $0x7  }
0xe: {  	s13 =	sand.u32 $0x70, s13;
	s25 =	sshll.u32 s10, $0x9;
	s26 =	sshll.u32 s21, $0xB  }
0xf: {  	s11 =	sand.u32 $0x1C00, s11;
	[dreg:$0x4] =	wrdreg s15;
	s14 =	sand.u32 $0x2C00, s14  }
0x10: {  	s15 =	sor.u32 $0x60, s6;
	[dreg:$0x6] =	wrdreg s16;
	s6 =	sshll.u32 s6, $0x9  }
0x11: {  	s11 =	sor.u32 s9, s11;
	s14 =	sor.u32 s9, s14;
	s19 =	sshll.u32 s15, $0x7  }
0x12: {  	s6 =	sadd.s32 s5, s6;
	s11 =	sshrl.u32 s11, $0x3;
	s17 =	sshrl.u32 s14, $0x3  }
0x13: {  	s20 =	sand.u32 $0x3C00, s19;
	[dreg:$0xc] =	wrdreg s6;
	s11 =	sadd.s32 s4, s11  }
0x14: {  	s14 =	sshll.u32 s10, $0xB;
	[dreg:$0x5] =	wrdreg s11;
	s11 =	sadd.s32 s4, s17  }
0x15: {  	s10 =	simm.s32 $0x9800;
	s17 =	sadd.s32 s8, s14;
	[dreg:$0x7] =	wrdreg s11  }
0x16: {  	s11 =	sor.u32 s9, s20;
	[dreg:$0x8] =	wrdreg s17;
	s17 =	sand.u32 $0x4C00, s22  }
0x17: {  	s22 =	sadd.s32 s0, s7;
	s7 =	simm.s32 $0x8000;
	s11 =	sshrl.u32 s11, $0x3  }
0x18: {  	s9 =	sor.u32 s9, s17;
	s17 =	sand.u32 $0x80, s23;
	[dreg:$0x12] =	wrdreg s22  }
0x19: {  	s23 =	sadd.s32 s0, s14;
	s14 =	simm.s32 $0x1000;
	s11 =	sadd.s32 s4, s11  }
0x1a: {  	s9 =	sshrl.u32 s9, $0x3;
	s24 =	sor.u32 s13, s17;
	s13 =	sshll.u32 s15, $0xB  }
0x1b: {  	s17 =	sshll.u32 s15, $0x9;
	[dreg:$0x13] =	wrdreg s23;
	s23 =	sadd.s32 s0, s26  }
0x1c: {  	s15 =	simm.s32 $0x0;
	[dreg:$0x9] =	wrdreg s11;
	s11 =	sshll.u32 s12, $0xB  }
0x1d: {  	s9 =	sadd.s32 s4, s9;
	s4 =	sadd.s32 s24, s4;
	s12 =	sshll.u32 s12, $0x9  }
0x1e: {  	s20 =	sadd.s32 s5, s17;
	s22 =	sadd.s32 s0, s13;
	s17 =	simm.s32 $0x4000  }
0x1f: {  	s19 =	sadd.s32 s8, s11;
	[dreg:$0xb] =	wrdreg s9;
	s9 =	sadd.s32 s5, s25  }
0x20: {  	s6 =	sadd.s32 s5, s12;
	[dreg:$0xf] =	wrdreg s20;
	s20 =	sadd.s32 s8, s26  }
0x21: {  	s24 =	sadd.s32 s0, s11;
	s25 =	sadd.s32 $0xA00, s4;
	[dreg:$0xa] =	wrdreg s19  }
0x22: {  	s26 =	sadd.s32 $0x66000, s2;
	s0 =	simm.s32 $0x4800;
	[dreg:$0xd] =	wrdreg s9  }
0x23: {  	s2 =	simm.s32 $0x80;
	s4 =	simm.s32 $0x6800;
	[dreg:$0xe] =	wrdreg s6  }
0x24: {  	s19 =	sshll.u32 s21, $0x9;
	s21 =	sadd.s32 s8, s13;
	[dreg:$0x14] =	wrdreg s24  }
0x25: {  	s11 =	simm.s32 $0x2;
	s12 =	simm.s32 $0x1;
	[dreg:$0x11] =	wrdreg s21  }
0x26: {  	s24 =	simm.s32 $0x5000;
	s5 =	sadd.s32 s5, s19;
	s21 =	rddreg [dreg:$0x0]  }
0x27: {  	s6 =	simm.s32 $0x7800;
	s8 =	simm.s32 $0x8800;
	[dreg:$0x10] =	wrdreg s5  }
0x28: {  	v2 =	vlaneseq.u32;
	s9 =	simm.s32 $0x9000;
	_ =	strace $0x80000047;
	[dreg:$0x15] =	wrdreg s25  }
0x29: {  	vm0 =	vmmov $0xffff;
	v1 =	vshrl.u32 v2, $0x3;
	s13 =	simm.s32 $0x2000;
	s5 =	simm.s32 $0x7000;
	[dreg:$0x16] =	wrdreg s26  }
0x2a: {  	v0 =	vand.u32 $0x7, v2;
	v2 =	vor.u32 $0x8, v2;
	v1 =	vmul.u32 $0x8, v1;
	s26 =	smax.u32 s3, $0x1;
	s25 =	simm.s32 $0x5800;
	s3 =	simm.s32 $0x6000  }
.LBB2_1:
0x2b: {  	s16 =	rddreg [dreg:$0x4]  }
0x2c: {  	[tilespmem:s1], [sflag:$0x3] =	stream.linear.gather [hbm4b:s16+s1], $0x80, $0x38;
	[tilespmem:$0xA000] =	vst v63  }
0x2d: {  	_ =	swait.ge [sflag:s28], $0x80  }
0x2e: {  	[sflag:s28] =	ssyncset.done $0x0  }
0x2f: {  	[sflag:s28] =	ssyncadd.s32 $0xFFFFFF80  }
0x30: {  	v3 =	vld [tilespmem:$0x0];
	_ =	sdelay $0x4  }
0x31: {  	v4 =	vshll.u32 v3, $0x1  }
0x32: {  	v3 =	vand.u32 $0x7, v3;
	v4 =	vand.u32 $0xFFFFFFF0, v4  }
0x33: {  	v3 =	vor.u32 v3, v4  }
0x34: {  	v4 =	vperm.xlane v3, v0;
	_ =	sdelay $0x1  }
0x35: {  	v3 =	vperm.xlane v3, v2;
	v4 =	vadd.s32 v1, v4;
	_ =	sdelay $0x1  }
0x36: {  	v3 =	vadd.s32 v1, v3;
	_ =	sdelay $0x2  }
0x37: {  	[tilespmem:s13], [sflag:$0x1] =	stream.indirect_vreg.gather [hbm4b:s21+s1], $0x80, v4, vm0, $0xb8;
	[tilespmem:$0xA000] =	vst v63  }
0x38: {  	_ = 	snop  }
0x39: {  	[tilespmem:s29], [sflag:$0x1] =	stream.indirect_vreg.gather [hbm4b:s21+s1], $0x80, v3, vm0, $0xb8;
	[tilespmem:$0xA000] =	vst v63  }
0x3a: {  	v3 =	vld [tilespmem:$0x10];
	_ =	sdelay $0x4  }
0x3b: {  	v45 =	vshll.u32 v3, $0x1  }
0x3c: {  	v3 =	vand.u32 $0x7, v3;
	v4 =	vand.u32 $0xFFFFFFF0, v45  }
0x3d: {  	v3 =	vor.u32 v3, v4  }
0x3e: {  	v4 =	vperm.xlane v3, v0;
	_ =	sdelay $0x1  }
0x3f: {  	v3 =	vperm.xlane v3, v2;
	v4 =	vadd.s32 v1, v4;
	_ =	sdelay $0x1  }
0x40: {  	v3 =	vadd.s32 v1, v3;
	_ =	sdelay $0x2  }
0x41: {  	[tilespmem:s30], [sflag:$0x1] =	stream.indirect_vreg.gather [hbm4b:s21+s1], $0x80, v4, vm0, $0xb8;
	[tilespmem:$0xA000] =	vst v63  }
0x42: {  	_ = 	snop  }
0x43: {  	[tilespmem:s31], [sflag:$0x1] =	stream.indirect_vreg.gather [hbm4b:s21+s1], $0x80, v3, vm0, $0xb8;
	[tilespmem:$0xA000] =	vst v63  }
0x44: {  	v3 =	vld [tilespmem:$0x20];
	_ =	sdelay $0x4  }
0x45: {  	v46 =	vshll.u32 v3, $0x1  }
0x46: {  	v3 =	vand.u32 $0x7, v3;
	v4 =	vand.u32 $0xFFFFFFF0, v46  }
0x47: {  	v3 =	vor.u32 v3, v4  }
0x48: {  	v4 =	vperm.xlane v3, v0;
	_ =	sdelay $0x1  }
0x49: {  	v3 =	vperm.xlane v3, v2;
	v4 =	vadd.s32 v1, v4;
	_ =	sdelay $0x1  }
0x4a: {  	v3 =	vadd.s32 v1, v3;
	_ =	sdelay $0x2  }
0x4b: {  	[tilespmem:s17], [sflag:$0x1] =	stream.indirect_vreg.gather [hbm4b:s21+s1], $0x80, v4, vm0, $0xb8;
	[tilespmem:$0xA000] =	vst v63  }
0x4c: {  	_ = 	snop  }
0x4d: {  	[tilespmem:s0], [sflag:$0x1] =	stream.indirect_vreg.gather [hbm4b:s21+s1], $0x80, v3, vm0, $0xb8;
	[tilespmem:$0xA000] =	vst v63  }
0x4e: {  	v3 =	vld [tilespmem:$0x30];
	_ =	sdelay $0x4  }
0x4f: {  	v47 =	vshll.u32 v3, $0x1  }
0x50: {  	v3 =	vand.u32 $0x7, v3;
	v4 =	vand.u32 $0xFFFFFFF0, v47  }
0x51: {  	v3 =	vor.u32 v3, v4  }
0x52: {  	v4 =	vperm.xlane v3, v0;
	_ =	sdelay $0x1  }
0x53: {  	v3 =	vperm.xlane v3, v2;
	v4 =	vadd.s32 v1, v4;
	_ =	sdelay $0x1  }
0x54: {  	v3 =	vadd.s32 v1, v3;
	_ =	sdelay $0x2  }
0x55: {  	[tilespmem:s24], [sflag:$0x1] =	stream.indirect_vreg.gather [hbm4b:s21+s1], $0x80, v4, vm0, $0xb8;
	[tilespmem:$0xA000] =	vst v63  }
0x56: {  	_ = 	snop  }
0x57: {  	[tilespmem:s25], [sflag:$0x1] =	stream.indirect_vreg.gather [hbm4b:s21+s1], $0x80, v3, vm0, $0xb8;
	[tilespmem:$0xA000] =	vst v63  }
0x58: {  	s18 =	rddreg [dreg:$0x5]  }
0x59: {  	[tilespmem:s2], [sflag:$0x3] =	stream.linear.gather [hbm4b:s18+s1], $0x80, $0x38;
	[tilespmem:$0xA000] =	vst v63  }
0x5a: {  	_ =	swait.ge [sflag:s28], $0x80  }
0x5b: {  	[sflag:s28] =	ssyncset.done $0x0  }
0x5c: {  	[sflag:s28] =	ssyncadd.s32 $0xFFFFFF80  }
0x5d: {  	v3 =	vld [tilespmem:$0x80];
	_ =	sdelay $0x4  }
0x5e: {  	v48 =	vshll.u32 v3, $0x1  }
0x5f: {  	v3 =	vand.u32 $0x7, v3;
	v4 =	vand.u32 $0xFFFFFFF0, v48  }
0x60: {  	v3 =	vor.u32 v3, v4  }
0x61: {  	v4 =	vperm.xlane v3, v0;
	_ =	sdelay $0x1  }
0x62: {  	v3 =	vperm.xlane v3, v2;
	v4 =	vadd.s32 v1, v4;
	_ =	sdelay $0x1  }
0x63: {  	v3 =	vadd.s32 v1, v3;
	_ =	sdelay $0x2  }
0x64: {  	[tilespmem:s3], [sflag:$0x2] =	stream.indirect_vreg.gather [hbm4b:s21+s1], $0x80, v4, vm0, $0xb8;
	[tilespmem:$0xA000] =	vst v63  }
0x65: {  	_ = 	snop  }
0x66: {  	[tilespmem:s4], [sflag:$0x2] =	stream.indirect_vreg.gather [hbm4b:s21+s1], $0x80, v3, vm0, $0xb8;
	[tilespmem:$0xA000] =	vst v63  }
0x67: {  	v3 =	vld [tilespmem:$0x90];
	_ =	sdelay $0x4  }
0x68: {  	v49 =	vshll.u32 v3, $0x1  }
0x69: {  	v3 =	vand.u32 $0x7, v3;
	v4 =	vand.u32 $0xFFFFFFF0, v49  }
0x6a: {  	v3 =	vor.u32 v3, v4  }
0x6b: {  	v4 =	vperm.xlane v3, v0;
	_ =	sdelay $0x1  }
0x6c: {  	v3 =	vperm.xlane v3, v2;
	v4 =	vadd.s32 v1, v4;
	_ =	sdelay $0x1  }
0x6d: {  	v3 =	vadd.s32 v1, v3;
	_ =	sdelay $0x2  }
0x6e: {  	[tilespmem:s5], [sflag:$0x2] =	stream.indirect_vreg.gather [hbm4b:s21+s1], $0x80, v4, vm0, $0xb8;
	[tilespmem:$0xA000] =	vst v63  }
0x6f: {  	_ = 	snop  }
0x70: {  	[tilespmem:s6], [sflag:$0x2] =	stream.indirect_vreg.gather [hbm4b:s21+s1], $0x80, v3, vm0, $0xb8;
	[tilespmem:$0xA000] =	vst v63  }
0x71: {  	v3 =	vld [tilespmem:$0xA0];
	_ =	sdelay $0x4  }
0x72: {  	v50 =	vshll.u32 v3, $0x1  }
0x73: {  	v3 =	vand.u32 $0x7, v3;
	v4 =	vand.u32 $0xFFFFFFF0, v50  }
0x74: {  	v3 =	vor.u32 v3, v4  }
0x75: {  	v4 =	vperm.xlane v3, v0;
	_ =	sdelay $0x1  }
0x76: {  	v3 =	vperm.xlane v3, v2;
	v4 =	vadd.s32 v1, v4;
	_ =	sdelay $0x1  }
0x77: {  	v3 =	vadd.s32 v1, v3;
	_ =	sdelay $0x2  }
0x78: {  	[tilespmem:s7], [sflag:$0x2] =	stream.indirect_vreg.gather [hbm4b:s21+s1], $0x80, v4, vm0, $0xb8;
	[tilespmem:$0xA000] =	vst v63  }
0x79: {  	_ = 	snop  }
0x7a: {  	[tilespmem:s8], [sflag:$0x2] =	stream.indirect_vreg.gather [hbm4b:s21+s1], $0x80, v3, vm0, $0xb8;
	[tilespmem:$0xA000] =	vst v63  }
0x7b: {  	v3 =	vld [tilespmem:$0xB0];
	_ =	sdelay $0x4  }
0x7c: {  	v51 =	vshll.u32 v3, $0x1  }
0x7d: {  	v3 =	vand.u32 $0x7, v3;
	v4 =	vand.u32 $0xFFFFFFF0, v51  }
0x7e: {  	v3 =	vor.u32 v3, v4  }
0x7f: {  	v4 =	vperm.xlane v3, v0;
	_ =	sdelay $0x1  }
0x80: {  	v3 =	vperm.xlane v3, v2;
	v4 =	vadd.s32 v1, v4;
	_ =	sdelay $0x1  }
0x81: {  	v3 =	vadd.s32 v1, v3;
	_ =	sdelay $0x2  }
0x82: {  	[tilespmem:s9], [sflag:$0x2] =	stream.indirect_vreg.gather [hbm4b:s21+s1], $0x80, v4, vm0, $0xb8;
	[tilespmem:$0xA000] =	vst v63  }
0x83: {  	_ = 	snop  }
0x84: {  	[tilespmem:s10], [sflag:$0x2] =	stream.indirect_vreg.gather [hbm4b:s21+s1], $0x80, v3, vm0, $0xb8;
	[tilespmem:$0xA000] =	vst v63  }
0x85: {  	_ =	swait.ge [sflag:s12], $0x4000  }
0x86: {  	[sflag:s12] =	ssyncset.done $0x0  }
0x87: {  	s19 =	rddreg [dreg:$0x6];
	[sflag:s12] =	ssyncadd.s32 $0xFFFFC000  }
0x88: {  	[hbm4b:s19+s1] =	stream.linear.scatter [tilespmem:s13], [sflag:$0x3], $0x4000, $0x38;
	[tilespmem:$0xA000] =	vst v63  }
0x89: {  	_ =	swait.ge [sflag:s28], $0x4000  }
0x8a: {  	[sflag:s28] =	ssyncset.done $0x0  }
0x8b: {  	s18 =	rddreg [dreg:$0x7];
	[sflag:s28] =	ssyncadd.s32 $0xFFFFC000  }
0x8c: {  	[tilespmem:s1], [sflag:$0x3] =	stream.linear.gather [hbm4b:s18+s1], $0x80, $0x38;
	[tilespmem:$0xA000] =	vst v63  }
0x8d: {  	_ =	swait.ge [sflag:s28], $0x80  }
0x8e: {  	[sflag:s28] =	ssyncset.done $0x0  }
0x8f: {  	[sflag:s28] =	ssyncadd.s32 $0xFFFFFF80  }
0x90: {  	v3 =	vld [tilespmem:$0x0];
	_ =	sdelay $0x4  }
0x91: {  	v52 =	vshll.u32 v3, $0x1  }
0x92: {  	v3 =	vand.u32 $0x7, v3;
	v4 =	vand.u32 $0xFFFFFFF0, v52  }
0x93: {  	v3 =	vor.u32 v3, v4  }
0x94: {  	v4 =	vperm.xlane v3, v0;
	_ =	sdelay $0x1  }
0x95: {  	v3 =	vperm.xlane v3, v2;
	v4 =	vadd.s32 v1, v4;
	_ =	sdelay $0x1  }
0x96: {  	v3 =	vadd.s32 v1, v3;
	_ =	sdelay $0x2  }
0x97: {  	[tilespmem:s13], [sflag:$0x1] =	stream.indirect_vreg.gather [hbm4b:s21+s1], $0x80, v4, vm0, $0xb8;
	[tilespmem:$0xA000] =	vst v63  }
0x98: {  	_ = 	snop  }
0x99: {  	[tilespmem:s29], [sflag:$0x1] =	stream.indirect_vreg.gather [hbm4b:s21+s1], $0x80, v3, vm0, $0xb8;
	[tilespmem:$0xA000] =	vst v63  }
0x9a: {  	v3 =	vld [tilespmem:$0x10];
	_ =	sdelay $0x4  }
0x9b: {  	v53 =	vshll.u32 v3, $0x1  }
0x9c: {  	v3 =	vand.u32 $0x7, v3;
	v4 =	vand.u32 $0xFFFFFFF0, v53  }
0x9d: {  	v3 =	vor.u32 v3, v4  }
0x9e: {  	v4 =	vperm.xlane v3, v0;
	_ =	sdelay $0x1  }
0x9f: {  	v3 =	vperm.xlane v3, v2;
	v4 =	vadd.s32 v1, v4;
	_ =	sdelay $0x1  }
0xa0: {  	v3 =	vadd.s32 v1, v3;
	_ =	sdelay $0x2  }
0xa1: {  	[tilespmem:s30], [sflag:$0x1] =	stream.indirect_vreg.gather [hbm4b:s21+s1], $0x80, v4, vm0, $0xb8;
	[tilespmem:$0xA000] =	vst v63  }
0xa2: {  	_ = 	snop  }
0xa3: {  	[tilespmem:s31], [sflag:$0x1] =	stream.indirect_vreg.gather [hbm4b:s21+s1], $0x80, v3, vm0, $0xb8;
	[tilespmem:$0xA000] =	vst v63  }
0xa4: {  	v3 =	vld [tilespmem:$0x20];
	_ =	sdelay $0x4  }
0xa5: {  	v54 =	vshll.u32 v3, $0x1  }
0xa6: {  	v3 =	vand.u32 $0x7, v3;
	v4 =	vand.u32 $0xFFFFFFF0, v54  }
0xa7: {  	v3 =	vor.u32 v3, v4  }
0xa8: {  	v4 =	vperm.xlane v3, v0;
	_ =	sdelay $0x1  }
0xa9: {  	v3 =	vperm.xlane v3, v2;
	v4 =	vadd.s32 v1, v4;
	_ =	sdelay $0x1  }
0xaa: {  	v3 =	vadd.s32 v1, v3;
	_ =	sdelay $0x2  }
0xab: {  	[tilespmem:s17], [sflag:$0x1] =	stream.indirect_vreg.gather [hbm4b:s21+s1], $0x80, v4, vm0, $0xb8;
	[tilespmem:$0xA000] =	vst v63  }
0xac: {  	_ = 	snop  }
0xad: {  	[tilespmem:s0], [sflag:$0x1] =	stream.indirect_vreg.gather [hbm4b:s21+s1], $0x80, v3, vm0, $0xb8;
	[tilespmem:$0xA000] =	vst v63  }
0xae: {  	v3 =	vld [tilespmem:$0x30];
	_ =	sdelay $0x4  }
0xaf: {  	v55 =	vshll.u32 v3, $0x1  }
0xb0: {  	v3 =	vand.u32 $0x7, v3;
	v4 =	vand.u32 $0xFFFFFFF0, v55  }
0xb1: {  	v3 =	vor.u32 v3, v4  }
0xb2: {  	v4 =	vperm.xlane v3, v0;
	_ =	sdelay $0x1  }
0xb3: {  	v3 =	vperm.xlane v3, v2;
	v4 =	vadd.s32 v1, v4;
	_ =	sdelay $0x1  }
0xb4: {  	v3 =	vadd.s32 v1, v3;
	_ =	sdelay $0x2  }
0xb5: {  	[tilespmem:s24], [sflag:$0x1] =	stream.indirect_vreg.gather [hbm4b:s21+s1], $0x80, v4, vm0, $0xb8;
	[tilespmem:$0xA000] =	vst v63  }
0xb6: {  	_ = 	snop  }
0xb7: {  	[tilespmem:s25], [sflag:$0x1] =	stream.indirect_vreg.gather [hbm4b:s21+s1], $0x80, v3, vm0, $0xb8;
	[tilespmem:$0xA000] =	vst v63  }
0xb8: {  	_ =	swait.ge [sflag:s11], $0x4000  }
0xb9: {  	[sflag:s11] =	ssyncset.done $0x0  }
0xba: {  	s19 =	rddreg [dreg:$0x8];
	[sflag:s11] =	ssyncadd.s32 $0xFFFFC000  }
0xbb: {  	[hbm4b:s19+s1] =	stream.linear.scatter [tilespmem:s3], [sflag:$0x3], $0x4000, $0x38;
	[tilespmem:$0xA000] =	vst v63  }
0xbc: {  	_ =	swait.ge [sflag:s28], $0x4000  }
0xbd: {  	[sflag:s28] =	ssyncset.done $0x0  }
0xbe: {  	s18 =	rddreg [dreg:$0x9];
	[sflag:s28] =	ssyncadd.s32 $0xFFFFC000  }
0xbf: {  	[tilespmem:s2], [sflag:$0x3] =	stream.linear.gather [hbm4b:s18+s1], $0x80, $0x38;
	[tilespmem:$0xA000] =	vst v63  }
0xc0: {  	_ =	swait.ge [sflag:s28], $0x80  }
0xc1: {  	[sflag:s28] =	ssyncset.done $0x0  }
0xc2: {  	[sflag:s28] =	ssyncadd.s32 $0xFFFFFF80  }
0xc3: {  	v3 =	vld [tilespmem:$0x80];
	_ =	sdelay $0x4  }
0xc4: {  	v56 =	vshll.u32 v3, $0x1  }
0xc5: {  	v3 =	vand.u32 $0x7, v3;
	v4 =	vand.u32 $0xFFFFFFF0, v56  }
0xc6: {  	v3 =	vor.u32 v3, v4  }
0xc7: {  	v4 =	vperm.xlane v3, v0;
	_ =	sdelay $0x1  }
0xc8: {  	v3 =	vperm.xlane v3, v2;
	v4 =	vadd.s32 v1, v4;
	_ =	sdelay $0x1  }
0xc9: {  	v3 =	vadd.s32 v1, v3;
	_ =	sdelay $0x2  }
0xca: {  	[tilespmem:s3], [sflag:$0x2] =	stream.indirect_vreg.gather [hbm4b:s21+s1], $0x80, v4, vm0, $0xb8;
	[tilespmem:$0xA000] =	vst v63  }
0xcb: {  	_ = 	snop  }
0xcc: {  	[tilespmem:s4], [sflag:$0x2] =	stream.indirect_vreg.gather [hbm4b:s21+s1], $0x80, v3, vm0, $0xb8;
	[tilespmem:$0xA000] =	vst v63  }
0xcd: {  	v3 =	vld [tilespmem:$0x90];
	_ =	sdelay $0x4  }
0xce: {  	v57 =	vshll.u32 v3, $0x1  }
0xcf: {  	v3 =	vand.u32 $0x7, v3;
	v4 =	vand.u32 $0xFFFFFFF0, v57  }
0xd0: {  	v3 =	vor.u32 v3, v4  }
0xd1: {  	v4 =	vperm.xlane v3, v0;
	_ =	sdelay $0x1  }
0xd2: {  	v3 =	vperm.xlane v3, v2;
	v4 =	vadd.s32 v1, v4;
	_ =	sdelay $0x1  }
0xd3: {  	v3 =	vadd.s32 v1, v3;
	_ =	sdelay $0x2  }
0xd4: {  	[tilespmem:s5], [sflag:$0x2] =	stream.indirect_vreg.gather [hbm4b:s21+s1], $0x80, v4, vm0, $0xb8;
	[tilespmem:$0xA000] =	vst v63  }
0xd5: {  	_ = 	snop  }
0xd6: {  	[tilespmem:s6], [sflag:$0x2] =	stream.indirect_vreg.gather [hbm4b:s21+s1], $0x80, v3, vm0, $0xb8;
	[tilespmem:$0xA000] =	vst v63  }
0xd7: {  	v3 =	vld [tilespmem:$0xA0];
	_ =	sdelay $0x4  }
0xd8: {  	v58 =	vshll.u32 v3, $0x1  }
0xd9: {  	v3 =	vand.u32 $0x7, v3;
	v4 =	vand.u32 $0xFFFFFFF0, v58  }
0xda: {  	v3 =	vor.u32 v3, v4  }
0xdb: {  	v4 =	vperm.xlane v3, v0;
	_ =	sdelay $0x1  }
0xdc: {  	v3 =	vperm.xlane v3, v2;
	v4 =	vadd.s32 v1, v4;
	_ =	sdelay $0x1  }
0xdd: {  	v3 =	vadd.s32 v1, v3;
	_ =	sdelay $0x2  }
0xde: {  	[tilespmem:s7], [sflag:$0x2] =	stream.indirect_vreg.gather [hbm4b:s21+s1], $0x80, v4, vm0, $0xb8;
	[tilespmem:$0xA000] =	vst v63  }
0xdf: {  	_ = 	snop  }
0xe0: {  	[tilespmem:s8], [sflag:$0x2] =	stream.indirect_vreg.gather [hbm4b:s21+s1], $0x80, v3, vm0, $0xb8;
	[tilespmem:$0xA000] =	vst v63  }
0xe1: {  	v3 =	vld [tilespmem:$0xB0];
	_ =	sdelay $0x4  }
0xe2: {  	v59 =	vshll.u32 v3, $0x1  }
0xe3: {  	v3 =	vand.u32 $0x7, v3;
	v4 =	vand.u32 $0xFFFFFFF0, v59  }
0xe4: {  	v3 =	vor.u32 v3, v4  }
0xe5: {  	v4 =	vperm.xlane v3, v0;
	_ =	sdelay $0x1  }
0xe6: {  	v3 =	vperm.xlane v3, v2;
	v4 =	vadd.s32 v1, v4;
	_ =	sdelay $0x1  }
0xe7: {  	v3 =	vadd.s32 v1, v3;
	_ =	sdelay $0x2  }
0xe8: {  	[tilespmem:s9], [sflag:$0x2] =	stream.indirect_vreg.gather [hbm4b:s21+s1], $0x80, v4, vm0, $0xb8;
	[tilespmem:$0xA000] =	vst v63  }
0xe9: {  	_ = 	snop  }
0xea: {  	[tilespmem:s10], [sflag:$0x2] =	stream.indirect_vreg.gather [hbm4b:s21+s1], $0x80, v3, vm0, $0xb8;
	[tilespmem:$0xA000] =	vst v63  }
0xeb: {  	_ =	swait.ge [sflag:s12], $0x4000  }
0xec: {  	[sflag:s12] =	ssyncset.done $0x0  }
0xed: {  	s19 =	rddreg [dreg:$0xa];
	[sflag:s12] =	ssyncadd.s32 $0xFFFFC000  }
0xee: {  	[hbm4b:s19+s1] =	stream.linear.scatter [tilespmem:s13], [sflag:$0x3], $0x4000, $0x38;
	[tilespmem:$0xA000] =	vst v63  }
0xef: {  	_ =	swait.ge [sflag:s28], $0x4000  }
0xf0: {  	[sflag:s28] =	ssyncset.done $0x0  }
0xf1: {  	s18 =	rddreg [dreg:$0xb];
	[sflag:s28] =	ssyncadd.s32 $0xFFFFC000  }
0xf2: {  	[tilespmem:s1], [sflag:$0x3] =	stream.linear.gather [hbm4b:s18+s1], $0x80, $0x38;
	[tilespmem:$0xA000] =	vst v63  }
0xf3: {  	_ =	swait.ge [sflag:s28], $0x80  }
0xf4: {  	[sflag:s28] =	ssyncset.done $0x0  }
0xf5: {  	[sflag:s28] =	ssyncadd.s32 $0xFFFFFF80  }
0xf6: {  	v3 =	vld [tilespmem:$0x0];
	_ =	sdelay $0x4  }
0xf7: {  	v60 =	vshll.u32 v3, $0x1  }
0xf8: {  	v3 =	vand.u32 $0x7, v3;
	v4 =	vand.u32 $0xFFFFFFF0, v60  }
0xf9: {  	v3 =	vor.u32 v3, v4  }
0xfa: {  	v4 =	vperm.xlane v3, v0;
	_ =	sdelay $0x1  }
0xfb: {  	v3 =	vperm.xlane v3, v2;
	v4 =	vadd.s32 v1, v4;
	_ =	sdelay $0x1  }
0xfc: {  	v3 =	vadd.s32 v1, v3;
	_ =	sdelay $0x2  }
0xfd: {  	[tilespmem:s13], [sflag:$0x1] =	stream.indirect_vreg.gather [hbm4b:s21+s1], $0x80, v4, vm0, $0xb8;
	[tilespmem:$0xA000] =	vst v63  }
0xfe: {  	_ = 	snop  }
0xff: {  	[tilespmem:s29], [sflag:$0x1] =	stream.indirect_vreg.gather [hbm4b:s21+s1], $0x80, v3, vm0, $0xb8;
	[tilespmem:$0xA000] =	vst v63  }
0x100: {  	v3 =	vld [tilespmem:$0x10];
	_ =	sdelay $0x4  }
0x101: {  	v61 =	vshll.u32 v3, $0x1  }
0x102: {  	v3 =	vand.u32 $0x7, v3;
	v4 =	vand.u32 $0xFFFFFFF0, v61  }
0x103: {  	v3 =	vor.u32 v3, v4  }
0x104: {  	v4 =	vperm.xlane v3, v0;
	_ =	sdelay $0x1  }
0x105: {  	v3 =	vperm.xlane v3, v2;
	v4 =	vadd.s32 v1, v4;
	_ =	sdelay $0x1  }
0x106: {  	v3 =	vadd.s32 v1, v3;
	_ =	sdelay $0x2  }
0x107: {  	[tilespmem:s30], [sflag:$0x1] =	stream.indirect_vreg.gather [hbm4b:s21+s1], $0x80, v4, vm0, $0xb8;
	[tilespmem:$0xA000] =	vst v63  }
0x108: {  	_ = 	snop  }
0x109: {  	[tilespmem:s31], [sflag:$0x1] =	stream.indirect_vreg.gather [hbm4b:s21+s1], $0x80, v3, vm0, $0xb8;
	[tilespmem:$0xA000] =	vst v63  }
0x10a: {  	v3 =	vld [tilespmem:$0x20];
	_ =	sdelay $0x4  }
0x10b: {  	v62 =	vshll.u32 v3, $0x1  }
0x10c: {  	v3 =	vand.u32 $0x7, v3;
	v4 =	vand.u32 $0xFFFFFFF0, v62  }
0x10d: {  	v3 =	vor.u32 v3, v4  }
0x10e: {  	v4 =	vperm.xlane v3, v0;
	_ =	sdelay $0x1  }
0x10f: {  	v3 =	vperm.xlane v3, v2;
	v4 =	vadd.s32 v1, v4;
	_ =	sdelay $0x1  }
0x110: {  	v3 =	vadd.s32 v1, v3;
	_ =	sdelay $0x2  }
0x111: {  	[tilespmem:s17], [sflag:$0x1] =	stream.indirect_vreg.gather [hbm4b:s21+s1], $0x80, v4, vm0, $0xb8;
	[tilespmem:$0xA000] =	vst v63  }
0x112: {  	_ = 	snop  }
0x113: {  	[tilespmem:s0], [sflag:$0x1] =	stream.indirect_vreg.gather [hbm4b:s21+s1], $0x80, v3, vm0, $0xb8;
	[tilespmem:$0xA000] =	vst v63  }
0x114: {  	v3 =	vld [tilespmem:$0x30];
	_ =	sdelay $0x4  }
0x115: {  	v63 =	vshll.u32 v3, $0x1  }
0x116: {  	v3 =	vand.u32 $0x7, v3;
	v4 =	vand.u32 $0xFFFFFFF0, v63  }
0x117: {  	v3 =	vor.u32 v3, v4  }
0x118: {  	v4 =	vperm.xlane v3, v0;
	_ =	sdelay $0x1  }
0x119: {  	v3 =	vperm.xlane v3, v2;
	v4 =	vadd.s32 v1, v4;
	_ =	sdelay $0x1  }
0x11a: {  	v3 =	vadd.s32 v1, v3;
	_ =	sdelay $0x2  }
0x11b: {  	[tilespmem:s24], [sflag:$0x1] =	stream.indirect_vreg.gather [hbm4b:s21+s1], $0x80, v4, vm0, $0xb8;
	[tilespmem:$0xA000] =	vst v63  }
0x11c: {  	_ = 	snop  }
0x11d: {  	[tilespmem:s25], [sflag:$0x1] =	stream.indirect_vreg.gather [hbm4b:s21+s1], $0x80, v3, vm0, $0xb8;
	[tilespmem:$0xA000] =	vst v63  }
0x11e: {  	_ =	swait.ge [sflag:s11], $0x4000  }
0x11f: {  	[sflag:s11] =	ssyncset.done $0x0  }
.Ltmp0:
0x120: {  	s19 =	rddreg [dreg:$0x11];
	[sflag:s11] =	ssyncadd.s32 $0xFFFFC000;
	(pc) =	sbr.rel @p0 .LBB2_3-.Ltmp0, $4  }
0x121: {  	[hbm4b:s19+s1] =	stream.linear.scatter [tilespmem:s3], [sflag:$0x3], $0x4000, $0x38;
	[tilespmem:$0xA000] =	vst v63  }
0x122: {  	_ =	swait.ge [sflag:s28], $0x4000  }
0x123: {  	s16 =	smov.u32 s20;
	[sflag:s28] =	ssyncset.done $0x0  }
0x124: {  	s18 =	simm.s32 $0x1;
	s19 =	simm.s32 $0x2000;
	[sflag:s28] =	ssyncadd.s32 $0xFFFFC000  }
0x125: {  	s16 =	rddreg [dreg:$0x15]  }
0x126: {  	[tilespmem:s2], [sflag:$0x3] =	stream.linear.gather [hbm4b:s16+s1], $0x80, $0x38;
	[tilespmem:$0xA000] =	vst v63  }
0x127: {  	_ =	swait.ge [sflag:s28], $0x80  }
0x128: {  	[sflag:s28] =	ssyncset.done $0x0  }
0x129: {  	[sflag:s28] =	ssyncadd.s32 $0xFFFFFF80  }
0x12a: {  	v3 =	vld [tilespmem:$0x80];
	_ =	sdelay $0x4  }
0x12b: {  	v4 =	vshll.u32 v3, $0x1  }
0x12c: {  	v3 =	vand.u32 $0x7, v3;
	v4 =	vand.u32 $0xFFFFFFF0, v4  }
0x12d: {  	v3 =	vor.u32 v3, v4  }
0x12e: {  	v4 =	vperm.xlane v3, v0;
	_ =	sdelay $0x1  }
0x12f: {  	v3 =	vperm.xlane v3, v2;
	v4 =	vadd.s32 v1, v4;
	_ =	sdelay $0x1  }
0x130: {  	v3 =	vadd.s32 v1, v3;
	_ =	sdelay $0x1  }
0x131: {  	s19 =	simm.s32 $0x6000  }
0x132: {  	[tilespmem:s19], [sflag:$0x2] =	stream.indirect_vreg.gather [hbm4b:s21+s1], $0x80, v4, vm0, $0xb8;
	[tilespmem:$0xA000] =	vst v63  }
0x133: {  	_ = 	snop  }
0x134: {  	[tilespmem:s4], [sflag:$0x2] =	stream.indirect_vreg.gather [hbm4b:s21+s1], $0x80, v3, vm0, $0xb8;
	[tilespmem:$0xA000] =	vst v63  }
0x135: {  	v3 =	vld [tilespmem:$0x90];
	_ =	sdelay $0x4  }
0x136: {  	v61 =	vshll.u32 v3, $0x1  }
0x137: {  	v3 =	vand.u32 $0x7, v3;
	v4 =	vand.u32 $0xFFFFFFF0, v61  }
0x138: {  	v3 =	vor.u32 v3, v4  }
0x139: {  	v4 =	vperm.xlane v3, v0;
	_ =	sdelay $0x1  }
0x13a: {  	v3 =	vperm.xlane v3, v2;
	v4 =	vadd.s32 v1, v4;
	_ =	sdelay $0x1  }
0x13b: {  	v3 =	vadd.s32 v1, v3;
	_ =	sdelay $0x2  }
0x13c: {  	[tilespmem:s5], [sflag:$0x2] =	stream.indirect_vreg.gather [hbm4b:s21+s1], $0x80, v4, vm0, $0xb8;
	[tilespmem:$0xA000] =	vst v63  }
0x13d: {  	_ = 	snop  }
0x13e: {  	[tilespmem:s6], [sflag:$0x2] =	stream.indirect_vreg.gather [hbm4b:s21+s1], $0x80, v3, vm0, $0xb8;
	[tilespmem:$0xA000] =	vst v63  }
0x13f: {  	v3 =	vld [tilespmem:$0xA0];
	_ =	sdelay $0x4  }
0x140: {  	v62 =	vshll.u32 v3, $0x1  }
0x141: {  	v3 =	vand.u32 $0x7, v3;
	v4 =	vand.u32 $0xFFFFFFF0, v62  }
0x142: {  	v3 =	vor.u32 v3, v4  }
0x143: {  	v4 =	vperm.xlane v3, v0;
	_ =	sdelay $0x1  }
0x144: {  	v3 =	vperm.xlane v3, v2;
	v4 =	vadd.s32 v1, v4;
	_ =	sdelay $0x1  }
0x145: {  	v3 =	vadd.s32 v1, v3;
	_ =	sdelay $0x2  }
0x146: {  	[tilespmem:s7], [sflag:$0x2] =	stream.indirect_vreg.gather [hbm4b:s21+s1], $0x80, v4, vm0, $0xb8;
	[tilespmem:$0xA000] =	vst v63  }
0x147: {  	_ = 	snop  }
0x148: {  	[tilespmem:s8], [sflag:$0x2] =	stream.indirect_vreg.gather [hbm4b:s21+s1], $0x80, v3, vm0, $0xb8;
	[tilespmem:$0xA000] =	vst v63  }
0x149: {  	v3 =	vld [tilespmem:$0xB0];
	_ =	sdelay $0x4  }
0x14a: {  	v63 =	vshll.u32 v3, $0x1  }
0x14b: {  	v3 =	vand.u32 $0x7, v3;
	v4 =	vand.u32 $0xFFFFFFF0, v63  }
0x14c: {  	v3 =	vor.u32 v3, v4  }
0x14d: {  	v4 =	vperm.xlane v3, v0;
	_ =	sdelay $0x1  }
0x14e: {  	v3 =	vperm.xlane v3, v2;
	v4 =	vadd.s32 v1, v4;
	_ =	sdelay $0x1  }
0x14f: {  	v3 =	vadd.s32 v1, v3;
	_ =	sdelay $0x2  }
0x150: {  	[tilespmem:s9], [sflag:$0x2] =	stream.indirect_vreg.gather [hbm4b:s21+s1], $0x80, v4, vm0, $0xb8;
	[tilespmem:$0xA000] =	vst v63  }
0x151: {  	_ = 	snop  }
0x152: {  	[tilespmem:s10], [sflag:$0x2] =	stream.indirect_vreg.gather [hbm4b:s21+s1], $0x80, v3, vm0, $0xb8;
	[tilespmem:$0xA000] =	vst v63  }
0x153: {  	_ =	swait.ge [sflag:s12], $0x4000  }
0x154: {  	[sflag:s12] =	ssyncset.done $0x0  }
0x155: {  	[sflag:s12] =	ssyncadd.s32 $0xFFFFC000  }
0x156: {  	[hbm4b:s20+s1] =	stream.linear.scatter [tilespmem:s13], [sflag:$0x3], $0x4000, $0x38;
	[tilespmem:$0xA000] =	vst v63  }
0x157: {  	_ =	swait.ge [sflag:s28], $0x4000  }
0x158: {  	[sflag:s28] =	ssyncset.done $0x0  }
0x159: {  	s18 =	simm.s32 $0x2;
	s16 =	rddreg [dreg:$0x16];
	[sflag:s28] =	ssyncadd.s32 $0xFFFFC000  }
.LBB2_3:
0x15a: {  	_ =	swait.ge [sflag:s18], $0x4000  }
0x15b: {  	[sflag:s18] =	ssyncset.done $0x0  }
0x15c: {  	[sflag:s18] =	ssyncadd.s32 $0xFFFFC000;
	s18 =	simm.s32 $0x0  }
0x15d: {  	[hbm4b:s16+s18] =	stream.linear.scatter [tilespmem:s19], [sflag:$0x3], $0x4000, $0x38;
	[tilespmem:$0xA000] =	vst v63  }
0x15e: {  	_ =	swait.ge [sflag:s28], $0x4000  }
0x15f: {  	[sflag:s28] =	ssyncset.done $0x0  }
0x160: {  	s19 =	rddreg [dreg:$0xc];
	[sflag:s28] =	ssyncadd.s32 $0xFFFFC000  }
0x161: {  	[tilespmem:s18], [sflag:$0x3] =	stream.linear.gather [hbm4b:s19+s18], $0xC80, $0x38;
	[tilespmem:$0xA000] =	vst v63  }
0x162: {  	_ =	swait.ge [sflag:s28], $0xC80  }
0x163: {  	[sflag:s28] =	ssyncset.done $0x0  }
0x164: {  	[sflag:s28] =	ssyncadd.s32 $0xFFFFF380  }
0x165: {  	v3 =	vld [tilespmem:$0x0];
	_ =	sdelay $0x4  }
0x166: {  	v4 =	vshll.u32 v3, $0x1  }
0x167: {  	v3 =	vand.u32 $0x7, v3;
	v4 =	vand.u32 $0xFFFFFFF0, v4  }
0x168: {  	v3 =	vor.u32 v3, v4  }
0x169: {  	v4 =	vperm.xlane v3, v0;
	_ =	sdelay $0x1  }
0x16a: {  	v3 =	vperm.xlane v3, v2;
	v4 =	vadd.s32 v1, v4;
	_ =	sdelay $0x1  }
0x16b: {  	v3 =	vadd.s32 v1, v3;
	_ =	sdelay $0x2  }
0x16c: {  	[tilespmem:s13], [sflag:$0x1] =	stream.indirect_vreg.gather [hbm4b:s21+s18], $0x80, v4, vm0, $0xb8;
	[tilespmem:$0xA000] =	vst v63  }
0x16d: {  	_ = 	snop  }
0x16e: {  	[tilespmem:s29], [sflag:$0x1] =	stream.indirect_vreg.gather [hbm4b:s21+s18], $0x80, v3, vm0, $0xb8;
	[tilespmem:$0xA000] =	vst v63  }
0x16f: {  	v3 =	vld [tilespmem:$0x10];
	_ =	sdelay $0x4  }
0x170: {  	v61 =	vshll.u32 v3, $0x1  }
0x171: {  	v3 =	vand.u32 $0x7, v3;
	v4 =	vand.u32 $0xFFFFFFF0, v61  }
0x172: {  	v3 =	vor.u32 v3, v4  }
0x173: {  	v4 =	vperm.xlane v3, v0;
	_ =	sdelay $0x1  }
0x174: {  	v3 =	vperm.xlane v3, v2;
	v4 =	vadd.s32 v1, v4;
	_ =	sdelay $0x1  }
0x175: {  	v3 =	vadd.s32 v1, v3;
	_ =	sdelay $0x2  }
0x176: {  	[tilespmem:s30], [sflag:$0x1] =	stream.indirect_vreg.gather [hbm4b:s21+s18], $0x80, v4, vm0, $0xb8;
	[tilespmem:$0xA000] =	vst v63  }
0x177: {  	_ = 	snop  }
0x178: {  	[tilespmem:s31], [sflag:$0x1] =	stream.indirect_vreg.gather [hbm4b:s21+s18], $0x80, v3, vm0, $0xb8;
	[tilespmem:$0xA000] =	vst v63  }
0x179: {  	v3 =	vld [tilespmem:$0x20];
	_ =	sdelay $0x4  }
0x17a: {  	v62 =	vshll.u32 v3, $0x1  }
0x17b: {  	v3 =	vand.u32 $0x7, v3;
	v4 =	vand.u32 $0xFFFFFFF0, v62  }
0x17c: {  	v3 =	vor.u32 v3, v4  }
0x17d: {  	v4 =	vperm.xlane v3, v0;
	_ =	sdelay $0x1  }
0x17e: {  	v3 =	vperm.xlane v3, v2;
	v4 =	vadd.s32 v1, v4;
	_ =	sdelay $0x1  }
0x17f: {  	v3 =	vadd.s32 v1, v3;
	_ =	sdelay $0x2  }
0x180: {  	[tilespmem:s17], [sflag:$0x1] =	stream.indirect_vreg.gather [hbm4b:s21+s18], $0x80, v4, vm0, $0xb8;
	[tilespmem:$0xA000] =	vst v63  }
0x181: {  	_ = 	snop  }
0x182: {  	[tilespmem:s0], [sflag:$0x1] =	stream.indirect_vreg.gather [hbm4b:s21+s18], $0x80, v3, vm0, $0xb8;
	[tilespmem:$0xA000] =	vst v63  }
0x183: {  	v3 =	vld [tilespmem:$0x30];
	_ =	sdelay $0x4  }
0x184: {  	v63 =	vshll.u32 v3, $0x1  }
0x185: {  	v3 =	vand.u32 $0x7, v3;
	v4 =	vand.u32 $0xFFFFFFF0, v63  }
0x186: {  	v3 =	vor.u32 v3, v4  }
0x187: {  	v4 =	vperm.xlane v3, v0;
	_ =	sdelay $0x1  }
0x188: {  	v3 =	vperm.xlane v3, v2;
	v4 =	vadd.s32 v1, v4;
	_ =	sdelay $0x1  }
0x189: {  	v3 =	vadd.s32 v1, v3;
	_ =	sdelay $0x2  }
0x18a: {  	[tilespmem:s24], [sflag:$0x1] =	stream.indirect_vreg.gather [hbm4b:s21+s18], $0x80, v4, vm0, $0xb8;
	[tilespmem:$0xA000] =	vst v63  }
0x18b: {  	_ = 	snop  }
0x18c: {  	[tilespmem:s25], [sflag:$0x1] =	stream.indirect_vreg.gather [hbm4b:s21+s18], $0x80, v3, vm0, $0xb8;
	[tilespmem:$0xA000] =	vst v63  }
0x18d: {  	_ =	swait.ge [sflag:s12], $0x4000  }
0x18e: {  	[sflag:s12] =	ssyncset.done $0x0  }
0x18f: {  	[sflag:s12] =	ssyncadd.s32 $0xFFFFC000  }
.LBB2_4:
0x190: {  	s16 =	sshra.s32 s18, $0x2  }
0x191: {  	v3 =	vld [tilespmem:s16+$0x80];
	_ =	sdelay $0x4  }
0x192: {  	v4 =	vshll.u32 v3, $0x1  }
0x193: {  	v3 =	vand.u32 $0x7, v3;
	v4 =	vand.u32 $0xFFFFFFF0, v4  }
0x194: {  	v3 =	vor.u32 v3, v4  }
0x195: {  	v4 =	vperm.xlane v3, v0;
	_ =	sdelay $0x1  }
0x196: {  	v3 =	vperm.xlane v3, v2;
	v4 =	vadd.s32 v1, v4;
	_ =	sdelay $0x1  }
0x197: {  	v3 =	vadd.s32 v1, v3;
	_ =	sdelay $0x2  }
0x198: {  	[tilespmem:s13], [sflag:$0x1] =	stream.indirect_vreg.gather [hbm4b:s21+s1], $0x80, v4, vm0, $0xb8;
	[tilespmem:$0xA000] =	vst v63  }
0x199: {  	_ = 	snop  }
0x19a: {  	[tilespmem:s29], [sflag:$0x1] =	stream.indirect_vreg.gather [hbm4b:s21+s1], $0x80, v3, vm0, $0xb8;
	[tilespmem:$0xA000] =	vst v63  }
0x19b: {  	v3 =	vld [tilespmem:s16+$0x90];
	_ =	sdelay $0x4  }
0x19c: {  	v61 =	vshll.u32 v3, $0x1  }
0x19d: {  	v3 =	vand.u32 $0x7, v3;
	v4 =	vand.u32 $0xFFFFFFF0, v61  }
0x19e: {  	v3 =	vor.u32 v3, v4  }
0x19f: {  	v4 =	vperm.xlane v3, v0;
	_ =	sdelay $0x1  }
0x1a0: {  	v3 =	vperm.xlane v3, v2;
	v4 =	vadd.s32 v1, v4;
	_ =	sdelay $0x1  }
0x1a1: {  	v3 =	vadd.s32 v1, v3;
	_ =	sdelay $0x2  }
0x1a2: {  	[tilespmem:s30], [sflag:$0x1] =	stream.indirect_vreg.gather [hbm4b:s21+s1], $0x80, v4, vm0, $0xb8;
	[tilespmem:$0xA000] =	vst v63  }
0x1a3: {  	_ = 	snop  }
0x1a4: {  	[tilespmem:s31], [sflag:$0x1] =	stream.indirect_vreg.gather [hbm4b:s21+s1], $0x80, v3, vm0, $0xb8;
	[tilespmem:$0xA000] =	vst v63  }
0x1a5: {  	v3 =	vld [tilespmem:s16+$0xA0];
	_ =	sdelay $0x4  }
0x1a6: {  	v62 =	vshll.u32 v3, $0x1  }
0x1a7: {  	v3 =	vand.u32 $0x7, v3;
	v4 =	vand.u32 $0xFFFFFFF0, v62  }
0x1a8: {  	v3 =	vor.u32 v3, v4  }
0x1a9: {  	v4 =	vperm.xlane v3, v0;
	_ =	sdelay $0x1  }
0x1aa: {  	v3 =	vperm.xlane v3, v2;
	v4 =	vadd.s32 v1, v4;
	_ =	sdelay $0x1  }
0x1ab: {  	v3 =	vadd.s32 v1, v3;
	_ =	sdelay $0x2  }
0x1ac: {  	[tilespmem:s17], [sflag:$0x1] =	stream.indirect_vreg.gather [hbm4b:s21+s1], $0x80, v4, vm0, $0xb8;
	[tilespmem:$0xA000] =	vst v63  }
0x1ad: {  	_ = 	snop  }
0x1ae: {  	[tilespmem:s0], [sflag:$0x1] =	stream.indirect_vreg.gather [hbm4b:s21+s1], $0x80, v3, vm0, $0xb8;
	[tilespmem:$0xA000] =	vst v63  }
0x1af: {  	v3 =	vld [tilespmem:s16+$0xB0];
	_ =	sdelay $0x4  }
0x1b0: {  	v63 =	vshll.u32 v3, $0x1  }
0x1b1: {  	v3 =	vand.u32 $0x7, v3;
	v4 =	vand.u32 $0xFFFFFFF0, v63  }
0x1b2: {  	v3 =	vor.u32 v3, v4  }
0x1b3: {  	v4 =	vperm.xlane v3, v0;
	_ =	sdelay $0x1  }
0x1b4: {  	v3 =	vperm.xlane v3, v2;
	v4 =	vadd.s32 v1, v4;
	_ =	sdelay $0x1  }
0x1b5: {  	p1 =	sne.s32 s18, $0x2E00;
	v3 =	vadd.s32 v1, v3  }
.Ltmp1:
0x1b6: {  	_ = 	snop;
	(pc) =	sbr.rel @p1 .LBB2_4-.Ltmp1, $4  }
0x1b7: {  	_ = 	snop  }
0x1b8: {  	[tilespmem:s24], [sflag:$0x1] =	stream.indirect_vreg.gather [hbm4b:s21+s1], $0x80, v4, vm0, $0xb8;
	[tilespmem:$0xA000] =	vst v63  }
0x1b9: {  	s18 =	sadd.s32 $0x200, s18  }
0x1ba: {  	[tilespmem:s25], [sflag:$0x1] =	stream.indirect_vreg.gather [hbm4b:s21+s1], $0x80, v3, vm0, $0xb8;
	[tilespmem:$0xA000] =	vst v63  }
0x1bb: {  	s18 =	simm.s32 $0x0;
	s16 =	rddreg [dreg:$0xd]  }
0x1bc: {  	[tilespmem:s14], [sflag:$0x3] =	stream.linear.gather [hbm4b:s16+s18], $0xC80, $0x38;
	[tilespmem:$0xA000] =	vst v63  }
0x1bd: {  	_ =	swait.ge [sflag:s28], $0xC80  }
0x1be: {  	[sflag:s28] =	ssyncset.done $0x0  }
0x1bf: {  	[sflag:s28] =	ssyncadd.s32 $0xFFFFF380  }
0x1c0: {  	v3 =	vld [tilespmem:$0x1000];
	_ =	sdelay $0x4  }
0x1c1: {  	v4 =	vshll.u32 v3, $0x1  }
0x1c2: {  	v3 =	vand.u32 $0x7, v3;
	v4 =	vand.u32 $0xFFFFFFF0, v4  }
0x1c3: {  	v3 =	vor.u32 v3, v4  }
0x1c4: {  	v4 =	vperm.xlane v3, v0;
	_ =	sdelay $0x1  }
0x1c5: {  	v3 =	vperm.xlane v3, v2;
	v4 =	vadd.s32 v1, v4;
	_ =	sdelay $0x1  }
0x1c6: {  	v3 =	vadd.s32 v1, v3;
	_ =	sdelay $0x2  }
0x1c7: {  	[tilespmem:s3], [sflag:$0x2] =	stream.indirect_vreg.gather [hbm4b:s21+s18], $0x80, v4, vm0, $0xb8;
	[tilespmem:$0xA000] =	vst v63  }
0x1c8: {  	_ = 	snop  }
0x1c9: {  	[tilespmem:s4], [sflag:$0x2] =	stream.indirect_vreg.gather [hbm4b:s21+s18], $0x80, v3, vm0, $0xb8;
	[tilespmem:$0xA000] =	vst v63  }
0x1ca: {  	v3 =	vld [tilespmem:$0x1010];
	_ =	sdelay $0x4  }
0x1cb: {  	v61 =	vshll.u32 v3, $0x1  }
0x1cc: {  	v3 =	vand.u32 $0x7, v3;
	v4 =	vand.u32 $0xFFFFFFF0, v61  }
0x1cd: {  	v3 =	vor.u32 v3, v4  }
0x1ce: {  	v4 =	vperm.xlane v3, v0;
	_ =	sdelay $0x1  }
0x1cf: {  	v3 =	vperm.xlane v3, v2;
	v4 =	vadd.s32 v1, v4;
	_ =	sdelay $0x1  }
0x1d0: {  	v3 =	vadd.s32 v1, v3;
	_ =	sdelay $0x2  }
0x1d1: {  	[tilespmem:s5], [sflag:$0x2] =	stream.indirect_vreg.gather [hbm4b:s21+s18], $0x80, v4, vm0, $0xb8;
	[tilespmem:$0xA000] =	vst v63  }
0x1d2: {  	_ = 	snop  }
0x1d3: {  	[tilespmem:s6], [sflag:$0x2] =	stream.indirect_vreg.gather [hbm4b:s21+s18], $0x80, v3, vm0, $0xb8;
	[tilespmem:$0xA000] =	vst v63  }
0x1d4: {  	v3 =	vld [tilespmem:$0x1020];
	_ =	sdelay $0x4  }
0x1d5: {  	v62 =	vshll.u32 v3, $0x1  }
0x1d6: {  	v3 =	vand.u32 $0x7, v3;
	v4 =	vand.u32 $0xFFFFFFF0, v62  }
0x1d7: {  	v3 =	vor.u32 v3, v4  }
0x1d8: {  	v4 =	vperm.xlane v3, v0;
	_ =	sdelay $0x1  }
0x1d9: {  	v3 =	vperm.xlane v3, v2;
	v4 =	vadd.s32 v1, v4;
	_ =	sdelay $0x1  }
0x1da: {  	v3 =	vadd.s32 v1, v3;
	_ =	sdelay $0x2  }
0x1db: {  	[tilespmem:s7], [sflag:$0x2] =	stream.indirect_vreg.gather [hbm4b:s21+s18], $0x80, v4, vm0, $0xb8;
	[tilespmem:$0xA000] =	vst v63  }
0x1dc: {  	_ = 	snop  }
0x1dd: {  	[tilespmem:s8], [sflag:$0x2] =	stream.indirect_vreg.gather [hbm4b:s21+s18], $0x80, v3, vm0, $0xb8;
	[tilespmem:$0xA000] =	vst v63  }
0x1de: {  	v3 =	vld [tilespmem:$0x1030];
	_ =	sdelay $0x4  }
0x1df: {  	v63 =	vshll.u32 v3, $0x1  }
0x1e0: {  	v3 =	vand.u32 $0x7, v3;
	v4 =	vand.u32 $0xFFFFFFF0, v63  }
0x1e1: {  	v3 =	vor.u32 v3, v4  }
0x1e2: {  	v4 =	vperm.xlane v3, v0;
	_ =	sdelay $0x1  }
0x1e3: {  	v3 =	vperm.xlane v3, v2;
	v4 =	vadd.s32 v1, v4;
	_ =	sdelay $0x1  }
0x1e4: {  	v3 =	vadd.s32 v1, v3;
	_ =	sdelay $0x2  }
0x1e5: {  	[tilespmem:s9], [sflag:$0x2] =	stream.indirect_vreg.gather [hbm4b:s21+s18], $0x80, v4, vm0, $0xb8;
	[tilespmem:$0xA000] =	vst v63  }
0x1e6: {  	_ = 	snop  }
0x1e7: {  	[tilespmem:s10], [sflag:$0x2] =	stream.indirect_vreg.gather [hbm4b:s21+s18], $0x80, v3, vm0, $0xb8;
	[tilespmem:$0xA000] =	vst v63  }
0x1e8: {  	_ =	swait.ge [sflag:s12], $0x4000  }
0x1e9: {  	[sflag:s12] =	ssyncset.done $0x0  }
0x1ea: {  	[sflag:s12] =	ssyncadd.s32 $0xFFFFC000  }
0x1eb: {  	_ =	swait.ge [sflag:s12], $0x4000  }
0x1ec: {  	[sflag:s12] =	ssyncset.done $0x0  }
0x1ed: {  	[sflag:s12] =	ssyncadd.s32 $0xFFFFC000  }
0x1ee: {  	_ =	swait.ge [sflag:s12], $0x4000  }
0x1ef: {  	[sflag:s12] =	ssyncset.done $0x0  }
0x1f0: {  	[sflag:s12] =	ssyncadd.s32 $0xFFFFC000  }
0x1f1: {  	_ =	swait.ge [sflag:s12], $0x4000  }
0x1f2: {  	[sflag:s12] =	ssyncset.done $0x0  }
0x1f3: {  	[sflag:s12] =	ssyncadd.s32 $0xFFFFC000  }
0x1f4: {  	_ =	swait.ge [sflag:s12], $0x4000  }
0x1f5: {  	[sflag:s12] =	ssyncset.done $0x0  }
0x1f6: {  	[sflag:s12] =	ssyncadd.s32 $0xFFFFC000  }
0x1f7: {  	_ =	swait.ge [sflag:s12], $0x4000  }
0x1f8: {  	[sflag:s12] =	ssyncset.done $0x0  }
0x1f9: {  	[sflag:s12] =	ssyncadd.s32 $0xFFFFC000  }
0x1fa: {  	_ =	swait.ge [sflag:s12], $0x4000  }
0x1fb: {  	[sflag:s12] =	ssyncset.done $0x0  }
0x1fc: {  	[sflag:s12] =	ssyncadd.s32 $0xFFFFC000  }
0x1fd: {  	_ =	swait.ge [sflag:s12], $0x4000  }
0x1fe: {  	[sflag:s12] =	ssyncset.done $0x0  }
0x1ff: {  	[sflag:s12] =	ssyncadd.s32 $0xFFFFC000  }
0x200: {  	_ =	swait.ge [sflag:s12], $0x4000  }
0x201: {  	[sflag:s12] =	ssyncset.done $0x0  }
0x202: {  	[sflag:s12] =	ssyncadd.s32 $0xFFFFC000  }
0x203: {  	_ =	swait.ge [sflag:s12], $0x4000  }
0x204: {  	[sflag:s12] =	ssyncset.done $0x0  }
0x205: {  	[sflag:s12] =	ssyncadd.s32 $0xFFFFC000  }
0x206: {  	_ =	swait.ge [sflag:s12], $0x4000  }
0x207: {  	[sflag:s12] =	ssyncset.done $0x0  }
0x208: {  	[sflag:s12] =	ssyncadd.s32 $0xFFFFC000  }
0x209: {  	_ =	swait.ge [sflag:s12], $0x4000  }
0x20a: {  	[sflag:s12] =	ssyncset.done $0x0  }
0x20b: {  	[sflag:s12] =	ssyncadd.s32 $0xFFFFC000  }
0x20c: {  	_ =	swait.ge [sflag:s12], $0x4000  }
0x20d: {  	[sflag:s12] =	ssyncset.done $0x0  }
0x20e: {  	[sflag:s12] =	ssyncadd.s32 $0xFFFFC000  }
0x20f: {  	_ =	swait.ge [sflag:s12], $0x4000  }
0x210: {  	[sflag:s12] =	ssyncset.done $0x0  }
0x211: {  	[sflag:s12] =	ssyncadd.s32 $0xFFFFC000  }
0x212: {  	_ =	swait.ge [sflag:s12], $0x4000  }
0x213: {  	[sflag:s12] =	ssyncset.done $0x0  }
0x214: {  	[sflag:s12] =	ssyncadd.s32 $0xFFFFC000  }
0x215: {  	_ =	swait.ge [sflag:s12], $0x4000  }
0x216: {  	[sflag:s12] =	ssyncset.done $0x0  }
0x217: {  	[sflag:s12] =	ssyncadd.s32 $0xFFFFC000  }
0x218: {  	_ =	swait.ge [sflag:s12], $0x4000  }
0x219: {  	[sflag:s12] =	ssyncset.done $0x0  }
0x21a: {  	[sflag:s12] =	ssyncadd.s32 $0xFFFFC000  }
0x21b: {  	_ =	swait.ge [sflag:s12], $0x4000  }
0x21c: {  	[sflag:s12] =	ssyncset.done $0x0  }
0x21d: {  	[sflag:s12] =	ssyncadd.s32 $0xFFFFC000  }
0x21e: {  	_ =	swait.ge [sflag:s12], $0x4000  }
0x21f: {  	[sflag:s12] =	ssyncset.done $0x0  }
0x220: {  	[sflag:s12] =	ssyncadd.s32 $0xFFFFC000  }
0x221: {  	_ =	swait.ge [sflag:s12], $0x4000  }
0x222: {  	[sflag:s12] =	ssyncset.done $0x0  }
0x223: {  	[sflag:s12] =	ssyncadd.s32 $0xFFFFC000  }
0x224: {  	_ =	swait.ge [sflag:s12], $0x4000  }
0x225: {  	[sflag:s12] =	ssyncset.done $0x0  }
0x226: {  	[sflag:s12] =	ssyncadd.s32 $0xFFFFC000  }
0x227: {  	_ =	swait.ge [sflag:s12], $0x4000  }
0x228: {  	[sflag:s12] =	ssyncset.done $0x0  }
0x229: {  	[sflag:s12] =	ssyncadd.s32 $0xFFFFC000  }
0x22a: {  	_ =	swait.ge [sflag:s12], $0x4000  }
0x22b: {  	[sflag:s12] =	ssyncset.done $0x0  }
0x22c: {  	[sflag:s12] =	ssyncadd.s32 $0xFFFFC000  }
0x22d: {  	_ =	swait.ge [sflag:s12], $0x4000  }
0x22e: {  	[sflag:s12] =	ssyncset.done $0x0  }
0x22f: {  	s19 =	rddreg [dreg:$0x12];
	[sflag:s12] =	ssyncadd.s32 $0xFFFFC000  }
0x230: {  	[hbm4b:s19+s18] =	stream.linear.scatter [tilespmem:s13], [sflag:$0x3], $0x4000, $0x38;
	[tilespmem:$0xA000] =	vst v63  }
0x231: {  	_ =	swait.ge [sflag:s28], $0x4000  }
0x232: {  	[sflag:s28] =	ssyncset.done $0x0  }
0x233: {  	[sflag:s28] =	ssyncadd.s32 $0xFFFFC000  }
0x234: {  	_ =	swait.ge [sflag:s11], $0x4000  }
0x235: {  	[sflag:s11] =	ssyncset.done $0x0  }
0x236: {  	[sflag:s11] =	ssyncadd.s32 $0xFFFFC000  }
.LBB2_6:
0x237: {  	s16 =	sshra.s32 s18, $0x2  }
0x238: {  	v3 =	vld [tilespmem:s16+$0x1080];
	_ =	sdelay $0x4  }
0x239: {  	v4 =	vshll.u32 v3, $0x1  }
0x23a: {  	v3 =	vand.u32 $0x7, v3;
	v4 =	vand.u32 $0xFFFFFFF0, v4  }
0x23b: {  	v3 =	vor.u32 v3, v4  }
0x23c: {  	v4 =	vperm.xlane v3, v0;
	_ =	sdelay $0x1  }
0x23d: {  	v3 =	vperm.xlane v3, v2;
	v4 =	vadd.s32 v1, v4;
	_ =	sdelay $0x1  }
0x23e: {  	v3 =	vadd.s32 v1, v3;
	_ =	sdelay $0x2  }
0x23f: {  	[tilespmem:s3], [sflag:$0x2] =	stream.indirect_vreg.gather [hbm4b:s21+s1], $0x80, v4, vm0, $0xb8;
	[tilespmem:$0xA000] =	vst v63  }
0x240: {  	_ = 	snop  }
0x241: {  	[tilespmem:s4], [sflag:$0x2] =	stream.indirect_vreg.gather [hbm4b:s21+s1], $0x80, v3, vm0, $0xb8;
	[tilespmem:$0xA000] =	vst v63  }
0x242: {  	v3 =	vld [tilespmem:s16+$0x1090];
	_ =	sdelay $0x4  }
0x243: {  	v61 =	vshll.u32 v3, $0x1  }
0x244: {  	v3 =	vand.u32 $0x7, v3;
	v4 =	vand.u32 $0xFFFFFFF0, v61  }
0x245: {  	v3 =	vor.u32 v3, v4  }
0x246: {  	v4 =	vperm.xlane v3, v0;
	_ =	sdelay $0x1  }
0x247: {  	v3 =	vperm.xlane v3, v2;
	v4 =	vadd.s32 v1, v4;
	_ =	sdelay $0x1  }
0x248: {  	v3 =	vadd.s32 v1, v3;
	_ =	sdelay $0x2  }
0x249: {  	[tilespmem:s5], [sflag:$0x2] =	stream.indirect_vreg.gather [hbm4b:s21+s1], $0x80, v4, vm0, $0xb8;
	[tilespmem:$0xA000] =	vst v63  }
0x24a: {  	_ = 	snop  }
0x24b: {  	[tilespmem:s6], [sflag:$0x2] =	stream.indirect_vreg.gather [hbm4b:s21+s1], $0x80, v3, vm0, $0xb8;
	[tilespmem:$0xA000] =	vst v63  }
0x24c: {  	v3 =	vld [tilespmem:s16+$0x10A0];
	_ =	sdelay $0x4  }
0x24d: {  	v62 =	vshll.u32 v3, $0x1  }
0x24e: {  	v3 =	vand.u32 $0x7, v3;
	v4 =	vand.u32 $0xFFFFFFF0, v62  }
0x24f: {  	v3 =	vor.u32 v3, v4  }
0x250: {  	v4 =	vperm.xlane v3, v0;
	_ =	sdelay $0x1  }
0x251: {  	v3 =	vperm.xlane v3, v2;
	v4 =	vadd.s32 v1, v4;
	_ =	sdelay $0x1  }
0x252: {  	v3 =	vadd.s32 v1, v3;
	_ =	sdelay $0x2  }
0x253: {  	[tilespmem:s7], [sflag:$0x2] =	stream.indirect_vreg.gather [hbm4b:s21+s1], $0x80, v4, vm0, $0xb8;
	[tilespmem:$0xA000] =	vst v63  }
0x254: {  	_ = 	snop  }
0x255: {  	[tilespmem:s8], [sflag:$0x2] =	stream.indirect_vreg.gather [hbm4b:s21+s1], $0x80, v3, vm0, $0xb8;
	[tilespmem:$0xA000] =	vst v63  }
0x256: {  	v3 =	vld [tilespmem:s16+$0x10B0];
	_ =	sdelay $0x4  }
0x257: {  	v63 =	vshll.u32 v3, $0x1  }
0x258: {  	v3 =	vand.u32 $0x7, v3;
	v4 =	vand.u32 $0xFFFFFFF0, v63  }
0x259: {  	v3 =	vor.u32 v3, v4  }
0x25a: {  	v4 =	vperm.xlane v3, v0;
	_ =	sdelay $0x1  }
0x25b: {  	v3 =	vperm.xlane v3, v2;
	v4 =	vadd.s32 v1, v4;
	_ =	sdelay $0x1  }
0x25c: {  	p1 =	sne.s32 s18, $0x2E00;
	v3 =	vadd.s32 v1, v3  }
.Ltmp2:
0x25d: {  	_ = 	snop;
	(pc) =	sbr.rel @p1 .LBB2_6-.Ltmp2, $4  }
0x25e: {  	_ = 	snop  }
0x25f: {  	[tilespmem:s9], [sflag:$0x2] =	stream.indirect_vreg.gather [hbm4b:s21+s1], $0x80, v4, vm0, $0xb8;
	[tilespmem:$0xA000] =	vst v63  }
0x260: {  	s18 =	sadd.s32 $0x200, s18  }
0x261: {  	[tilespmem:s10], [sflag:$0x2] =	stream.indirect_vreg.gather [hbm4b:s21+s1], $0x80, v3, vm0, $0xb8;
	[tilespmem:$0xA000] =	vst v63  }
0x262: {  	s18 =	simm.s32 $0x0;
	s16 =	rddreg [dreg:$0xe]  }
0x263: {  	[tilespmem:s18], [sflag:$0x3] =	stream.linear.gather [hbm4b:s16+s18], $0xC80, $0x38;
	[tilespmem:$0xA000] =	vst v63  }
0x264: {  	_ =	swait.ge [sflag:s28], $0xC80  }
0x265: {  	[sflag:s28] =	ssyncset.done $0x0  }
0x266: {  	[sflag:s28] =	ssyncadd.s32 $0xFFFFF380  }
0x267: {  	v3 =	vld [tilespmem:$0x0];
	_ =	sdelay $0x4  }
0x268: {  	v4 =	vshll.u32 v3, $0x1  }
0x269: {  	v3 =	vand.u32 $0x7, v3;
	v4 =	vand.u32 $0xFFFFFFF0, v4  }
0x26a: {  	v3 =	vor.u32 v3, v4  }
0x26b: {  	v4 =	vperm.xlane v3, v0;
	_ =	sdelay $0x1  }
0x26c: {  	v3 =	vperm.xlane v3, v2;
	v4 =	vadd.s32 v1, v4;
	_ =	sdelay $0x1  }
0x26d: {  	v3 =	vadd.s32 v1, v3;
	_ =	sdelay $0x2  }
0x26e: {  	[tilespmem:s13], [sflag:$0x1] =	stream.indirect_vreg.gather [hbm4b:s21+s18], $0x80, v4, vm0, $0xb8;
	[tilespmem:$0xA000] =	vst v63  }
0x26f: {  	_ = 	snop  }
0x270: {  	[tilespmem:s29], [sflag:$0x1] =	stream.indirect_vreg.gather [hbm4b:s21+s18], $0x80, v3, vm0, $0xb8;
	[tilespmem:$0xA000] =	vst v63  }
0x271: {  	v3 =	vld [tilespmem:$0x10];
	_ =	sdelay $0x4  }
0x272: {  	v61 =	vshll.u32 v3, $0x1  }
0x273: {  	v3 =	vand.u32 $0x7, v3;
	v4 =	vand.u32 $0xFFFFFFF0, v61  }
0x274: {  	v3 =	vor.u32 v3, v4  }
0x275: {  	v4 =	vperm.xlane v3, v0;
	_ =	sdelay $0x1  }
0x276: {  	v3 =	vperm.xlane v3, v2;
	v4 =	vadd.s32 v1, v4;
	_ =	sdelay $0x1  }
0x277: {  	v3 =	vadd.s32 v1, v3;
	_ =	sdelay $0x2  }
0x278: {  	[tilespmem:s30], [sflag:$0x1] =	stream.indirect_vreg.gather [hbm4b:s21+s18], $0x80, v4, vm0, $0xb8;
	[tilespmem:$0xA000] =	vst v63  }
0x279: {  	_ = 	snop  }
0x27a: {  	[tilespmem:s31], [sflag:$0x1] =	stream.indirect_vreg.gather [hbm4b:s21+s18], $0x80, v3, vm0, $0xb8;
	[tilespmem:$0xA000] =	vst v63  }
0x27b: {  	v3 =	vld [tilespmem:$0x20];
	_ =	sdelay $0x4  }
0x27c: {  	v62 =	vshll.u32 v3, $0x1  }
0x27d: {  	v3 =	vand.u32 $0x7, v3;
	v4 =	vand.u32 $0xFFFFFFF0, v62  }
0x27e: {  	v3 =	vor.u32 v3, v4  }
0x27f: {  	v4 =	vperm.xlane v3, v0;
	_ =	sdelay $0x1  }
0x280: {  	v3 =	vperm.xlane v3, v2;
	v4 =	vadd.s32 v1, v4;
	_ =	sdelay $0x1  }
0x281: {  	v3 =	vadd.s32 v1, v3;
	_ =	sdelay $0x2  }
0x282: {  	[tilespmem:s17], [sflag:$0x1] =	stream.indirect_vreg.gather [hbm4b:s21+s18], $0x80, v4, vm0, $0xb8;
	[tilespmem:$0xA000] =	vst v63  }
0x283: {  	_ = 	snop  }
0x284: {  	[tilespmem:s0], [sflag:$0x1] =	stream.indirect_vreg.gather [hbm4b:s21+s18], $0x80, v3, vm0, $0xb8;
	[tilespmem:$0xA000] =	vst v63  }
0x285: {  	v3 =	vld [tilespmem:$0x30];
	_ =	sdelay $0x4  }
0x286: {  	v63 =	vshll.u32 v3, $0x1  }
0x287: {  	v3 =	vand.u32 $0x7, v3;
	v4 =	vand.u32 $0xFFFFFFF0, v63  }
0x288: {  	v3 =	vor.u32 v3, v4  }
0x289: {  	v4 =	vperm.xlane v3, v0;
	_ =	sdelay $0x1  }
0x28a: {  	v3 =	vperm.xlane v3, v2;
	v4 =	vadd.s32 v1, v4;
	_ =	sdelay $0x1  }
0x28b: {  	v3 =	vadd.s32 v1, v3;
	_ =	sdelay $0x2  }
0x28c: {  	[tilespmem:s24], [sflag:$0x1] =	stream.indirect_vreg.gather [hbm4b:s21+s18], $0x80, v4, vm0, $0xb8;
	[tilespmem:$0xA000] =	vst v63  }
0x28d: {  	_ = 	snop  }
0x28e: {  	[tilespmem:s25], [sflag:$0x1] =	stream.indirect_vreg.gather [hbm4b:s21+s18], $0x80, v3, vm0, $0xb8;
	[tilespmem:$0xA000] =	vst v63  }
0x28f: {  	_ =	swait.ge [sflag:s11], $0x4000  }
0x290: {  	[sflag:s11] =	ssyncset.done $0x0  }
0x291: {  	[sflag:s11] =	ssyncadd.s32 $0xFFFFC000  }
0x292: {  	_ =	swait.ge [sflag:s11], $0x4000  }
0x293: {  	[sflag:s11] =	ssyncset.done $0x0  }
0x294: {  	[sflag:s11] =	ssyncadd.s32 $0xFFFFC000  }
0x295: {  	_ =	swait.ge [sflag:s11], $0x4000  }
0x296: {  	[sflag:s11] =	ssyncset.done $0x0  }
0x297: {  	[sflag:s11] =	ssyncadd.s32 $0xFFFFC000  }
0x298: {  	_ =	swait.ge [sflag:s11], $0x4000  }
0x299: {  	[sflag:s11] =	ssyncset.done $0x0  }
0x29a: {  	[sflag:s11] =	ssyncadd.s32 $0xFFFFC000  }
0x29b: {  	_ =	swait.ge [sflag:s11], $0x4000  }
0x29c: {  	[sflag:s11] =	ssyncset.done $0x0  }
0x29d: {  	[sflag:s11] =	ssyncadd.s32 $0xFFFFC000  }
0x29e: {  	_ =	swait.ge [sflag:s11], $0x4000  }
0x29f: {  	[sflag:s11] =	ssyncset.done $0x0  }
0x2a0: {  	[sflag:s11] =	ssyncadd.s32 $0xFFFFC000  }
0x2a1: {  	_ =	swait.ge [sflag:s11], $0x4000  }
0x2a2: {  	[sflag:s11] =	ssyncset.done $0x0  }
0x2a3: {  	[sflag:s11] =	ssyncadd.s32 $0xFFFFC000  }
0x2a4: {  	_ =	swait.ge [sflag:s11], $0x4000  }
0x2a5: {  	[sflag:s11] =	ssyncset.done $0x0  }
0x2a6: {  	[sflag:s11] =	ssyncadd.s32 $0xFFFFC000  }
0x2a7: {  	_ =	swait.ge [sflag:s11], $0x4000  }
0x2a8: {  	[sflag:s11] =	ssyncset.done $0x0  }
0x2a9: {  	[sflag:s11] =	ssyncadd.s32 $0xFFFFC000  }
0x2aa: {  	_ =	swait.ge [sflag:s11], $0x4000  }
0x2ab: {  	[sflag:s11] =	ssyncset.done $0x0  }
0x2ac: {  	[sflag:s11] =	ssyncadd.s32 $0xFFFFC000  }
0x2ad: {  	_ =	swait.ge [sflag:s11], $0x4000  }
0x2ae: {  	[sflag:s11] =	ssyncset.done $0x0  }
0x2af: {  	[sflag:s11] =	ssyncadd.s32 $0xFFFFC000  }
0x2b0: {  	_ =	swait.ge [sflag:s11], $0x4000  }
0x2b1: {  	[sflag:s11] =	ssyncset.done $0x0  }
0x2b2: {  	[sflag:s11] =	ssyncadd.s32 $0xFFFFC000  }
0x2b3: {  	_ =	swait.ge [sflag:s11], $0x4000  }
0x2b4: {  	[sflag:s11] =	ssyncset.done $0x0  }
0x2b5: {  	[sflag:s11] =	ssyncadd.s32 $0xFFFFC000  }
0x2b6: {  	_ =	swait.ge [sflag:s11], $0x4000  }
0x2b7: {  	[sflag:s11] =	ssyncset.done $0x0  }
0x2b8: {  	[sflag:s11] =	ssyncadd.s32 $0xFFFFC000  }
0x2b9: {  	_ =	swait.ge [sflag:s11], $0x4000  }
0x2ba: {  	[sflag:s11] =	ssyncset.done $0x0  }
0x2bb: {  	[sflag:s11] =	ssyncadd.s32 $0xFFFFC000  }
0x2bc: {  	_ =	swait.ge [sflag:s11], $0x4000  }
0x2bd: {  	[sflag:s11] =	ssyncset.done $0x0  }
0x2be: {  	[sflag:s11] =	ssyncadd.s32 $0xFFFFC000  }
0x2bf: {  	_ =	swait.ge [sflag:s11], $0x4000  }
0x2c0: {  	[sflag:s11] =	ssyncset.done $0x0  }
0x2c1: {  	[sflag:s11] =	ssyncadd.s32 $0xFFFFC000  }
0x2c2: {  	_ =	swait.ge [sflag:s11], $0x4000  }
0x2c3: {  	[sflag:s11] =	ssyncset.done $0x0  }
0x2c4: {  	[sflag:s11] =	ssyncadd.s32 $0xFFFFC000  }
0x2c5: {  	_ =	swait.ge [sflag:s11], $0x4000  }
0x2c6: {  	[sflag:s11] =	ssyncset.done $0x0  }
0x2c7: {  	[sflag:s11] =	ssyncadd.s32 $0xFFFFC000  }
0x2c8: {  	_ =	swait.ge [sflag:s11], $0x4000  }
0x2c9: {  	[sflag:s11] =	ssyncset.done $0x0  }
0x2ca: {  	[sflag:s11] =	ssyncadd.s32 $0xFFFFC000  }
0x2cb: {  	_ =	swait.ge [sflag:s11], $0x4000  }
0x2cc: {  	[sflag:s11] =	ssyncset.done $0x0  }
0x2cd: {  	[sflag:s11] =	ssyncadd.s32 $0xFFFFC000  }
0x2ce: {  	_ =	swait.ge [sflag:s11], $0x4000  }
0x2cf: {  	[sflag:s11] =	ssyncset.done $0x0  }
0x2d0: {  	[sflag:s11] =	ssyncadd.s32 $0xFFFFC000  }
0x2d1: {  	_ =	swait.ge [sflag:s11], $0x4000  }
0x2d2: {  	[sflag:s11] =	ssyncset.done $0x0  }
0x2d3: {  	[sflag:s11] =	ssyncadd.s32 $0xFFFFC000  }
0x2d4: {  	_ =	swait.ge [sflag:s11], $0x4000  }
0x2d5: {  	[sflag:s11] =	ssyncset.done $0x0  }
0x2d6: {  	s19 =	rddreg [dreg:$0x13];
	[sflag:s11] =	ssyncadd.s32 $0xFFFFC000  }
0x2d7: {  	[hbm4b:s19+s18] =	stream.linear.scatter [tilespmem:s3], [sflag:$0x3], $0x4000, $0x38;
	[tilespmem:$0xA000] =	vst v63  }
0x2d8: {  	_ =	swait.ge [sflag:s28], $0x4000  }
0x2d9: {  	[sflag:s28] =	ssyncset.done $0x0  }
0x2da: {  	[sflag:s28] =	ssyncadd.s32 $0xFFFFC000  }
0x2db: {  	_ =	swait.ge [sflag:s12], $0x4000  }
0x2dc: {  	[sflag:s12] =	ssyncset.done $0x0  }
0x2dd: {  	[sflag:s12] =	ssyncadd.s32 $0xFFFFC000  }
.LBB2_8:
0x2de: {  	s16 =	sshra.s32 s18, $0x2  }
0x2df: {  	v3 =	vld [tilespmem:s16+$0x80];
	_ =	sdelay $0x4  }
0x2e0: {  	v4 =	vshll.u32 v3, $0x1  }
0x2e1: {  	v3 =	vand.u32 $0x7, v3;
	v4 =	vand.u32 $0xFFFFFFF0, v4  }
0x2e2: {  	v3 =	vor.u32 v3, v4  }
0x2e3: {  	v4 =	vperm.xlane v3, v0;
	_ =	sdelay $0x1  }
0x2e4: {  	v3 =	vperm.xlane v3, v2;
	v4 =	vadd.s32 v1, v4;
	_ =	sdelay $0x1  }
0x2e5: {  	v3 =	vadd.s32 v1, v3;
	_ =	sdelay $0x2  }
0x2e6: {  	[tilespmem:s13], [sflag:$0x1] =	stream.indirect_vreg.gather [hbm4b:s21+s1], $0x80, v4, vm0, $0xb8;
	[tilespmem:$0xA000] =	vst v63  }
0x2e7: {  	_ = 	snop  }
0x2e8: {  	[tilespmem:s29], [sflag:$0x1] =	stream.indirect_vreg.gather [hbm4b:s21+s1], $0x80, v3, vm0, $0xb8;
	[tilespmem:$0xA000] =	vst v63  }
0x2e9: {  	v3 =	vld [tilespmem:s16+$0x90];
	_ =	sdelay $0x4  }
0x2ea: {  	v61 =	vshll.u32 v3, $0x1  }
0x2eb: {  	v3 =	vand.u32 $0x7, v3;
	v4 =	vand.u32 $0xFFFFFFF0, v61  }
0x2ec: {  	v3 =	vor.u32 v3, v4  }
0x2ed: {  	v4 =	vperm.xlane v3, v0;
	_ =	sdelay $0x1  }
0x2ee: {  	v3 =	vperm.xlane v3, v2;
	v4 =	vadd.s32 v1, v4;
	_ =	sdelay $0x1  }
0x2ef: {  	v3 =	vadd.s32 v1, v3;
	_ =	sdelay $0x2  }
0x2f0: {  	[tilespmem:s30], [sflag:$0x1] =	stream.indirect_vreg.gather [hbm4b:s21+s1], $0x80, v4, vm0, $0xb8;
	[tilespmem:$0xA000] =	vst v63  }
0x2f1: {  	_ = 	snop  }
0x2f2: {  	[tilespmem:s31], [sflag:$0x1] =	stream.indirect_vreg.gather [hbm4b:s21+s1], $0x80, v3, vm0, $0xb8;
	[tilespmem:$0xA000] =	vst v63  }
0x2f3: {  	v3 =	vld [tilespmem:s16+$0xA0];
	_ =	sdelay $0x4  }
0x2f4: {  	v62 =	vshll.u32 v3, $0x1  }
0x2f5: {  	v3 =	vand.u32 $0x7, v3;
	v4 =	vand.u32 $0xFFFFFFF0, v62  }
0x2f6: {  	v3 =	vor.u32 v3, v4  }
0x2f7: {  	v4 =	vperm.xlane v3, v0;
	_ =	sdelay $0x1  }
0x2f8: {  	v3 =	vperm.xlane v3, v2;
	v4 =	vadd.s32 v1, v4;
	_ =	sdelay $0x1  }
0x2f9: {  	v3 =	vadd.s32 v1, v3;
	_ =	sdelay $0x2  }
0x2fa: {  	[tilespmem:s17], [sflag:$0x1] =	stream.indirect_vreg.gather [hbm4b:s21+s1], $0x80, v4, vm0, $0xb8;
	[tilespmem:$0xA000] =	vst v63  }
0x2fb: {  	_ = 	snop  }
0x2fc: {  	[tilespmem:s0], [sflag:$0x1] =	stream.indirect_vreg.gather [hbm4b:s21+s1], $0x80, v3, vm0, $0xb8;
	[tilespmem:$0xA000] =	vst v63  }
0x2fd: {  	v3 =	vld [tilespmem:s16+$0xB0];
	_ =	sdelay $0x4  }
0x2fe: {  	v63 =	vshll.u32 v3, $0x1  }
0x2ff: {  	v3 =	vand.u32 $0x7, v3;
	v4 =	vand.u32 $0xFFFFFFF0, v63  }
0x300: {  	v3 =	vor.u32 v3, v4  }
0x301: {  	v4 =	vperm.xlane v3, v0;
	_ =	sdelay $0x1  }
0x302: {  	v3 =	vperm.xlane v3, v2;
	v4 =	vadd.s32 v1, v4;
	_ =	sdelay $0x1  }
0x303: {  	p1 =	sne.s32 s18, $0x2E00;
	v3 =	vadd.s32 v1, v3  }
.Ltmp3:
0x304: {  	_ = 	snop;
	(pc) =	sbr.rel @p1 .LBB2_8-.Ltmp3, $4  }
0x305: {  	_ = 	snop  }
0x306: {  	[tilespmem:s24], [sflag:$0x1] =	stream.indirect_vreg.gather [hbm4b:s21+s1], $0x80, v4, vm0, $0xb8;
	[tilespmem:$0xA000] =	vst v63  }
0x307: {  	s18 =	sadd.s32 $0x200, s18  }
0x308: {  	[tilespmem:s25], [sflag:$0x1] =	stream.indirect_vreg.gather [hbm4b:s21+s1], $0x80, v3, vm0, $0xb8;
	[tilespmem:$0xA000] =	vst v63  }
0x309: {  	s18 =	simm.s32 $0x0;
	s16 =	rddreg [dreg:$0xf]  }
0x30a: {  	[tilespmem:s14], [sflag:$0x3] =	stream.linear.gather [hbm4b:s16+s18], $0xC80, $0x38;
	[tilespmem:$0xA000] =	vst v63  }
0x30b: {  	_ =	swait.ge [sflag:s28], $0xC80  }
0x30c: {  	[sflag:s28] =	ssyncset.done $0x0  }
0x30d: {  	[sflag:s28] =	ssyncadd.s32 $0xFFFFF380  }
0x30e: {  	v3 =	vld [tilespmem:$0x1000];
	_ =	sdelay $0x4  }
0x30f: {  	v4 =	vshll.u32 v3, $0x1  }
0x310: {  	v3 =	vand.u32 $0x7, v3;
	v4 =	vand.u32 $0xFFFFFFF0, v4  }
0x311: {  	v3 =	vor.u32 v3, v4  }
0x312: {  	v4 =	vperm.xlane v3, v0;
	_ =	sdelay $0x1  }
0x313: {  	v3 =	vperm.xlane v3, v2;
	v4 =	vadd.s32 v1, v4;
	_ =	sdelay $0x1  }
0x314: {  	v3 =	vadd.s32 v1, v3;
	_ =	sdelay $0x2  }
0x315: {  	[tilespmem:s3], [sflag:$0x2] =	stream.indirect_vreg.gather [hbm4b:s21+s18], $0x80, v4, vm0, $0xb8;
	[tilespmem:$0xA000] =	vst v63  }
0x316: {  	_ = 	snop  }
0x317: {  	[tilespmem:s4], [sflag:$0x2] =	stream.indirect_vreg.gather [hbm4b:s21+s18], $0x80, v3, vm0, $0xb8;
	[tilespmem:$0xA000] =	vst v63  }
0x318: {  	v3 =	vld [tilespmem:$0x1010];
	_ =	sdelay $0x4  }
0x319: {  	v61 =	vshll.u32 v3, $0x1  }
0x31a: {  	v3 =	vand.u32 $0x7, v3;
	v4 =	vand.u32 $0xFFFFFFF0, v61  }
0x31b: {  	v3 =	vor.u32 v3, v4  }
0x31c: {  	v4 =	vperm.xlane v3, v0;
	_ =	sdelay $0x1  }
0x31d: {  	v3 =	vperm.xlane v3, v2;
	v4 =	vadd.s32 v1, v4;
	_ =	sdelay $0x1  }
0x31e: {  	v3 =	vadd.s32 v1, v3;
	_ =	sdelay $0x2  }
0x31f: {  	[tilespmem:s5], [sflag:$0x2] =	stream.indirect_vreg.gather [hbm4b:s21+s18], $0x80, v4, vm0, $0xb8;
	[tilespmem:$0xA000] =	vst v63  }
0x320: {  	_ = 	snop  }
0x321: {  	[tilespmem:s6], [sflag:$0x2] =	stream.indirect_vreg.gather [hbm4b:s21+s18], $0x80, v3, vm0, $0xb8;
	[tilespmem:$0xA000] =	vst v63  }
0x322: {  	v3 =	vld [tilespmem:$0x1020];
	_ =	sdelay $0x4  }
0x323: {  	v62 =	vshll.u32 v3, $0x1  }
0x324: {  	v3 =	vand.u32 $0x7, v3;
	v4 =	vand.u32 $0xFFFFFFF0, v62  }
0x325: {  	v3 =	vor.u32 v3, v4  }
0x326: {  	v4 =	vperm.xlane v3, v0;
	_ =	sdelay $0x1  }
0x327: {  	v3 =	vperm.xlane v3, v2;
	v4 =	vadd.s32 v1, v4;
	_ =	sdelay $0x1  }
0x328: {  	v3 =	vadd.s32 v1, v3;
	_ =	sdelay $0x2  }
0x329: {  	[tilespmem:s7], [sflag:$0x2] =	stream.indirect_vreg.gather [hbm4b:s21+s18], $0x80, v4, vm0, $0xb8;
	[tilespmem:$0xA000] =	vst v63  }
0x32a: {  	_ = 	snop  }
0x32b: {  	[tilespmem:s8], [sflag:$0x2] =	stream.indirect_vreg.gather [hbm4b:s21+s18], $0x80, v3, vm0, $0xb8;
	[tilespmem:$0xA000] =	vst v63  }
0x32c: {  	v3 =	vld [tilespmem:$0x1030];
	_ =	sdelay $0x4  }
0x32d: {  	v63 =	vshll.u32 v3, $0x1  }
0x32e: {  	v3 =	vand.u32 $0x7, v3;
	v4 =	vand.u32 $0xFFFFFFF0, v63  }
0x32f: {  	v3 =	vor.u32 v3, v4  }
0x330: {  	v4 =	vperm.xlane v3, v0;
	_ =	sdelay $0x1  }
0x331: {  	v3 =	vperm.xlane v3, v2;
	v4 =	vadd.s32 v1, v4;
	_ =	sdelay $0x1  }
0x332: {  	v3 =	vadd.s32 v1, v3;
	_ =	sdelay $0x2  }
0x333: {  	[tilespmem:s9], [sflag:$0x2] =	stream.indirect_vreg.gather [hbm4b:s21+s18], $0x80, v4, vm0, $0xb8;
	[tilespmem:$0xA000] =	vst v63  }
0x334: {  	_ = 	snop  }
0x335: {  	[tilespmem:s10], [sflag:$0x2] =	stream.indirect_vreg.gather [hbm4b:s21+s18], $0x80, v3, vm0, $0xb8;
	[tilespmem:$0xA000] =	vst v63  }
0x336: {  	_ =	swait.ge [sflag:s12], $0x4000  }
0x337: {  	[sflag:s12] =	ssyncset.done $0x0  }
0x338: {  	[sflag:s12] =	ssyncadd.s32 $0xFFFFC000  }
0x339: {  	_ =	swait.ge [sflag:s12], $0x4000  }
0x33a: {  	[sflag:s12] =	ssyncset.done $0x0  }
0x33b: {  	[sflag:s12] =	ssyncadd.s32 $0xFFFFC000  }
0x33c: {  	_ =	swait.ge [sflag:s12], $0x4000  }
0x33d: {  	[sflag:s12] =	ssyncset.done $0x0  }
0x33e: {  	[sflag:s12] =	ssyncadd.s32 $0xFFFFC000  }
0x33f: {  	_ =	swait.ge [sflag:s12], $0x4000  }
0x340: {  	[sflag:s12] =	ssyncset.done $0x0  }
0x341: {  	[sflag:s12] =	ssyncadd.s32 $0xFFFFC000  }
0x342: {  	_ =	swait.ge [sflag:s12], $0x4000  }
0x343: {  	[sflag:s12] =	ssyncset.done $0x0  }
0x344: {  	[sflag:s12] =	ssyncadd.s32 $0xFFFFC000  }
0x345: {  	_ =	swait.ge [sflag:s12], $0x4000  }
0x346: {  	[sflag:s12] =	ssyncset.done $0x0  }
0x347: {  	[sflag:s12] =	ssyncadd.s32 $0xFFFFC000  }
0x348: {  	_ =	swait.ge [sflag:s12], $0x4000  }
0x349: {  	[sflag:s12] =	ssyncset.done $0x0  }
0x34a: {  	[sflag:s12] =	ssyncadd.s32 $0xFFFFC000  }
0x34b: {  	_ =	swait.ge [sflag:s12], $0x4000  }
0x34c: {  	[sflag:s12] =	ssyncset.done $0x0  }
0x34d: {  	[sflag:s12] =	ssyncadd.s32 $0xFFFFC000  }
0x34e: {  	_ =	swait.ge [sflag:s12], $0x4000  }
0x34f: {  	[sflag:s12] =	ssyncset.done $0x0  }
0x350: {  	[sflag:s12] =	ssyncadd.s32 $0xFFFFC000  }
0x351: {  	_ =	swait.ge [sflag:s12], $0x4000  }
0x352: {  	[sflag:s12] =	ssyncset.done $0x0  }
0x353: {  	[sflag:s12] =	ssyncadd.s32 $0xFFFFC000  }
0x354: {  	_ =	swait.ge [sflag:s12], $0x4000  }
0x355: {  	[sflag:s12] =	ssyncset.done $0x0  }
0x356: {  	[sflag:s12] =	ssyncadd.s32 $0xFFFFC000  }
0x357: {  	_ =	swait.ge [sflag:s12], $0x4000  }
0x358: {  	[sflag:s12] =	ssyncset.done $0x0  }
0x359: {  	[sflag:s12] =	ssyncadd.s32 $0xFFFFC000  }
0x35a: {  	_ =	swait.ge [sflag:s12], $0x4000  }
0x35b: {  	[sflag:s12] =	ssyncset.done $0x0  }
0x35c: {  	[sflag:s12] =	ssyncadd.s32 $0xFFFFC000  }
0x35d: {  	_ =	swait.ge [sflag:s12], $0x4000  }
0x35e: {  	[sflag:s12] =	ssyncset.done $0x0  }
0x35f: {  	[sflag:s12] =	ssyncadd.s32 $0xFFFFC000  }
0x360: {  	_ =	swait.ge [sflag:s12], $0x4000  }
0x361: {  	[sflag:s12] =	ssyncset.done $0x0  }
0x362: {  	[sflag:s12] =	ssyncadd.s32 $0xFFFFC000  }
0x363: {  	_ =	swait.ge [sflag:s12], $0x4000  }
0x364: {  	[sflag:s12] =	ssyncset.done $0x0  }
0x365: {  	[sflag:s12] =	ssyncadd.s32 $0xFFFFC000  }
0x366: {  	_ =	swait.ge [sflag:s12], $0x4000  }
0x367: {  	[sflag:s12] =	ssyncset.done $0x0  }
0x368: {  	[sflag:s12] =	ssyncadd.s32 $0xFFFFC000  }
0x369: {  	_ =	swait.ge [sflag:s12], $0x4000  }
0x36a: {  	[sflag:s12] =	ssyncset.done $0x0  }
0x36b: {  	[sflag:s12] =	ssyncadd.s32 $0xFFFFC000  }
0x36c: {  	_ =	swait.ge [sflag:s12], $0x4000  }
0x36d: {  	[sflag:s12] =	ssyncset.done $0x0  }
0x36e: {  	[sflag:s12] =	ssyncadd.s32 $0xFFFFC000  }
0x36f: {  	_ =	swait.ge [sflag:s12], $0x4000  }
0x370: {  	[sflag:s12] =	ssyncset.done $0x0  }
0x371: {  	[sflag:s12] =	ssyncadd.s32 $0xFFFFC000  }
0x372: {  	_ =	swait.ge [sflag:s12], $0x4000  }
0x373: {  	[sflag:s12] =	ssyncset.done $0x0  }
0x374: {  	[sflag:s12] =	ssyncadd.s32 $0xFFFFC000  }
0x375: {  	_ =	swait.ge [sflag:s12], $0x4000  }
0x376: {  	[sflag:s12] =	ssyncset.done $0x0  }
0x377: {  	[sflag:s12] =	ssyncadd.s32 $0xFFFFC000  }
0x378: {  	_ =	swait.ge [sflag:s12], $0x4000  }
0x379: {  	[sflag:s12] =	ssyncset.done $0x0  }
0x37a: {  	[sflag:s12] =	ssyncadd.s32 $0xFFFFC000  }
0x37b: {  	_ =	swait.ge [sflag:s12], $0x4000  }
0x37c: {  	[sflag:s12] =	ssyncset.done $0x0  }
0x37d: {  	s19 =	rddreg [dreg:$0x14];
	[sflag:s12] =	ssyncadd.s32 $0xFFFFC000  }
0x37e: {  	[hbm4b:s19+s18] =	stream.linear.scatter [tilespmem:s13], [sflag:$0x3], $0x4000, $0x38;
	[tilespmem:$0xA000] =	vst v63  }
0x37f: {  	_ =	swait.ge [sflag:s28], $0x4000  }
0x380: {  	[sflag:s28] =	ssyncset.done $0x0  }
0x381: {  	[sflag:s28] =	ssyncadd.s32 $0xFFFFC000  }
0x382: {  	_ =	swait.ge [sflag:s11], $0x4000  }
0x383: {  	[sflag:s11] =	ssyncset.done $0x0  }
0x384: {  	[sflag:s11] =	ssyncadd.s32 $0xFFFFC000  }
.LBB2_10:
0x385: {  	s16 =	sshra.s32 s18, $0x2  }
0x386: {  	v3 =	vld [tilespmem:s16+$0x1080];
	_ =	sdelay $0x4  }
0x387: {  	v4 =	vshll.u32 v3, $0x1  }
0x388: {  	v3 =	vand.u32 $0x7, v3;
	v4 =	vand.u32 $0xFFFFFFF0, v4  }
0x389: {  	v3 =	vor.u32 v3, v4  }
0x38a: {  	v4 =	vperm.xlane v3, v0;
	_ =	sdelay $0x1  }
0x38b: {  	v3 =	vperm.xlane v3, v2;
	v4 =	vadd.s32 v1, v4;
	_ =	sdelay $0x1  }
0x38c: {  	v3 =	vadd.s32 v1, v3;
	_ =	sdelay $0x2  }
0x38d: {  	[tilespmem:s3], [sflag:$0x2] =	stream.indirect_vreg.gather [hbm4b:s21+s1], $0x80, v4, vm0, $0xb8;
	[tilespmem:$0xA000] =	vst v63  }
0x38e: {  	_ = 	snop  }
0x38f: {  	[tilespmem:s4], [sflag:$0x2] =	stream.indirect_vreg.gather [hbm4b:s21+s1], $0x80, v3, vm0, $0xb8;
	[tilespmem:$0xA000] =	vst v63  }
0x390: {  	v3 =	vld [tilespmem:s16+$0x1090];
	_ =	sdelay $0x4  }
0x391: {  	v61 =	vshll.u32 v3, $0x1  }
0x392: {  	v3 =	vand.u32 $0x7, v3;
	v4 =	vand.u32 $0xFFFFFFF0, v61  }
0x393: {  	v3 =	vor.u32 v3, v4  }
0x394: {  	v4 =	vperm.xlane v3, v0;
	_ =	sdelay $0x1  }
0x395: {  	v3 =	vperm.xlane v3, v2;
	v4 =	vadd.s32 v1, v4;
	_ =	sdelay $0x1  }
0x396: {  	v3 =	vadd.s32 v1, v3;
	_ =	sdelay $0x2  }
0x397: {  	[tilespmem:s5], [sflag:$0x2] =	stream.indirect_vreg.gather [hbm4b:s21+s1], $0x80, v4, vm0, $0xb8;
	[tilespmem:$0xA000] =	vst v63  }
0x398: {  	_ = 	snop  }
0x399: {  	[tilespmem:s6], [sflag:$0x2] =	stream.indirect_vreg.gather [hbm4b:s21+s1], $0x80, v3, vm0, $0xb8;
	[tilespmem:$0xA000] =	vst v63  }
0x39a: {  	v3 =	vld [tilespmem:s16+$0x10A0];
	_ =	sdelay $0x4  }
0x39b: {  	v62 =	vshll.u32 v3, $0x1  }
0x39c: {  	v3 =	vand.u32 $0x7, v3;
	v4 =	vand.u32 $0xFFFFFFF0, v62  }
0x39d: {  	v3 =	vor.u32 v3, v4  }
0x39e: {  	v4 =	vperm.xlane v3, v0;
	_ =	sdelay $0x1  }
0x39f: {  	v3 =	vperm.xlane v3, v2;
	v4 =	vadd.s32 v1, v4;
	_ =	sdelay $0x1  }
0x3a0: {  	v3 =	vadd.s32 v1, v3;
	_ =	sdelay $0x2  }
0x3a1: {  	[tilespmem:s7], [sflag:$0x2] =	stream.indirect_vreg.gather [hbm4b:s21+s1], $0x80, v4, vm0, $0xb8;
	[tilespmem:$0xA000] =	vst v63  }
0x3a2: {  	_ = 	snop  }
0x3a3: {  	[tilespmem:s8], [sflag:$0x2] =	stream.indirect_vreg.gather [hbm4b:s21+s1], $0x80, v3, vm0, $0xb8;
	[tilespmem:$0xA000] =	vst v63  }
0x3a4: {  	v3 =	vld [tilespmem:s16+$0x10B0];
	_ =	sdelay $0x4  }
0x3a5: {  	v63 =	vshll.u32 v3, $0x1  }
0x3a6: {  	v3 =	vand.u32 $0x7, v3;
	v4 =	vand.u32 $0xFFFFFFF0, v63  }
0x3a7: {  	v3 =	vor.u32 v3, v4  }
0x3a8: {  	v4 =	vperm.xlane v3, v0;
	_ =	sdelay $0x1  }
0x3a9: {  	v3 =	vperm.xlane v3, v2;
	v4 =	vadd.s32 v1, v4;
	_ =	sdelay $0x1  }
0x3aa: {  	p1 =	sne.s32 s18, $0x2E00;
	v3 =	vadd.s32 v1, v3  }
.Ltmp4:
0x3ab: {  	_ = 	snop;
	(pc) =	sbr.rel @p1 .LBB2_10-.Ltmp4, $4  }
0x3ac: {  	_ = 	snop  }
0x3ad: {  	[tilespmem:s9], [sflag:$0x2] =	stream.indirect_vreg.gather [hbm4b:s21+s1], $0x80, v4, vm0, $0xb8;
	[tilespmem:$0xA000] =	vst v63  }
0x3ae: {  	s18 =	sadd.s32 $0x200, s18  }
0x3af: {  	[tilespmem:s10], [sflag:$0x2] =	stream.indirect_vreg.gather [hbm4b:s21+s1], $0x80, v3, vm0, $0xb8;
	[tilespmem:$0xA000] =	vst v63  }
0x3b0: {  	s18 =	simm.s32 $0x0;
	s16 =	rddreg [dreg:$0x10]  }
0x3b1: {  	[tilespmem:s18], [sflag:$0x3] =	stream.linear.gather [hbm4b:s16+s18], $0xC80, $0x38;
	[tilespmem:$0xA000] =	vst v63  }
0x3b2: {  	_ =	swait.ge [sflag:s28], $0xC80  }
0x3b3: {  	[sflag:s28] =	ssyncset.done $0x0  }
0x3b4: {  	[sflag:s28] =	ssyncadd.s32 $0xFFFFF380  }
0x3b5: {  	v3 =	vld [tilespmem:$0x0];
	_ =	sdelay $0x4  }
0x3b6: {  	v4 =	vshll.u32 v3, $0x1  }
0x3b7: {  	v3 =	vand.u32 $0x7, v3;
	v4 =	vand.u32 $0xFFFFFFF0, v4  }
0x3b8: {  	v3 =	vor.u32 v3, v4  }
0x3b9: {  	v4 =	vperm.xlane v3, v0;
	_ =	sdelay $0x1  }
0x3ba: {  	v3 =	vperm.xlane v3, v2;
	v4 =	vadd.s32 v1, v4;
	_ =	sdelay $0x1  }
0x3bb: {  	v3 =	vadd.s32 v1, v3;
	_ =	sdelay $0x2  }
0x3bc: {  	[tilespmem:s13], [sflag:$0x1] =	stream.indirect_vreg.gather [hbm4b:s21+s18], $0x80, v4, vm0, $0xb8;
	[tilespmem:$0xA000] =	vst v63  }
0x3bd: {  	_ = 	snop  }
0x3be: {  	[tilespmem:s29], [sflag:$0x1] =	stream.indirect_vreg.gather [hbm4b:s21+s18], $0x80, v3, vm0, $0xb8;
	[tilespmem:$0xA000] =	vst v63  }
0x3bf: {  	v3 =	vld [tilespmem:$0x10];
	_ =	sdelay $0x4  }
0x3c0: {  	v61 =	vshll.u32 v3, $0x1  }
0x3c1: {  	v3 =	vand.u32 $0x7, v3;
	v4 =	vand.u32 $0xFFFFFFF0, v61  }
0x3c2: {  	v3 =	vor.u32 v3, v4  }
0x3c3: {  	v4 =	vperm.xlane v3, v0;
	_ =	sdelay $0x1  }
0x3c4: {  	v3 =	vperm.xlane v3, v2;
	v4 =	vadd.s32 v1, v4;
	_ =	sdelay $0x1  }
0x3c5: {  	v3 =	vadd.s32 v1, v3;
	_ =	sdelay $0x2  }
0x3c6: {  	[tilespmem:s30], [sflag:$0x1] =	stream.indirect_vreg.gather [hbm4b:s21+s18], $0x80, v4, vm0, $0xb8;
	[tilespmem:$0xA000] =	vst v63  }
0x3c7: {  	_ = 	snop  }
0x3c8: {  	[tilespmem:s31], [sflag:$0x1] =	stream.indirect_vreg.gather [hbm4b:s21+s18], $0x80, v3, vm0, $0xb8;
	[tilespmem:$0xA000] =	vst v63  }
0x3c9: {  	v3 =	vld [tilespmem:$0x20];
	_ =	sdelay $0x4  }
0x3ca: {  	v62 =	vshll.u32 v3, $0x1  }
0x3cb: {  	v3 =	vand.u32 $0x7, v3;
	v4 =	vand.u32 $0xFFFFFFF0, v62  }
0x3cc: {  	v3 =	vor.u32 v3, v4  }
0x3cd: {  	v4 =	vperm.xlane v3, v0;
	_ =	sdelay $0x1  }
0x3ce: {  	v3 =	vperm.xlane v3, v2;
	v4 =	vadd.s32 v1, v4;
	_ =	sdelay $0x1  }
0x3cf: {  	v3 =	vadd.s32 v1, v3;
	_ =	sdelay $0x2  }
0x3d0: {  	[tilespmem:s17], [sflag:$0x1] =	stream.indirect_vreg.gather [hbm4b:s21+s18], $0x80, v4, vm0, $0xb8;
	[tilespmem:$0xA000] =	vst v63  }
0x3d1: {  	_ = 	snop  }
0x3d2: {  	[tilespmem:s0], [sflag:$0x1] =	stream.indirect_vreg.gather [hbm4b:s21+s18], $0x80, v3, vm0, $0xb8;
	[tilespmem:$0xA000] =	vst v63  }
0x3d3: {  	v3 =	vld [tilespmem:$0x30];
	_ =	sdelay $0x4  }
0x3d4: {  	v63 =	vshll.u32 v3, $0x1  }
0x3d5: {  	v3 =	vand.u32 $0x7, v3;
	v4 =	vand.u32 $0xFFFFFFF0, v63  }
0x3d6: {  	v3 =	vor.u32 v3, v4  }
0x3d7: {  	v4 =	vperm.xlane v3, v0;
	_ =	sdelay $0x1  }
0x3d8: {  	v3 =	vperm.xlane v3, v2;
	v4 =	vadd.s32 v1, v4;
	_ =	sdelay $0x1  }
0x3d9: {  	v3 =	vadd.s32 v1, v3;
	_ =	sdelay $0x2  }
0x3da: {  	[tilespmem:s24], [sflag:$0x1] =	stream.indirect_vreg.gather [hbm4b:s21+s18], $0x80, v4, vm0, $0xb8;
	[tilespmem:$0xA000] =	vst v63  }
0x3db: {  	_ = 	snop  }
0x3dc: {  	[tilespmem:s25], [sflag:$0x1] =	stream.indirect_vreg.gather [hbm4b:s21+s18], $0x80, v3, vm0, $0xb8;
	[tilespmem:$0xA000] =	vst v63  }
0x3dd: {  	_ =	swait.ge [sflag:s11], $0x4000  }
0x3de: {  	[sflag:s11] =	ssyncset.done $0x0  }
0x3df: {  	[sflag:s11] =	ssyncadd.s32 $0xFFFFC000  }
0x3e0: {  	_ =	swait.ge [sflag:s11], $0x4000  }
0x3e1: {  	[sflag:s11] =	ssyncset.done $0x0  }
0x3e2: {  	[sflag:s11] =	ssyncadd.s32 $0xFFFFC000  }
0x3e3: {  	_ =	swait.ge [sflag:s11], $0x4000  }
0x3e4: {  	[sflag:s11] =	ssyncset.done $0x0  }
0x3e5: {  	[sflag:s11] =	ssyncadd.s32 $0xFFFFC000  }
0x3e6: {  	_ =	swait.ge [sflag:s11], $0x4000  }
0x3e7: {  	[sflag:s11] =	ssyncset.done $0x0  }
0x3e8: {  	[sflag:s11] =	ssyncadd.s32 $0xFFFFC000  }
0x3e9: {  	_ =	swait.ge [sflag:s11], $0x4000  }
0x3ea: {  	[sflag:s11] =	ssyncset.done $0x0  }
0x3eb: {  	[sflag:s11] =	ssyncadd.s32 $0xFFFFC000  }
0x3ec: {  	_ =	swait.ge [sflag:s11], $0x4000  }
0x3ed: {  	[sflag:s11] =	ssyncset.done $0x0  }
0x3ee: {  	[sflag:s11] =	ssyncadd.s32 $0xFFFFC000  }
0x3ef: {  	_ =	swait.ge [sflag:s11], $0x4000  }
0x3f0: {  	[sflag:s11] =	ssyncset.done $0x0  }
0x3f1: {  	[sflag:s11] =	ssyncadd.s32 $0xFFFFC000  }
0x3f2: {  	_ =	swait.ge [sflag:s11], $0x4000  }
0x3f3: {  	[sflag:s11] =	ssyncset.done $0x0  }
0x3f4: {  	[sflag:s11] =	ssyncadd.s32 $0xFFFFC000  }
0x3f5: {  	_ =	swait.ge [sflag:s11], $0x4000  }
0x3f6: {  	[sflag:s11] =	ssyncset.done $0x0  }
0x3f7: {  	[sflag:s11] =	ssyncadd.s32 $0xFFFFC000  }
0x3f8: {  	_ =	swait.ge [sflag:s11], $0x4000  }
0x3f9: {  	[sflag:s11] =	ssyncset.done $0x0  }
0x3fa: {  	[sflag:s11] =	ssyncadd.s32 $0xFFFFC000  }
0x3fb: {  	_ =	swait.ge [sflag:s11], $0x4000  }
0x3fc: {  	[sflag:s11] =	ssyncset.done $0x0  }
0x3fd: {  	[sflag:s11] =	ssyncadd.s32 $0xFFFFC000  }
0x3fe: {  	_ =	swait.ge [sflag:s11], $0x4000  }
0x3ff: {  	[sflag:s11] =	ssyncset.done $0x0  }
0x400: {  	[sflag:s11] =	ssyncadd.s32 $0xFFFFC000  }
0x401: {  	_ =	swait.ge [sflag:s11], $0x4000  }
0x402: {  	[sflag:s11] =	ssyncset.done $0x0  }
0x403: {  	[sflag:s11] =	ssyncadd.s32 $0xFFFFC000  }
0x404: {  	_ =	swait.ge [sflag:s11], $0x4000  }
0x405: {  	[sflag:s11] =	ssyncset.done $0x0  }
0x406: {  	[sflag:s11] =	ssyncadd.s32 $0xFFFFC000  }
0x407: {  	_ =	swait.ge [sflag:s11], $0x4000  }
0x408: {  	[sflag:s11] =	ssyncset.done $0x0  }
0x409: {  	[sflag:s11] =	ssyncadd.s32 $0xFFFFC000  }
0x40a: {  	_ =	swait.ge [sflag:s11], $0x4000  }
0x40b: {  	[sflag:s11] =	ssyncset.done $0x0  }
0x40c: {  	[sflag:s11] =	ssyncadd.s32 $0xFFFFC000  }
0x40d: {  	_ =	swait.ge [sflag:s11], $0x4000  }
0x40e: {  	[sflag:s11] =	ssyncset.done $0x0  }
0x40f: {  	[sflag:s11] =	ssyncadd.s32 $0xFFFFC000  }
0x410: {  	_ =	swait.ge [sflag:s11], $0x4000  }
0x411: {  	[sflag:s11] =	ssyncset.done $0x0  }
0x412: {  	[sflag:s11] =	ssyncadd.s32 $0xFFFFC000  }
0x413: {  	_ =	swait.ge [sflag:s11], $0x4000  }
0x414: {  	[sflag:s11] =	ssyncset.done $0x0  }
0x415: {  	[sflag:s11] =	ssyncadd.s32 $0xFFFFC000  }
0x416: {  	_ =	swait.ge [sflag:s11], $0x4000  }
0x417: {  	[sflag:s11] =	ssyncset.done $0x0  }
0x418: {  	[sflag:s11] =	ssyncadd.s32 $0xFFFFC000  }
0x419: {  	_ =	swait.ge [sflag:s11], $0x4000  }
0x41a: {  	[sflag:s11] =	ssyncset.done $0x0  }
0x41b: {  	[sflag:s11] =	ssyncadd.s32 $0xFFFFC000  }
0x41c: {  	_ =	swait.ge [sflag:s11], $0x4000  }
0x41d: {  	[sflag:s11] =	ssyncset.done $0x0  }
0x41e: {  	[sflag:s11] =	ssyncadd.s32 $0xFFFFC000  }
0x41f: {  	_ =	swait.ge [sflag:s11], $0x4000  }
0x420: {  	[sflag:s11] =	ssyncset.done $0x0  }
0x421: {  	[sflag:s11] =	ssyncadd.s32 $0xFFFFC000  }
0x422: {  	_ =	swait.ge [sflag:s11], $0x4000  }
0x423: {  	[sflag:s11] =	ssyncset.done $0x0  }
0x424: {  	[sflag:s11] =	ssyncadd.s32 $0xFFFFC000  }
0x425: {  	[hbm4b:s22+s18] =	stream.linear.scatter [tilespmem:s3], [sflag:$0x3], $0x4000, $0x38;
	[tilespmem:$0xA000] =	vst v63  }
0x426: {  	_ =	swait.ge [sflag:s28], $0x4000  }
0x427: {  	[sflag:s28] =	ssyncset.done $0x0  }
0x428: {  	[sflag:s28] =	ssyncadd.s32 $0xFFFFC000  }
0x429: {  	_ =	swait.ge [sflag:s12], $0x4000  }
0x42a: {  	[sflag:s12] =	ssyncset.done $0x0  }
0x42b: {  	[sflag:s12] =	ssyncadd.s32 $0xFFFFC000  }
.LBB2_12:
0x42c: {  	s16 =	sshra.s32 s18, $0x2  }
0x42d: {  	v3 =	vld [tilespmem:s16+$0x80];
	_ =	sdelay $0x4  }
0x42e: {  	v4 =	vshll.u32 v3, $0x1  }
0x42f: {  	v3 =	vand.u32 $0x7, v3;
	v4 =	vand.u32 $0xFFFFFFF0, v4  }
0x430: {  	v3 =	vor.u32 v3, v4  }
0x431: {  	v4 =	vperm.xlane v3, v0;
	_ =	sdelay $0x1  }
0x432: {  	v3 =	vperm.xlane v3, v2;
	v4 =	vadd.s32 v1, v4;
	_ =	sdelay $0x1  }
0x433: {  	v3 =	vadd.s32 v1, v3;
	_ =	sdelay $0x2  }
0x434: {  	[tilespmem:s13], [sflag:$0x1] =	stream.indirect_vreg.gather [hbm4b:s21+s1], $0x80, v4, vm0, $0xb8;
	[tilespmem:$0xA000] =	vst v63  }
0x435: {  	_ = 	snop  }
0x436: {  	[tilespmem:s29], [sflag:$0x1] =	stream.indirect_vreg.gather [hbm4b:s21+s1], $0x80, v3, vm0, $0xb8;
	[tilespmem:$0xA000] =	vst v63  }
0x437: {  	v3 =	vld [tilespmem:s16+$0x90];
	_ =	sdelay $0x4  }
0x438: {  	v61 =	vshll.u32 v3, $0x1  }
0x439: {  	v3 =	vand.u32 $0x7, v3;
	v4 =	vand.u32 $0xFFFFFFF0, v61  }
0x43a: {  	v3 =	vor.u32 v3, v4  }
0x43b: {  	v4 =	vperm.xlane v3, v0;
	_ =	sdelay $0x1  }
0x43c: {  	v3 =	vperm.xlane v3, v2;
	v4 =	vadd.s32 v1, v4;
	_ =	sdelay $0x1  }
0x43d: {  	v3 =	vadd.s32 v1, v3;
	_ =	sdelay $0x2  }
0x43e: {  	[tilespmem:s30], [sflag:$0x1] =	stream.indirect_vreg.gather [hbm4b:s21+s1], $0x80, v4, vm0, $0xb8;
	[tilespmem:$0xA000] =	vst v63  }
0x43f: {  	_ = 	snop  }
0x440: {  	[tilespmem:s31], [sflag:$0x1] =	stream.indirect_vreg.gather [hbm4b:s21+s1], $0x80, v3, vm0, $0xb8;
	[tilespmem:$0xA000] =	vst v63  }
0x441: {  	v3 =	vld [tilespmem:s16+$0xA0];
	_ =	sdelay $0x4  }
0x442: {  	v62 =	vshll.u32 v3, $0x1  }
0x443: {  	v3 =	vand.u32 $0x7, v3;
	v4 =	vand.u32 $0xFFFFFFF0, v62  }
0x444: {  	v3 =	vor.u32 v3, v4  }
0x445: {  	v4 =	vperm.xlane v3, v0;
	_ =	sdelay $0x1  }
0x446: {  	v3 =	vperm.xlane v3, v2;
	v4 =	vadd.s32 v1, v4;
	_ =	sdelay $0x1  }
0x447: {  	v3 =	vadd.s32 v1, v3;
	_ =	sdelay $0x2  }
0x448: {  	[tilespmem:s17], [sflag:$0x1] =	stream.indirect_vreg.gather [hbm4b:s21+s1], $0x80, v4, vm0, $0xb8;
	[tilespmem:$0xA000] =	vst v63  }
0x449: {  	_ = 	snop  }
0x44a: {  	[tilespmem:s0], [sflag:$0x1] =	stream.indirect_vreg.gather [hbm4b:s21+s1], $0x80, v3, vm0, $0xb8;
	[tilespmem:$0xA000] =	vst v63  }
0x44b: {  	v3 =	vld [tilespmem:s16+$0xB0];
	_ =	sdelay $0x4  }
0x44c: {  	v63 =	vshll.u32 v3, $0x1  }
0x44d: {  	v3 =	vand.u32 $0x7, v3;
	v4 =	vand.u32 $0xFFFFFFF0, v63  }
0x44e: {  	v3 =	vor.u32 v3, v4  }
0x44f: {  	v4 =	vperm.xlane v3, v0;
	_ =	sdelay $0x1  }
0x450: {  	v3 =	vperm.xlane v3, v2;
	v4 =	vadd.s32 v1, v4;
	_ =	sdelay $0x1  }
0x451: {  	p1 =	sne.s32 s18, $0x2E00;
	v3 =	vadd.s32 v1, v3  }
.Ltmp5:
0x452: {  	_ = 	snop;
	(pc) =	sbr.rel @p1 .LBB2_12-.Ltmp5, $4  }
0x453: {  	_ = 	snop  }
0x454: {  	[tilespmem:s24], [sflag:$0x1] =	stream.indirect_vreg.gather [hbm4b:s21+s1], $0x80, v4, vm0, $0xb8;
	[tilespmem:$0xA000] =	vst v63  }
0x455: {  	s18 =	sadd.s32 $0x200, s18  }
0x456: {  	[tilespmem:s25], [sflag:$0x1] =	stream.indirect_vreg.gather [hbm4b:s21+s1], $0x80, v3, vm0, $0xb8;
	[tilespmem:$0xA000] =	vst v63  }
0x457: {  	_ =	swait.ge [sflag:s12], $0x4000  }
0x458: {  	[sflag:s12] =	ssyncset.done $0x0  }
0x459: {  	[sflag:s12] =	ssyncadd.s32 $0xFFFFC000  }
0x45a: {  	_ =	swait.ge [sflag:s12], $0x4000  }
0x45b: {  	[sflag:s12] =	ssyncset.done $0x0  }
0x45c: {  	[sflag:s12] =	ssyncadd.s32 $0xFFFFC000  }
0x45d: {  	_ =	swait.ge [sflag:s12], $0x4000  }
0x45e: {  	[sflag:s12] =	ssyncset.done $0x0  }
0x45f: {  	[sflag:s12] =	ssyncadd.s32 $0xFFFFC000  }
0x460: {  	_ =	swait.ge [sflag:s12], $0x4000  }
0x461: {  	[sflag:s12] =	ssyncset.done $0x0  }
0x462: {  	[sflag:s12] =	ssyncadd.s32 $0xFFFFC000  }
0x463: {  	_ =	swait.ge [sflag:s12], $0x4000  }
0x464: {  	[sflag:s12] =	ssyncset.done $0x0  }
0x465: {  	[sflag:s12] =	ssyncadd.s32 $0xFFFFC000  }
0x466: {  	_ =	swait.ge [sflag:s12], $0x4000  }
0x467: {  	[sflag:s12] =	ssyncset.done $0x0  }
0x468: {  	[sflag:s12] =	ssyncadd.s32 $0xFFFFC000  }
0x469: {  	_ =	swait.ge [sflag:s12], $0x4000  }
0x46a: {  	[sflag:s12] =	ssyncset.done $0x0  }
0x46b: {  	[sflag:s12] =	ssyncadd.s32 $0xFFFFC000  }
0x46c: {  	_ =	swait.ge [sflag:s12], $0x4000  }
0x46d: {  	[sflag:s12] =	ssyncset.done $0x0  }
0x46e: {  	[sflag:s12] =	ssyncadd.s32 $0xFFFFC000  }
0x46f: {  	_ =	swait.ge [sflag:s12], $0x4000  }
0x470: {  	[sflag:s12] =	ssyncset.done $0x0  }
0x471: {  	[sflag:s12] =	ssyncadd.s32 $0xFFFFC000  }
0x472: {  	_ =	swait.ge [sflag:s12], $0x4000  }
0x473: {  	[sflag:s12] =	ssyncset.done $0x0  }
0x474: {  	[sflag:s12] =	ssyncadd.s32 $0xFFFFC000  }
0x475: {  	_ =	swait.ge [sflag:s12], $0x4000  }
0x476: {  	[sflag:s12] =	ssyncset.done $0x0  }
0x477: {  	[sflag:s12] =	ssyncadd.s32 $0xFFFFC000  }
0x478: {  	_ =	swait.ge [sflag:s12], $0x4000  }
0x479: {  	[sflag:s12] =	ssyncset.done $0x0  }
0x47a: {  	[sflag:s12] =	ssyncadd.s32 $0xFFFFC000  }
0x47b: {  	_ =	swait.ge [sflag:s12], $0x4000  }
0x47c: {  	[sflag:s12] =	ssyncset.done $0x0  }
0x47d: {  	[sflag:s12] =	ssyncadd.s32 $0xFFFFC000  }
0x47e: {  	_ =	swait.ge [sflag:s12], $0x4000  }
0x47f: {  	[sflag:s12] =	ssyncset.done $0x0  }
0x480: {  	[sflag:s12] =	ssyncadd.s32 $0xFFFFC000  }
0x481: {  	_ =	swait.ge [sflag:s12], $0x4000  }
0x482: {  	[sflag:s12] =	ssyncset.done $0x0  }
0x483: {  	[sflag:s12] =	ssyncadd.s32 $0xFFFFC000  }
0x484: {  	_ =	swait.ge [sflag:s12], $0x4000  }
0x485: {  	[sflag:s12] =	ssyncset.done $0x0  }
0x486: {  	[sflag:s12] =	ssyncadd.s32 $0xFFFFC000  }
0x487: {  	_ =	swait.ge [sflag:s12], $0x4000  }
0x488: {  	[sflag:s12] =	ssyncset.done $0x0  }
0x489: {  	[sflag:s12] =	ssyncadd.s32 $0xFFFFC000  }
0x48a: {  	_ =	swait.ge [sflag:s12], $0x4000  }
0x48b: {  	[sflag:s12] =	ssyncset.done $0x0  }
0x48c: {  	[sflag:s12] =	ssyncadd.s32 $0xFFFFC000  }
0x48d: {  	_ =	swait.ge [sflag:s12], $0x4000  }
0x48e: {  	[sflag:s12] =	ssyncset.done $0x0  }
0x48f: {  	[sflag:s12] =	ssyncadd.s32 $0xFFFFC000  }
0x490: {  	_ =	swait.ge [sflag:s12], $0x4000  }
0x491: {  	[sflag:s12] =	ssyncset.done $0x0  }
0x492: {  	[sflag:s12] =	ssyncadd.s32 $0xFFFFC000  }
0x493: {  	_ =	swait.ge [sflag:s12], $0x4000  }
0x494: {  	[sflag:s12] =	ssyncset.done $0x0  }
0x495: {  	[sflag:s12] =	ssyncadd.s32 $0xFFFFC000  }
0x496: {  	_ =	swait.ge [sflag:s12], $0x4000  }
0x497: {  	[sflag:s12] =	ssyncset.done $0x0  }
0x498: {  	[sflag:s12] =	ssyncadd.s32 $0xFFFFC000  }
0x499: {  	_ =	swait.ge [sflag:s12], $0x4000  }
0x49a: {  	[sflag:s12] =	ssyncset.done $0x0  }
0x49b: {  	[sflag:s12] =	ssyncadd.s32 $0xFFFFC000  }
0x49c: {  	s15 =	sadd.s32 $0x1, s15;
	_ =	swait.ge [sflag:s12], $0x4000  }
0x49d: {  	p1 =	sne.s32 s15, s26;
	[sflag:s12] =	ssyncset.done $0x0  }
.Ltmp6:
0x49e: {  	[sflag:s12] =	ssyncadd.s32 $0xFFFFC000;
	(pc) =	sbr.rel @p1 .LBB2_1-.Ltmp6, $4  }
0x49f: {  	[hbm4b:s23+s1] =	stream.linear.scatter [tilespmem:s13], [sflag:$0x3], $0x4000, $0x38;
	[tilespmem:$0xA000] =	vst v63  }
0x4a0: {  	_ =	swait.ge [sflag:s28], $0x4000  }
0x4a1: {  	[sflag:s28] =	ssyncset.done $0x0  }
0x4a2: {  	[sflag:s28] =	ssyncadd.s32 $0xFFFFC000  }
0x4a3: {  	_ =	sfence.sel $0x180000  }
0x4a4: {  	[bflag:$0x0] =	sbarrier.arrive $0xFFFF  }
0x4a5: {  	_ =	strace $0x90000047  }
0x4a6: {  	s0 =	stileid.u32;
	[bflag:$0x2] =	sbarrier.arrive $0xFFFF  }
0x4a7: {  	p0 =	sne.s32 s0, $0x0;
	s0 =	rddreg [dreg:$0x3]  }
0x4a8: {  	s0 =	sadd.s32 @!p0 $0x100000, s0  }
0x4a9: {  	[sflag:s0] =	ssyncadd.tile.s32 @!p0 $0x1;
	_ =	shalt  }
.Lfunc_end2:
_tile_overlayer_lowered:
.L_overlay_start_2:
0x4aa: {  	(tag) =	ssettag $0x2  }
0x4ab: {  	s0 =	rddreg [dreg:$0x0];
	s2 =	stileid.u32  }
0x4ac: {  	s1 =	rddreg [dreg:$0x1];
	p0 =	sne.s32 s2, $0x0  }
0x4ad: {  	s3 =	rddreg [dreg:$0x2];
	[bflag:$0x3] =	sbarrier.arrive $0xFFFF;
	s2 =	simm.s32 @!p0 $0x1C03  }
0x4ae: {  	[timem:s3], [sflag:s2] =	dma.local @!p0 [hbm:s0], s1  }
0x4af: {  	s0 =	simm.s32 @!p0 $0x3  }
0x4b0: {  	_ =	swait.ge @!p0 [sflag:s0], s1  }
0x4b1: {  	s1 =	ssub.s32 @!p0 $0x0, s1;
	[sflag:s0] =	ssyncset.done @!p0 $0x0  }
0x4b2: {  	[sflag:s0] =	ssyncadd.s32 @!p0 s1  }
0x4b3: {  	[bflag:$0x3] =	sbarrier.arrive $0xFFFF  }
0x4b4: {  	_ =	shalt  }

</sc_bundles>
